<compile_context>
chip_gen: v7x
topology: tpu7x:2x2x1
jax: 0.10.2.dev20260603
libtpu: 0.0.44.dev20260713+nightly
codegen_flags: <defaults>
</compile_context>

<pallas_src>
import functools

import jax
import jax.numpy as jnp
from jax import lax
from jax.experimental import pallas as pl
from jax.experimental.pallas import tpu as pltpu
from jax.experimental.pallas import tpu_sc as plsc

N = 1_000_000
L = 16
NC = 2
NS = 16
NW = NC * NS
NCH = 8
CV = 248
CVE = CV * L
VPW = CV * NCH
CPW = VPW * L
UNROLL = 8

_DNUMS = lax.GatherDimensionNumbers(
    offset_dims=(), collapsed_slice_dims=(0,), start_index_map=(0,)
)


def _gather16(table, idx):
    return lax.gather(
        table,
        idx[:, None],
        _DNUMS,
        slice_sizes=(1,),
        mode=lax.GatherScatterMode.PROMISE_IN_BOUNDS,
    )


def _make_kernel():
    mesh = plsc.VectorSubcoreMesh(core_axis_name="c", subcore_axis_name="s")

    @functools.partial(
        pl.kernel,
        mesh=mesh,
        out_type=jax.ShapeDtypeStruct((N,), jnp.float32),
        scratch_types=[
            pltpu.VMEM((CPW,), jnp.float32),
            pltpu.VMEM((CPW,), jnp.int32),
            pltpu.VMEM((CPW,), jnp.float32),
            pltpu.VMEM((L,), jnp.float32),
            pltpu.VMEM((L,), jnp.float32),
        ]
        + [pltpu.SemaphoreType.DMA] * (NCH + 2),
    )
    def k(x_hbm, sp_hbm, scale_hbm, shift_hbm, out_hbm, x_v, sp_v, o_v, tscale, tshift, *sems):
        in_sems = sems[:NCH]
        tab_sem = sems[NCH]
        out_sem = sems[NCH + 1]
        wid = lax.axis_index("s") * NC + lax.axis_index("c")
        base = jnp.minimum(wid * CPW, N - CPW)

        pltpu.async_copy(scale_hbm, tscale, tab_sem)
        pltpu.async_copy(shift_hbm, tshift, tab_sem)
        for g in range(NCH):
            sl = pl.ds(base + g * CVE, CVE)
            vl = pl.ds(g * CVE, CVE)
            pltpu.async_copy(x_hbm.at[sl], x_v.at[vl], in_sems[g])
            pltpu.async_copy(sp_hbm.at[sl], sp_v.at[vl], in_sems[g])

        pltpu.make_async_copy(scale_hbm, tscale, tab_sem).wait()
        pltpu.make_async_copy(shift_hbm, tshift, tab_sem).wait()
        scale_vec = tscale[...]
        shift_vec = tshift[...]

        def emit_out(g):
            sl = pl.ds(base + g * CVE, CVE)
            vl = pl.ds(g * CVE, CVE)
            pltpu.async_copy(o_v.at[vl], out_hbm.at[sl], out_sem)

        for g in range(NCH):
            sl = pl.ds(base + g * CVE, CVE)
            vl = pl.ds(g * CVE, CVE)
            pltpu.make_async_copy(x_hbm.at[sl], x_v.at[vl], in_sems[g]).wait()
            pltpu.make_async_copy(sp_hbm.at[sl], sp_v.at[vl], in_sems[g]).wait()

            def inner(j, c, g=g):
                for u in range(UNROLL):
                    vsl = pl.ds((g * CV + j * UNROLL + u) * L, L)
                    idx = sp_v[vsl]
                    xs = x_v[vsl]
                    o_v[vsl] = (
                        _gather16(scale_vec, idx) * xs + _gather16(shift_vec, idx)
                    )
                return c

            lax.fori_loop(0, CV // UNROLL, inner, 0)
            if g >= 1:
                emit_out(g - 1)

        plsc.subcore_barrier()
        emit_out(NCH - 1)

        for g in range(NCH):
            sl = pl.ds(base + g * CVE, CVE)
            vl = pl.ds(g * CVE, CVE)
            pltpu.make_async_copy(o_v.at[vl], out_hbm.at[sl], out_sem).wait()

    return k


_scale_shift = _make_kernel()


def kernel(x, species, scale_params, shift_params):
    return _scale_shift(x, species, scale_params, shift_params)

# --- scband reference (transcript-rebuilt; emitter-appended) ---
"""Pipeline reference for scband-scale-shift-layer-10144712753179 (READ-ONLY COPY).

The authoritative reference and input builder live on the scoring server;
editing this copy changes nothing except your own understanding.
"""

import jax, jax.numpy as jnp
import numpy as np

N_ATOMS = 1000000
N_SPECIES = 16

SHIFT = np.array([-3.2, -1.5, 0.0, 2.1, -0.7, 4.3, -2.8, 1.9, 0.5, -5.1, 3.4, -0.3, 2.7, -4.6, 1.2, -1.9], dtype=np.float32)
SCALE = np.array([1.0, 0.8, 1.2, 0.95, 1.1, 0.75, 1.3, 0.9, 1.05, 0.85, 1.15, 0.7, 1.25, 0.92, 1.08, 0.88], dtype=np.float32)


def setup_inputs(seed: int = 0) -> dict:
    key = jax.random.key(seed)
    k1, k2 = jax.random.split(key)
    x = jax.random.normal(k1, (N_ATOMS,), dtype=jnp.float32)
    species = jax.random.randint(k2, (N_ATOMS,), 0, N_SPECIES, dtype=jnp.int32)
    scale_params = jnp.asarray(SCALE)
    shift_params = jnp.asarray(SHIFT)
    return {"x": x, "species": species, "scale_params": scale_params, "shift_params": shift_params}


def reference(x, species, scale_params, shift_params):
    # ScaleShiftLayer.forward: per-atom gather of scale/shift by species index,
    # then elementwise affine transform of predicted atomic energies.
    scale_species = jnp.take(scale_params, species, axis=0)
    shift_species = jnp.take(shift_params, species, axis=0)
    return scale_species * x + shift_species

if __name__ == "__main__":
    import jax
    _d = setup_inputs()
    print(jax.jit(kernel)(*tuple(_d.values())))

</pallas_src>

<mosaic_0001>
#map = affine_map<(d0, d1) -> (0)>
module attributes {stable_mosaic.version = 14 : i64} {
  func.func @k(%arg0: i32, %arg1: i32, %arg2: memref<1000000xf32, #tpu.memory_space<hbm>>, %arg3: memref<1000000xi32, #tpu.memory_space<hbm>>, %arg4: memref<16xf32, #tpu.memory_space<hbm>>, %arg5: memref<16xf32, #tpu.memory_space<hbm>>, %arg6: memref<1000000xf32, #tpu.memory_space<hbm>>, %arg7: memref<31744xf32, #tpu.memory_space<vmem>>, %arg8: memref<31744xi32, #tpu.memory_space<vmem>>, %arg9: memref<31744xf32, #tpu.memory_space<vmem>>, %arg10: memref<16xf32, #tpu.memory_space<vmem>>, %arg11: memref<16xf32, #tpu.memory_space<vmem>>, %arg12: memref<!tpu.dma_semaphore, #tpu.memory_space<semaphore_mem>>, %arg13: memref<!tpu.dma_semaphore, #tpu.memory_space<semaphore_mem>>, %arg14: memref<!tpu.dma_semaphore, #tpu.memory_space<semaphore_mem>>, %arg15: memref<!tpu.dma_semaphore, #tpu.memory_space<semaphore_mem>>, %arg16: memref<!tpu.dma_semaphore, #tpu.memory_space<semaphore_mem>>, %arg17: memref<!tpu.dma_semaphore, #tpu.memory_space<semaphore_mem>>, %arg18: memref<!tpu.dma_semaphore, #tpu.memory_space<semaphore_mem>>, %arg19: memref<!tpu.dma_semaphore, #tpu.memory_space<semaphore_mem>>, %arg20: memref<!tpu.dma_semaphore, #tpu.memory_space<semaphore_mem>>, %arg21: memref<!tpu.dma_semaphore, #tpu.memory_space<semaphore_mem>>) attributes {dimension_semantics = [#tpu.dimension_semantics<core_parallel>, #tpu.dimension_semantics<subcore_parallel>], iteration_bounds = array<i64: 2, 16>, scalar_prefetch = 0 : i64, scratch_operands = 15 : i64, tpu.core_type = #tpu.core_type<sc_vector_subcore>, window_params = [{transform_indices = #map}, {transform_indices = #map}, {transform_indices = #map}, {transform_indices = #map}, {transform_indices = #map}]} {
    %mul3A = arith.constant 2 : i32
    %mul3A_0 = arith.muli %arg1, %mul3A : i32
    %add3A = arith.addi %mul3A_0, %arg0 : i32
    %mul3A_1 = arith.constant 31744 : i32
    %mul3A_2 = arith.muli %add3A, %mul3A_1 : i32
    %min3A = arith.constant 968256 : i32
    %min3A_3 = arith.minsi %mul3A_2, %min3A : i32
    tpu.enqueue_dma source(%arg4 : memref<16xf32, #tpu.memory_space<hbm>>) target(%arg10 : memref<16xf32, #tpu.memory_space<vmem>>) target_semaphore(%arg20 : memref<!tpu.dma_semaphore, #tpu.memory_space<semaphore_mem>>)
    tpu.enqueue_dma source(%arg5 : memref<16xf32, #tpu.memory_space<hbm>>) target(%arg11 : memref<16xf32, #tpu.memory_space<vmem>>) target_semaphore(%arg20 : memref<!tpu.dma_semaphore, #tpu.memory_space<semaphore_mem>>)
    %add3A_4 = arith.constant 0 : i32
    %add3A_5 = arith.addi %min3A_3, %add3A_4 : i32
    %dma_start3A = arith.constant 0 : i32
    %dma_start3A_6 = tpu.memref_slice %arg7[%dma_start3A] : memref<31744xf32, #tpu.memory_space<vmem>> -> memref<3968xf32, #tpu.memory_space<vmem>>
    %dma_start3A_7 = tpu.memref_slice %arg2[%add3A_5] : memref<1000000xf32, #tpu.memory_space<hbm>> -> memref<3968xf32, #tpu.memory_space<hbm>>
    %dma_start3A_8 = arith.constant 0 : i32
    %dma_start3A_9 = tpu.memref_slice %arg7[%dma_start3A_8] : memref<31744xf32, #tpu.memory_space<vmem>> -> memref<3968xf32, #tpu.memory_space<vmem>>
    %dma_start3A_10 = tpu.memref_slice %arg2[%add3A_5] : memref<1000000xf32, #tpu.memory_space<hbm>> -> memref<3968xf32, #tpu.memory_space<hbm>>
    tpu.enqueue_dma source(%dma_start3A_10 : memref<3968xf32, #tpu.memory_space<hbm>>) target(%dma_start3A_9 : memref<3968xf32, #tpu.memory_space<vmem>>) target_semaphore(%arg12 : memref<!tpu.dma_semaphore, #tpu.memory_space<semaphore_mem>>)
    %dma_start3A_11 = arith.constant 0 : i32
    %dma_start3A_12 = tpu.memref_slice %arg8[%dma_start3A_11] : memref<31744xi32, #tpu.memory_space<vmem>> -> memref<3968xi32, #tpu.memory_space<vmem>>
    %dma_start3A_13 = tpu.memref_slice %arg3[%add3A_5] : memref<1000000xi32, #tpu.memory_space<hbm>> -> memref<3968xi32, #tpu.memory_space<hbm>>
    %dma_start3A_14 = arith.constant 0 : i32
    %dma_start3A_15 = tpu.memref_slice %arg8[%dma_start3A_14] : memref<31744xi32, #tpu.memory_space<vmem>> -> memref<3968xi32, #tpu.memory_space<vmem>>
    %dma_start3A_16 = tpu.memref_slice %arg3[%add3A_5] : memref<1000000xi32, #tpu.memory_space<hbm>> -> memref<3968xi32, #tpu.memory_space<hbm>>
    tpu.enqueue_dma source(%dma_start3A_16 : memref<3968xi32, #tpu.memory_space<hbm>>) target(%dma_start3A_15 : memref<3968xi32, #tpu.memory_space<vmem>>) target_semaphore(%arg12 : memref<!tpu.dma_semaphore, #tpu.memory_space<semaphore_mem>>)
    %add3A_17 = arith.constant 3968 : i32
    %add3A_18 = arith.addi %min3A_3, %add3A_17 : i32
    %dma_start3A_19 = arith.constant 3968 : i32
    %dma_start3A_20 = tpu.memref_slice %arg7[%dma_start3A_19] : memref<31744xf32, #tpu.memory_space<vmem>> -> memref<3968xf32, #tpu.memory_space<vmem>>
    %dma_start3A_21 = tpu.memref_slice %arg2[%add3A_18] : memref<1000000xf32, #tpu.memory_space<hbm>> -> memref<3968xf32, #tpu.memory_space<hbm>>
    %dma_start3A_22 = arith.constant 3968 : i32
    %dma_start3A_23 = tpu.memref_slice %arg7[%dma_start3A_22] : memref<31744xf32, #tpu.memory_space<vmem>> -> memref<3968xf32, #tpu.memory_space<vmem>>
    %dma_start3A_24 = tpu.memref_slice %arg2[%add3A_18] : memref<1000000xf32, #tpu.memory_space<hbm>> -> memref<3968xf32, #tpu.memory_space<hbm>>
    tpu.enqueue_dma source(%dma_start3A_24 : memref<3968xf32, #tpu.memory_space<hbm>>) target(%dma_start3A_23 : memref<3968xf32, #tpu.memory_space<vmem>>) target_semaphore(%arg13 : memref<!tpu.dma_semaphore, #tpu.memory_space<semaphore_mem>>)
    %dma_start3A_25 = arith.constant 3968 : i32
    %dma_start3A_26 = tpu.memref_slice %arg8[%dma_start3A_25] : memref<31744xi32, #tpu.memory_space<vmem>> -> memref<3968xi32, #tpu.memory_space<vmem>>
    %dma_start3A_27 = tpu.memref_slice %arg3[%add3A_18] : memref<1000000xi32, #tpu.memory_space<hbm>> -> memref<3968xi32, #tpu.memory_space<hbm>>
    %dma_start3A_28 = arith.constant 3968 : i32
    %dma_start3A_29 = tpu.memref_slice %arg8[%dma_start3A_28] : memref<31744xi32, #tpu.memory_space<vmem>> -> memref<3968xi32, #tpu.memory_space<vmem>>
    %dma_start3A_30 = tpu.memref_slice %arg3[%add3A_18] : memref<1000000xi32, #tpu.memory_space<hbm>> -> memref<3968xi32, #tpu.memory_space<hbm>>
    tpu.enqueue_dma source(%dma_start3A_30 : memref<3968xi32, #tpu.memory_space<hbm>>) target(%dma_start3A_29 : memref<3968xi32, #tpu.memory_space<vmem>>) target_semaphore(%arg13 : memref<!tpu.dma_semaphore, #tpu.memory_space<semaphore_mem>>)
    %add3A_31 = arith.constant 7936 : i32
    %add3A_32 = arith.addi %min3A_3, %add3A_31 : i32
    %dma_start3A_33 = arith.constant 7936 : i32
    %dma_start3A_34 = tpu.memref_slice %arg7[%dma_start3A_33] : memref<31744xf32, #tpu.memory_space<vmem>> -> memref<3968xf32, #tpu.memory_space<vmem>>
    %dma_start3A_35 = tpu.memref_slice %arg2[%add3A_32] : memref<1000000xf32, #tpu.memory_space<hbm>> -> memref<3968xf32, #tpu.memory_space<hbm>>
    %dma_start3A_36 = arith.constant 7936 : i32
    %dma_start3A_37 = tpu.memref_slice %arg7[%dma_start3A_36] : memref<31744xf32, #tpu.memory_space<vmem>> -> memref<3968xf32, #tpu.memory_space<vmem>>
    %dma_start3A_38 = tpu.memref_slice %arg2[%add3A_32] : memref<1000000xf32, #tpu.memory_space<hbm>> -> memref<3968xf32, #tpu.memory_space<hbm>>
    tpu.enqueue_dma source(%dma_start3A_38 : memref<3968xf32, #tpu.memory_space<hbm>>) target(%dma_start3A_37 : memref<3968xf32, #tpu.memory_space<vmem>>) target_semaphore(%arg14 : memref<!tpu.dma_semaphore, #tpu.memory_space<semaphore_mem>>)
    %dma_start3A_39 = arith.constant 7936 : i32
    %dma_start3A_40 = tpu.memref_slice %arg8[%dma_start3A_39] : memref<31744xi32, #tpu.memory_space<vmem>> -> memref<3968xi32, #tpu.memory_space<vmem>>
    %dma_start3A_41 = tpu.memref_slice %arg3[%add3A_32] : memref<1000000xi32, #tpu.memory_space<hbm>> -> memref<3968xi32, #tpu.memory_space<hbm>>
    %dma_start3A_42 = arith.constant 7936 : i32
    %dma_start3A_43 = tpu.memref_slice %arg8[%dma_start3A_42] : memref<31744xi32, #tpu.memory_space<vmem>> -> memref<3968xi32, #tpu.memory_space<vmem>>
    %dma_start3A_44 = tpu.memref_slice %arg3[%add3A_32] : memref<1000000xi32, #tpu.memory_space<hbm>> -> memref<3968xi32, #tpu.memory_space<hbm>>
    tpu.enqueue_dma source(%dma_start3A_44 : memref<3968xi32, #tpu.memory_space<hbm>>) target(%dma_start3A_43 : memref<3968xi32, #tpu.memory_space<vmem>>) target_semaphore(%arg14 : memref<!tpu.dma_semaphore, #tpu.memory_space<semaphore_mem>>)
    %add3A_45 = arith.constant 11904 : i32
    %add3A_46 = arith.addi %min3A_3, %add3A_45 : i32
    %dma_start3A_47 = arith.constant 11904 : i32
    %dma_start3A_48 = tpu.memref_slice %arg7[%dma_start3A_47] : memref<31744xf32, #tpu.memory_space<vmem>> -> memref<3968xf32, #tpu.memory_space<vmem>>
    %dma_start3A_49 = tpu.memref_slice %arg2[%add3A_46] : memref<1000000xf32, #tpu.memory_space<hbm>> -> memref<3968xf32, #tpu.memory_space<hbm>>
    %dma_start3A_50 = arith.constant 11904 : i32
    %dma_start3A_51 = tpu.memref_slice %arg7[%dma_start3A_50] : memref<31744xf32, #tpu.memory_space<vmem>> -> memref<3968xf32, #tpu.memory_space<vmem>>
    %dma_start3A_52 = tpu.memref_slice %arg2[%add3A_46] : memref<1000000xf32, #tpu.memory_space<hbm>> -> memref<3968xf32, #tpu.memory_space<hbm>>
    tpu.enqueue_dma source(%dma_start3A_52 : memref<3968xf32, #tpu.memory_space<hbm>>) target(%dma_start3A_51 : memref<3968xf32, #tpu.memory_space<vmem>>) target_semaphore(%arg15 : memref<!tpu.dma_semaphore, #tpu.memory_space<semaphore_mem>>)
    %dma_start3A_53 = arith.constant 11904 : i32
    %dma_start3A_54 = tpu.memref_slice %arg8[%dma_start3A_53] : memref<31744xi32, #tpu.memory_space<vmem>> -> memref<3968xi32, #tpu.memory_space<vmem>>
    %dma_start3A_55 = tpu.memref_slice %arg3[%add3A_46] : memref<1000000xi32, #tpu.memory_space<hbm>> -> memref<3968xi32, #tpu.memory_space<hbm>>
    %dma_start3A_56 = arith.constant 11904 : i32
    %dma_start3A_57 = tpu.memref_slice %arg8[%dma_start3A_56] : memref<31744xi32, #tpu.memory_space<vmem>> -> memref<3968xi32, #tpu.memory_space<vmem>>
    %dma_start3A_58 = tpu.memref_slice %arg3[%add3A_46] : memref<1000000xi32, #tpu.memory_space<hbm>> -> memref<3968xi32, #tpu.memory_space<hbm>>
    tpu.enqueue_dma source(%dma_start3A_58 : memref<3968xi32, #tpu.memory_space<hbm>>) target(%dma_start3A_57 : memref<3968xi32, #tpu.memory_space<vmem>>) target_semaphore(%arg15 : memref<!tpu.dma_semaphore, #tpu.memory_space<semaphore_mem>>)
    %add3A_59 = arith.constant 15872 : i32
    %add3A_60 = arith.addi %min3A_3, %add3A_59 : i32
    %dma_start3A_61 = arith.constant 15872 : i32
    %dma_start3A_62 = tpu.memref_slice %arg7[%dma_start3A_61] : memref<31744xf32, #tpu.memory_space<vmem>> -> memref<3968xf32, #tpu.memory_space<vmem>>
    %dma_start3A_63 = tpu.memref_slice %arg2[%add3A_60] : memref<1000000xf32, #tpu.memory_space<hbm>> -> memref<3968xf32, #tpu.memory_space<hbm>>
    %dma_start3A_64 = arith.constant 15872 : i32
    %dma_start3A_65 = tpu.memref_slice %arg7[%dma_start3A_64] : memref<31744xf32, #tpu.memory_space<vmem>> -> memref<3968xf32, #tpu.memory_space<vmem>>
    %dma_start3A_66 = tpu.memref_slice %arg2[%add3A_60] : memref<1000000xf32, #tpu.memory_space<hbm>> -> memref<3968xf32, #tpu.memory_space<hbm>>
    tpu.enqueue_dma source(%dma_start3A_66 : memref<3968xf32, #tpu.memory_space<hbm>>) target(%dma_start3A_65 : memref<3968xf32, #tpu.memory_space<vmem>>) target_semaphore(%arg16 : memref<!tpu.dma_semaphore, #tpu.memory_space<semaphore_mem>>)
    %dma_start3A_67 = arith.constant 15872 : i32
    %dma_start3A_68 = tpu.memref_slice %arg8[%dma_start3A_67] : memref<31744xi32, #tpu.memory_space<vmem>> -> memref<3968xi32, #tpu.memory_space<vmem>>
    %dma_start3A_69 = tpu.memref_slice %arg3[%add3A_60] : memref<1000000xi32, #tpu.memory_space<hbm>> -> memref<3968xi32, #tpu.memory_space<hbm>>
    %dma_start3A_70 = arith.constant 15872 : i32
    %dma_start3A_71 = tpu.memref_slice %arg8[%dma_start3A_70] : memref<31744xi32, #tpu.memory_space<vmem>> -> memref<3968xi32, #tpu.memory_space<vmem>>
    %dma_start3A_72 = tpu.memref_slice %arg3[%add3A_60] : memref<1000000xi32, #tpu.memory_space<hbm>> -> memref<3968xi32, #tpu.memory_space<hbm>>
    tpu.enqueue_dma source(%dma_start3A_72 : memref<3968xi32, #tpu.memory_space<hbm>>) target(%dma_start3A_71 : memref<3968xi32, #tpu.memory_space<vmem>>) target_semaphore(%arg16 : memref<!tpu.dma_semaphore, #tpu.memory_space<semaphore_mem>>)
    %add3A_73 = arith.constant 19840 : i32
    %add3A_74 = arith.addi %min3A_3, %add3A_73 : i32
    %dma_start3A_75 = arith.constant 19840 : i32
    %dma_start3A_76 = tpu.memref_slice %arg7[%dma_start3A_75] : memref<31744xf32, #tpu.memory_space<vmem>> -> memref<3968xf32, #tpu.memory_space<vmem>>
    %dma_start3A_77 = tpu.memref_slice %arg2[%add3A_74] : memref<1000000xf32, #tpu.memory_space<hbm>> -> memref<3968xf32, #tpu.memory_space<hbm>>
    %dma_start3A_78 = arith.constant 19840 : i32
    %dma_start3A_79 = tpu.memref_slice %arg7[%dma_start3A_78] : memref<31744xf32, #tpu.memory_space<vmem>> -> memref<3968xf32, #tpu.memory_space<vmem>>
    %dma_start3A_80 = tpu.memref_slice %arg2[%add3A_74] : memref<1000000xf32, #tpu.memory_space<hbm>> -> memref<3968xf32, #tpu.memory_space<hbm>>
    tpu.enqueue_dma source(%dma_start3A_80 : memref<3968xf32, #tpu.memory_space<hbm>>) target(%dma_start3A_79 : memref<3968xf32, #tpu.memory_space<vmem>>) target_semaphore(%arg17 : memref<!tpu.dma_semaphore, #tpu.memory_space<semaphore_mem>>)
    %dma_start3A_81 = arith.constant 19840 : i32
    %dma_start3A_82 = tpu.memref_slice %arg8[%dma_start3A_81] : memref<31744xi32, #tpu.memory_space<vmem>> -> memref<3968xi32, #tpu.memory_space<vmem>>
    %dma_start3A_83 = tpu.memref_slice %arg3[%add3A_74] : memref<1000000xi32, #tpu.memory_space<hbm>> -> memref<3968xi32, #tpu.memory_space<hbm>>
    %dma_start3A_84 = arith.constant 19840 : i32
    %dma_start3A_85 = tpu.memref_slice %arg8[%dma_start3A_84] : memref<31744xi32, #tpu.memory_space<vmem>> -> memref<3968xi32, #tpu.memory_space<vmem>>
    %dma_start3A_86 = tpu.memref_slice %arg3[%add3A_74] : memref<1000000xi32, #tpu.memory_space<hbm>> -> memref<3968xi32, #tpu.memory_space<hbm>>
    tpu.enqueue_dma source(%dma_start3A_86 : memref<3968xi32, #tpu.memory_space<hbm>>) target(%dma_start3A_85 : memref<3968xi32, #tpu.memory_space<vmem>>) target_semaphore(%arg17 : memref<!tpu.dma_semaphore, #tpu.memory_space<semaphore_mem>>)
    %add3A_87 = arith.constant 23808 : i32
    %add3A_88 = arith.addi %min3A_3, %add3A_87 : i32
    %dma_start3A_89 = arith.constant 23808 : i32
    %dma_start3A_90 = tpu.memref_slice %arg7[%dma_start3A_89] : memref<31744xf32, #tpu.memory_space<vmem>> -> memref<3968xf32, #tpu.memory_space<vmem>>
    %dma_start3A_91 = tpu.memref_slice %arg2[%add3A_88] : memref<1000000xf32, #tpu.memory_space<hbm>> -> memref<3968xf32, #tpu.memory_space<hbm>>
    %dma_start3A_92 = arith.constant 23808 : i32
    %dma_start3A_93 = tpu.memref_slice %arg7[%dma_start3A_92] : memref<31744xf32, #tpu.memory_space<vmem>> -> memref<3968xf32, #tpu.memory_space<vmem>>
    %dma_start3A_94 = tpu.memref_slice %arg2[%add3A_88] : memref<1000000xf32, #tpu.memory_space<hbm>> -> memref<3968xf32, #tpu.memory_space<hbm>>
    tpu.enqueue_dma source(%dma_start3A_94 : memref<3968xf32, #tpu.memory_space<hbm>>) target(%dma_start3A_93 : memref<3968xf32, #tpu.memory_space<vmem>>) target_semaphore(%arg18 : memref<!tpu.dma_semaphore, #tpu.memory_space<semaphore_mem>>)
    %dma_start3A_95 = arith.constant 23808 : i32
    %dma_start3A_96 = tpu.memref_slice %arg8[%dma_start3A_95] : memref<31744xi32, #tpu.memory_space<vmem>> -> memref<3968xi32, #tpu.memory_space<vmem>>
    %dma_start3A_97 = tpu.memref_slice %arg3[%add3A_88] : memref<1000000xi32, #tpu.memory_space<hbm>> -> memref<3968xi32, #tpu.memory_space<hbm>>
    %dma_start3A_98 = arith.constant 23808 : i32
    %dma_start3A_99 = tpu.memref_slice %arg8[%dma_start3A_98] : memref<31744xi32, #tpu.memory_space<vmem>> -> memref<3968xi32, #tpu.memory_space<vmem>>
    %dma_start3A_100 = tpu.memref_slice %arg3[%add3A_88] : memref<1000000xi32, #tpu.memory_space<hbm>> -> memref<3968xi32, #tpu.memory_space<hbm>>
    tpu.enqueue_dma source(%dma_start3A_100 : memref<3968xi32, #tpu.memory_space<hbm>>) target(%dma_start3A_99 : memref<3968xi32, #tpu.memory_space<vmem>>) target_semaphore(%arg18 : memref<!tpu.dma_semaphore, #tpu.memory_space<semaphore_mem>>)
    %add3A_101 = arith.constant 27776 : i32
    %add3A_102 = arith.addi %min3A_3, %add3A_101 : i32
    %dma_start3A_103 = arith.constant 27776 : i32
    %dma_start3A_104 = tpu.memref_slice %arg7[%dma_start3A_103] : memref<31744xf32, #tpu.memory_space<vmem>> -> memref<3968xf32, #tpu.memory_space<vmem>>
    %dma_start3A_105 = tpu.memref_slice %arg2[%add3A_102] : memref<1000000xf32, #tpu.memory_space<hbm>> -> memref<3968xf32, #tpu.memory_space<hbm>>
    %dma_start3A_106 = arith.constant 27776 : i32
    %dma_start3A_107 = tpu.memref_slice %arg7[%dma_start3A_106] : memref<31744xf32, #tpu.memory_space<vmem>> -> memref<3968xf32, #tpu.memory_space<vmem>>
    %dma_start3A_108 = tpu.memref_slice %arg2[%add3A_102] : memref<1000000xf32, #tpu.memory_space<hbm>> -> memref<3968xf32, #tpu.memory_space<hbm>>
    tpu.enqueue_dma source(%dma_start3A_108 : memref<3968xf32, #tpu.memory_space<hbm>>) target(%dma_start3A_107 : memref<3968xf32, #tpu.memory_space<vmem>>) target_semaphore(%arg19 : memref<!tpu.dma_semaphore, #tpu.memory_space<semaphore_mem>>)
    %dma_start3A_109 = arith.constant 27776 : i32
    %dma_start3A_110 = tpu.memref_slice %arg8[%dma_start3A_109] : memref<31744xi32, #tpu.memory_space<vmem>> -> memref<3968xi32, #tpu.memory_space<vmem>>
    %dma_start3A_111 = tpu.memref_slice %arg3[%add3A_102] : memref<1000000xi32, #tpu.memory_space<hbm>> -> memref<3968xi32, #tpu.memory_space<hbm>>
    %dma_start3A_112 = arith.constant 27776 : i32
    %dma_start3A_113 = tpu.memref_slice %arg8[%dma_start3A_112] : memref<31744xi32, #tpu.memory_space<vmem>> -> memref<3968xi32, #tpu.memory_space<vmem>>
    %dma_start3A_114 = tpu.memref_slice %arg3[%add3A_102] : memref<1000000xi32, #tpu.memory_space<hbm>> -> memref<3968xi32, #tpu.memory_space<hbm>>
    tpu.enqueue_dma source(%dma_start3A_114 : memref<3968xi32, #tpu.memory_space<hbm>>) target(%dma_start3A_113 : memref<3968xi32, #tpu.memory_space<vmem>>) target_semaphore(%arg19 : memref<!tpu.dma_semaphore, #tpu.memory_space<semaphore_mem>>)
    tpu.wait_dma2 semaphore(%arg20 : memref<!tpu.dma_semaphore, #tpu.memory_space<semaphore_mem>>) src(%arg4 : memref<16xf32, #tpu.memory_space<hbm>>) dst(%arg10 : memref<16xf32, #tpu.memory_space<vmem>>)
    tpu.wait_dma2 semaphore(%arg20 : memref<!tpu.dma_semaphore, #tpu.memory_space<semaphore_mem>>) src(%arg5 : memref<16xf32, #tpu.memory_space<hbm>>) dst(%arg11 : memref<16xf32, #tpu.memory_space<vmem>>)
    %get3A = arith.constant 0 : index
    %get3A_115 = tpu.vector_load %arg10[%get3A] {strides = array<i32>} : memref<16xf32, #tpu.memory_space<vmem>>, vector<16xf32>,
    %get3A_116 = vector.shape_cast %get3A_115 : vector<16xf32> to vector<16xf32>
    %get3A_117 = arith.constant 0 : index
    %get3A_118 = tpu.vector_load %arg11[%get3A_117] {strides = array<i32>} : memref<16xf32, #tpu.memory_space<vmem>>, vector<16xf32>,
    %get3A_119 = vector.shape_cast %get3A_118 : vector<16xf32> to vector<16xf32>
    %add3A_120 = arith.constant 0 : i32
    %add3A_121 = arith.addi %min3A_3, %add3A_120 : i32
    %dma_wait3A = arith.constant 0 : i32
    %dma_wait3A_122 = tpu.memref_slice %arg7[%dma_wait3A] : memref<31744xf32, #tpu.memory_space<vmem>> -> memref<3968xf32, #tpu.memory_space<vmem>>
    %dma_wait3A_123 = tpu.memref_slice %arg2[%add3A_121] : memref<1000000xf32, #tpu.memory_space<hbm>> -> memref<3968xf32, #tpu.memory_space<hbm>>
    %dma_wait3A_124 = arith.constant 0 : i32
    %dma_wait3A_125 = tpu.memref_slice %arg7[%dma_wait3A_124] : memref<31744xf32, #tpu.memory_space<vmem>> -> memref<3968xf32, #tpu.memory_space<vmem>>
    %dma_wait3A_126 = tpu.memref_slice %arg2[%add3A_121] : memref<1000000xf32, #tpu.memory_space<hbm>> -> memref<3968xf32, #tpu.memory_space<hbm>>
    tpu.wait_dma2 semaphore(%arg12 : memref<!tpu.dma_semaphore, #tpu.memory_space<semaphore_mem>>) src(%dma_wait3A_126 : memref<3968xf32, #tpu.memory_space<hbm>>) dst(%dma_wait3A_125 : memref<3968xf32, #tpu.memory_space<vmem>>)
    %dma_wait3A_127 = arith.constant 0 : i32
    %dma_wait3A_128 = tpu.memref_slice %arg8[%dma_wait3A_127] : memref<31744xi32, #tpu.memory_space<vmem>> -> memref<3968xi32, #tpu.memory_space<vmem>>
    %dma_wait3A_129 = tpu.memref_slice %arg3[%add3A_121] : memref<1000000xi32, #tpu.memory_space<hbm>> -> memref<3968xi32, #tpu.memory_space<hbm>>
    %dma_wait3A_130 = arith.constant 0 : i32
    %dma_wait3A_131 = tpu.memref_slice %arg8[%dma_wait3A_130] : memref<31744xi32, #tpu.memory_space<vmem>> -> memref<3968xi32, #tpu.memory_space<vmem>>
    %dma_wait3A_132 = tpu.memref_slice %arg3[%add3A_121] : memref<1000000xi32, #tpu.memory_space<hbm>> -> memref<3968xi32, #tpu.memory_space<hbm>>
    tpu.wait_dma2 semaphore(%arg12 : memref<!tpu.dma_semaphore, #tpu.memory_space<semaphore_mem>>) src(%dma_wait3A_132 : memref<3968xi32, #tpu.memory_space<hbm>>) dst(%dma_wait3A_131 : memref<3968xi32, #tpu.memory_space<vmem>>)
    %scan3A = arith.constant 0 : i32
    %scan3A_133 = arith.constant 0 : i32
    %scan3A_134 = arith.constant 31 : i32
    %scan3A_135 = arith.addi %scan3A_133, %scan3A_134 : i32
    %scan3A_136 = arith.constant 1 : i32
    scf.for %scan3A_406 = %scan3A_133 to %scan3A_135 step %scan3A_136  : i32 {
      %mul3A_407 = arith.constant 8 : i32
      %mul3A_408 = arith.muli %scan3A_406, %mul3A_407 : i32
      %add3A_409 = arith.constant 0 : i32
      %add3A_410 = arith.addi %add3A_409, %mul3A_408 : i32
      %add3A_411 = arith.constant 0 : i32
      %add3A_412 = arith.addi %add3A_410, %add3A_411 : i32
      %mul3A_413 = arith.constant 16 : i32
      %mul3A_414 = arith.muli %add3A_412, %mul3A_413 : i32
      %get3A_415 = arith.index_cast %mul3A_414 : i32 to index
      %get3A_416 = tpu.vector_load %arg8[%get3A_415] {strides = array<i32>} : memref<31744xi32, #tpu.memory_space<vmem>>, vector<16xi32>,
      %get3A_417 = vector.shape_cast %get3A_416 : vector<16xi32> to vector<16xi32>
      %get3A_418 = arith.index_cast %mul3A_414 : i32 to index
      %get3A_419 = tpu.vector_load %arg7[%get3A_418] {strides = array<i32>} : memref<31744xf32, #tpu.memory_space<vmem>>, vector<16xf32>,
      %get3A_420 = vector.shape_cast %get3A_419 : vector<16xf32> to vector<16xf32>
      %broadcast_in_dim3A = vector.shape_cast %get3A_417 : vector<16xi32> to vector<16x1xi32>
      %gather3A = vector.shape_cast %broadcast_in_dim3A : vector<16x1xi32> to vector<16xi32>
      %gather3A_421 = tpu.dynamic_gather %get3A_116[%gather3A] in [0] : vector<16xf32>, vector<16xi32> -> vector<16xf32>
      %mul3A_422 = arith.mulf %gather3A_421, %get3A_420 : vector<16xf32>
      %broadcast_in_dim3A_423 = vector.shape_cast %get3A_417 : vector<16xi32> to vector<16x1xi32>
      %gather3A_424 = vector.shape_cast %broadcast_in_dim3A_423 : vector<16x1xi32> to vector<16xi32>
      %gather3A_425 = tpu.dynamic_gather %get3A_119[%gather3A_424] in [0] : vector<16xf32>, vector<16xi32> -> vector<16xf32>
      %add3A_426 = arith.addf %mul3A_422, %gather3A_425 : vector<16xf32>
      %swap3A = arith.index_cast %mul3A_414 : i32 to index
      %swap3A_427 = tpu.vector_load %arg9[%swap3A] {strides = array<i32>} : memref<31744xf32, #tpu.memory_space<vmem>>, vector<16xf32>,
      %swap3A_428 = vector.shape_cast %swap3A_427 : vector<16xf32> to vector<16xf32>
      %swap3A_429 = vector.shape_cast %add3A_426 : vector<16xf32> to vector<16xf32>
      tpu.vector_store %arg9[%swap3A], %swap3A_429 {strides = array<i32>} : memref<31744xf32, #tpu.memory_space<vmem>>, vector<16xf32>,
      %mul3A_430 = arith.constant 8 : i32
      %mul3A_431 = arith.muli %scan3A_406, %mul3A_430 : i32
      %add3A_432 = arith.constant 0 : i32
      %add3A_433 = arith.addi %add3A_432, %mul3A_431 : i32
      %add3A_434 = arith.constant 1 : i32
      %add3A_435 = arith.addi %add3A_433, %add3A_434 : i32
      %mul3A_436 = arith.constant 16 : i32
      %mul3A_437 = arith.muli %add3A_435, %mul3A_436 : i32
      %get3A_438 = arith.index_cast %mul3A_437 : i32 to index
      %get3A_439 = tpu.vector_load %arg8[%get3A_438] {strides = array<i32>} : memref<31744xi32, #tpu.memory_space<vmem>>, vector<16xi32>,
      %get3A_440 = vector.shape_cast %get3A_439 : vector<16xi32> to vector<16xi32>
      %get3A_441 = arith.index_cast %mul3A_437 : i32 to index
      %get3A_442 = tpu.vector_load %arg7[%get3A_441] {strides = array<i32>} : memref<31744xf32, #tpu.memory_space<vmem>>, vector<16xf32>,
      %get3A_443 = vector.shape_cast %get3A_442 : vector<16xf32> to vector<16xf32>
      %broadcast_in_dim3A_444 = vector.shape_cast %get3A_440 : vector<16xi32> to vector<16x1xi32>
      %gather3A_445 = vector.shape_cast %broadcast_in_dim3A_444 : vector<16x1xi32> to vector<16xi32>
      %gather3A_446 = tpu.dynamic_gather %get3A_116[%gather3A_445] in [0] : vector<16xf32>, vector<16xi32> -> vector<16xf32>
      %mul3A_447 = arith.mulf %gather3A_446, %get3A_443 : vector<16xf32>
      %broadcast_in_dim3A_448 = vector.shape_cast %get3A_440 : vector<16xi32> to vector<16x1xi32>
      %gather3A_449 = vector.shape_cast %broadcast_in_dim3A_448 : vector<16x1xi32> to vector<16xi32>
      %gather3A_450 = tpu.dynamic_gather %get3A_119[%gather3A_449] in [0] : vector<16xf32>, vector<16xi32> -> vector<16xf32>
      %add3A_451 = arith.addf %mul3A_447, %gather3A_450 : vector<16xf32>
      %swap3A_452 = arith.index_cast %mul3A_437 : i32 to index
      %swap3A_453 = tpu.vector_load %arg9[%swap3A_452] {strides = array<i32>} : memref<31744xf32, #tpu.memory_space<vmem>>, vector<16xf32>,
      %swap3A_454 = vector.shape_cast %swap3A_453 : vector<16xf32> to vector<16xf32>
      %swap3A_455 = vector.shape_cast %add3A_451 : vector<16xf32> to vector<16xf32>
      tpu.vector_store %arg9[%swap3A_452], %swap3A_455 {strides = array<i32>} : memref<31744xf32, #tpu.memory_space<vmem>>, vector<16xf32>,
      %mul3A_456 = arith.constant 8 : i32
      %mul3A_457 = arith.muli %scan3A_406, %mul3A_456 : i32
      %add3A_458 = arith.constant 0 : i32
      %add3A_459 = arith.addi %add3A_458, %mul3A_457 : i32
      %add3A_460 = arith.constant 2 : i32
      %add3A_461 = arith.addi %add3A_459, %add3A_460 : i32
      %mul3A_462 = arith.constant 16 : i32
      %mul3A_463 = arith.muli %add3A_461, %mul3A_462 : i32
      %get3A_464 = arith.index_cast %mul3A_463 : i32 to index
      %get3A_465 = tpu.vector_load %arg8[%get3A_464] {strides = array<i32>} : memref<31744xi32, #tpu.memory_space<vmem>>, vector<16xi32>,
      %get3A_466 = vector.shape_cast %get3A_465 : vector<16xi32> to vector<16xi32>
      %get3A_467 = arith.index_cast %mul3A_463 : i32 to index
      %get3A_468 = tpu.vector_load %arg7[%get3A_467] {strides = array<i32>} : memref<31744xf32, #tpu.memory_space<vmem>>, vector<16xf32>,
      %get3A_469 = vector.shape_cast %get3A_468 : vector<16xf32> to vector<16xf32>
      %broadcast_in_dim3A_470 = vector.shape_cast %get3A_466 : vector<16xi32> to vector<16x1xi32>
      %gather3A_471 = vector.shape_cast %broadcast_in_dim3A_470 : vector<16x1xi32> to vector<16xi32>
      %gather3A_472 = tpu.dynamic_gather %get3A_116[%gather3A_471] in [0] : vector<16xf32>, vector<16xi32> -> vector<16xf32>
      %mul3A_473 = arith.mulf %gather3A_472, %get3A_469 : vector<16xf32>
      %broadcast_in_dim3A_474 = vector.shape_cast %get3A_466 : vector<16xi32> to vector<16x1xi32>
      %gather3A_475 = vector.shape_cast %broadcast_in_dim3A_474 : vector<16x1xi32> to vector<16xi32>
      %gather3A_476 = tpu.dynamic_gather %get3A_119[%gather3A_475] in [0] : vector<16xf32>, vector<16xi32> -> vector<16xf32>
      %add3A_477 = arith.addf %mul3A_473, %gather3A_476 : vector<16xf32>
      %swap3A_478 = arith.index_cast %mul3A_463 : i32 to index
      %swap3A_479 = tpu.vector_load %arg9[%swap3A_478] {strides = array<i32>} : memref<31744xf32, #tpu.memory_space<vmem>>, vector<16xf32>,
      %swap3A_480 = vector.shape_cast %swap3A_479 : vector<16xf32> to vector<16xf32>
      %swap3A_481 = vector.shape_cast %add3A_477 : vector<16xf32> to vector<16xf32>
      tpu.vector_store %arg9[%swap3A_478], %swap3A_481 {strides = array<i32>} : memref<31744xf32, #tpu.memory_space<vmem>>, vector<16xf32>,
      %mul3A_482 = arith.constant 8 : i32
      %mul3A_483 = arith.muli %scan3A_406, %mul3A_482 : i32
      %add3A_484 = arith.constant 0 : i32
      %add3A_485 = arith.addi %add3A_484, %mul3A_483 : i32
      %add3A_486 = arith.constant 3 : i32
      %add3A_487 = arith.addi %add3A_485, %add3A_486 : i32
      %mul3A_488 = arith.constant 16 : i32
      %mul3A_489 = arith.muli %add3A_487, %mul3A_488 : i32
      %get3A_490 = arith.index_cast %mul3A_489 : i32 to index
      %get3A_491 = tpu.vector_load %arg8[%get3A_490] {strides = array<i32>} : memref<31744xi32, #tpu.memory_space<vmem>>, vector<16xi32>,
      %get3A_492 = vector.shape_cast %get3A_491 : vector<16xi32> to vector<16xi32>
      %get3A_493 = arith.index_cast %mul3A_489 : i32 to index
      %get3A_494 = tpu.vector_load %arg7[%get3A_493] {strides = array<i32>} : memref<31744xf32, #tpu.memory_space<vmem>>, vector<16xf32>,
      %get3A_495 = vector.shape_cast %get3A_494 : vector<16xf32> to vector<16xf32>
      %broadcast_in_dim3A_496 = vector.shape_cast %get3A_492 : vector<16xi32> to vector<16x1xi32>
      %gather3A_497 = vector.shape_cast %broadcast_in_dim3A_496 : vector<16x1xi32> to vector<16xi32>
      %gather3A_498 = tpu.dynamic_gather %get3A_116[%gather3A_497] in [0] : vector<16xf32>, vector<16xi32> -> vector<16xf32>
      %mul3A_499 = arith.mulf %gather3A_498, %get3A_495 : vector<16xf32>
      %broadcast_in_dim3A_500 = vector.shape_cast %get3A_492 : vector<16xi32> to vector<16x1xi32>
      %gather3A_501 = vector.shape_cast %broadcast_in_dim3A_500 : vector<16x1xi32> to vector<16xi32>
      %gather3A_502 = tpu.dynamic_gather %get3A_119[%gather3A_501] in [0] : vector<16xf32>, vector<16xi32> -> vector<16xf32>
      %add3A_503 = arith.addf %mul3A_499, %gather3A_502 : vector<16xf32>
      %swap3A_504 = arith.index_cast %mul3A_489 : i32 to index
      %swap3A_505 = tpu.vector_load %arg9[%swap3A_504] {strides = array<i32>} : memref<31744xf32, #tpu.memory_space<vmem>>, vector<16xf32>,
      %swap3A_506 = vector.shape_cast %swap3A_505 : vector<16xf32> to vector<16xf32>
      %swap3A_507 = vector.shape_cast %add3A_503 : vector<16xf32> to vector<16xf32>
      tpu.vector_store %arg9[%swap3A_504], %swap3A_507 {strides = array<i32>} : memref<31744xf32, #tpu.memory_space<vmem>>, vector<16xf32>,
      %mul3A_508 = arith.constant 8 : i32
      %mul3A_509 = arith.muli %scan3A_406, %mul3A_508 : i32
      %add3A_510 = arith.constant 0 : i32
      %add3A_511 = arith.addi %add3A_510, %mul3A_509 : i32
      %add3A_512 = arith.constant 4 : i32
      %add3A_513 = arith.addi %add3A_511, %add3A_512 : i32
      %mul3A_514 = arith.constant 16 : i32
      %mul3A_515 = arith.muli %add3A_513, %mul3A_514 : i32
      %get3A_516 = arith.index_cast %mul3A_515 : i32 to index
      %get3A_517 = tpu.vector_load %arg8[%get3A_516] {strides = array<i32>} : memref<31744xi32, #tpu.memory_space<vmem>>, vector<16xi32>,
      %get3A_518 = vector.shape_cast %get3A_517 : vector<16xi32> to vector<16xi32>
      %get3A_519 = arith.index_cast %mul3A_515 : i32 to index
      %get3A_520 = tpu.vector_load %arg7[%get3A_519] {strides = array<i32>} : memref<31744xf32, #tpu.memory_space<vmem>>, vector<16xf32>,
      %get3A_521 = vector.shape_cast %get3A_520 : vector<16xf32> to vector<16xf32>
      %broadcast_in_dim3A_522 = vector.shape_cast %get3A_518 : vector<16xi32> to vector<16x1xi32>
      %gather3A_523 = vector.shape_cast %broadcast_in_dim3A_522 : vector<16x1xi32> to vector<16xi32>
      %gather3A_524 = tpu.dynamic_gather %get3A_116[%gather3A_523] in [0] : vector<16xf32>, vector<16xi32> -> vector<16xf32>
      %mul3A_525 = arith.mulf %gather3A_524, %get3A_521 : vector<16xf32>
      %broadcast_in_dim3A_526 = vector.shape_cast %get3A_518 : vector<16xi32> to vector<16x1xi32>
      %gather3A_527 = vector.shape_cast %broadcast_in_dim3A_526 : vector<16x1xi32> to vector<16xi32>
      %gather3A_528 = tpu.dynamic_gather %get3A_119[%gather3A_527] in [0] : vector<16xf32>, vector<16xi32> -> vector<16xf32>
      %add3A_529 = arith.addf %mul3A_525, %gather3A_528 : vector<16xf32>
      %swap3A_530 = arith.index_cast %mul3A_515 : i32 to index
      %swap3A_531 = tpu.vector_load %arg9[%swap3A_530] {strides = array<i32>} : memref<31744xf32, #tpu.memory_space<vmem>>, vector<16xf32>,
      %swap3A_532 = vector.shape_cast %swap3A_531 : vector<16xf32> to vector<16xf32>
      %swap3A_533 = vector.shape_cast %add3A_529 : vector<16xf32> to vector<16xf32>
      tpu.vector_store %arg9[%swap3A_530], %swap3A_533 {strides = array<i32>} : memref<31744xf32, #tpu.memory_space<vmem>>, vector<16xf32>,
      %mul3A_534 = arith.constant 8 : i32
      %mul3A_535 = arith.muli %scan3A_406, %mul3A_534 : i32
      %add3A_536 = arith.constant 0 : i32
      %add3A_537 = arith.addi %add3A_536, %mul3A_535 : i32
      %add3A_538 = arith.constant 5 : i32
      %add3A_539 = arith.addi %add3A_537, %add3A_538 : i32
      %mul3A_540 = arith.constant 16 : i32
      %mul3A_541 = arith.muli %add3A_539, %mul3A_540 : i32
      %get3A_542 = arith.index_cast %mul3A_541 : i32 to index
      %get3A_543 = tpu.vector_load %arg8[%get3A_542] {strides = array<i32>} : memref<31744xi32, #tpu.memory_space<vmem>>, vector<16xi32>,
      %get3A_544 = vector.shape_cast %get3A_543 : vector<16xi32> to vector<16xi32>
      %get3A_545 = arith.index_cast %mul3A_541 : i32 to index
      %get3A_546 = tpu.vector_load %arg7[%get3A_545] {strides = array<i32>} : memref<31744xf32, #tpu.memory_space<vmem>>, vector<16xf32>,
      %get3A_547 = vector.shape_cast %get3A_546 : vector<16xf32> to vector<16xf32>
      %broadcast_in_dim3A_548 = vector.shape_cast %get3A_544 : vector<16xi32> to vector<16x1xi32>
      %gather3A_549 = vector.shape_cast %broadcast_in_dim3A_548 : vector<16x1xi32> to vector<16xi32>
      %gather3A_550 = tpu.dynamic_gather %get3A_116[%gather3A_549] in [0] : vector<16xf32>, vector<16xi32> -> vector<16xf32>
      %mul3A_551 = arith.mulf %gather3A_550, %get3A_547 : vector<16xf32>
      %broadcast_in_dim3A_552 = vector.shape_cast %get3A_544 : vector<16xi32> to vector<16x1xi32>
      %gather3A_553 = vector.shape_cast %broadcast_in_dim3A_552 : vector<16x1xi32> to vector<16xi32>
      %gather3A_554 = tpu.dynamic_gather %get3A_119[%gather3A_553] in [0] : vector<16xf32>, vector<16xi32> -> vector<16xf32>
      %add3A_555 = arith.addf %mul3A_551, %gather3A_554 : vector<16xf32>
      %swap3A_556 = arith.index_cast %mul3A_541 : i32 to index
      %swap3A_557 = tpu.vector_load %arg9[%swap3A_556] {strides = array<i32>} : memref<31744xf32, #tpu.memory_space<vmem>>, vector<16xf32>,
      %swap3A_558 = vector.shape_cast %swap3A_557 : vector<16xf32> to vector<16xf32>
      %swap3A_559 = vector.shape_cast %add3A_555 : vector<16xf32> to vector<16xf32>
      tpu.vector_store %arg9[%swap3A_556], %swap3A_559 {strides = array<i32>} : memref<31744xf32, #tpu.memory_space<vmem>>, vector<16xf32>,
      %mul3A_560 = arith.constant 8 : i32
      %mul3A_561 = arith.muli %scan3A_406, %mul3A_560 : i32
      %add3A_562 = arith.constant 0 : i32
      %add3A_563 = arith.addi %add3A_562, %mul3A_561 : i32
      %add3A_564 = arith.constant 6 : i32
      %add3A_565 = arith.addi %add3A_563, %add3A_564 : i32
      %mul3A_566 = arith.constant 16 : i32
      %mul3A_567 = arith.muli %add3A_565, %mul3A_566 : i32
      %get3A_568 = arith.index_cast %mul3A_567 : i32 to index
      %get3A_569 = tpu.vector_load %arg8[%get3A_568] {strides = array<i32>} : memref<31744xi32, #tpu.memory_space<vmem>>, vector<16xi32>,
      %get3A_570 = vector.shape_cast %get3A_569 : vector<16xi32> to vector<16xi32>
      %get3A_571 = arith.index_cast %mul3A_567 : i32 to index
      %get3A_572 = tpu.vector_load %arg7[%get3A_571] {strides = array<i32>} : memref<31744xf32, #tpu.memory_space<vmem>>, vector<16xf32>,
      %get3A_573 = vector.shape_cast %get3A_572 : vector<16xf32> to vector<16xf32>
      %broadcast_in_dim3A_574 = vector.shape_cast %get3A_570 : vector<16xi32> to vector<16x1xi32>
      %gather3A_575 = vector.shape_cast %broadcast_in_dim3A_574 : vector<16x1xi32> to vector<16xi32>
      %gather3A_576 = tpu.dynamic_gather %get3A_116[%gather3A_575] in [0] : vector<16xf32>, vector<16xi32> -> vector<16xf32>
      %mul3A_577 = arith.mulf %gather3A_576, %get3A_573 : vector<16xf32>
      %broadcast_in_dim3A_578 = vector.shape_cast %get3A_570 : vector<16xi32> to vector<16x1xi32>
      %gather3A_579 = vector.shape_cast %broadcast_in_dim3A_578 : vector<16x1xi32> to vector<16xi32>
      %gather3A_580 = tpu.dynamic_gather %get3A_119[%gather3A_579] in [0] : vector<16xf32>, vector<16xi32> -> vector<16xf32>
      %add3A_581 = arith.addf %mul3A_577, %gather3A_580 : vector<16xf32>
      %swap3A_582 = arith.index_cast %mul3A_567 : i32 to index
      %swap3A_583 = tpu.vector_load %arg9[%swap3A_582] {strides = array<i32>} : memref<31744xf32, #tpu.memory_space<vmem>>, vector<16xf32>,
      %swap3A_584 = vector.shape_cast %swap3A_583 : vector<16xf32> to vector<16xf32>
      %swap3A_585 = vector.shape_cast %add3A_581 : vector<16xf32> to vector<16xf32>
      tpu.vector_store %arg9[%swap3A_582], %swap3A_585 {strides = array<i32>} : memref<31744xf32, #tpu.memory_space<vmem>>, vector<16xf32>,
      %mul3A_586 = arith.constant 8 : i32
      %mul3A_587 = arith.muli %scan3A_406, %mul3A_586 : i32
      %add3A_588 = arith.constant 0 : i32
      %add3A_589 = arith.addi %add3A_588, %mul3A_587 : i32
      %add3A_590 = arith.constant 7 : i32
      %add3A_591 = arith.addi %add3A_589, %add3A_590 : i32
      %mul3A_592 = arith.constant 16 : i32
      %mul3A_593 = arith.muli %add3A_591, %mul3A_592 : i32
      %get3A_594 = arith.index_cast %mul3A_593 : i32 to index
      %get3A_595 = tpu.vector_load %arg8[%get3A_594] {strides = array<i32>} : memref<31744xi32, #tpu.memory_space<vmem>>, vector<16xi32>,
      %get3A_596 = vector.shape_cast %get3A_595 : vector<16xi32> to vector<16xi32>
      %get3A_597 = arith.index_cast %mul3A_593 : i32 to index
      %get3A_598 = tpu.vector_load %arg7[%get3A_597] {strides = array<i32>} : memref<31744xf32, #tpu.memory_space<vmem>>, vector<16xf32>,
      %get3A_599 = vector.shape_cast %get3A_598 : vector<16xf32> to vector<16xf32>
      %broadcast_in_dim3A_600 = vector.shape_cast %get3A_596 : vector<16xi32> to vector<16x1xi32>
      %gather3A_601 = vector.shape_cast %broadcast_in_dim3A_600 : vector<16x1xi32> to vector<16xi32>
      %gather3A_602 = tpu.dynamic_gather %get3A_116[%gather3A_601] in [0] : vector<16xf32>, vector<16xi32> -> vector<16xf32>
      %mul3A_603 = arith.mulf %gather3A_602, %get3A_599 : vector<16xf32>
      %broadcast_in_dim3A_604 = vector.shape_cast %get3A_596 : vector<16xi32> to vector<16x1xi32>
      %gather3A_605 = vector.shape_cast %broadcast_in_dim3A_604 : vector<16x1xi32> to vector<16xi32>
      %gather3A_606 = tpu.dynamic_gather %get3A_119[%gather3A_605] in [0] : vector<16xf32>, vector<16xi32> -> vector<16xf32>
      %add3A_607 = arith.addf %mul3A_603, %gather3A_606 : vector<16xf32>
      %swap3A_608 = arith.index_cast %mul3A_593 : i32 to index
      %swap3A_609 = tpu.vector_load %arg9[%swap3A_608] {strides = array<i32>} : memref<31744xf32, #tpu.memory_space<vmem>>, vector<16xf32>,
      %swap3A_610 = vector.shape_cast %swap3A_609 : vector<16xf32> to vector<16xf32>
      %swap3A_611 = vector.shape_cast %add3A_607 : vector<16xf32> to vector<16xf32>
      tpu.vector_store %arg9[%swap3A_608], %swap3A_611 {strides = array<i32>} : memref<31744xf32, #tpu.memory_space<vmem>>, vector<16xf32>,
    }
    %scan3A_137 = arith.constant 31 : i32
    %add3A_138 = arith.constant 3968 : i32
    %add3A_139 = arith.addi %min3A_3, %add3A_138 : i32
    %dma_wait3A_140 = arith.constant 3968 : i32
    %dma_wait3A_141 = tpu.memref_slice %arg7[%dma_wait3A_140] : memref<31744xf32, #tpu.memory_space<vmem>> -> memref<3968xf32, #tpu.memory_space<vmem>>
    %dma_wait3A_142 = tpu.memref_slice %arg2[%add3A_139] : memref<1000000xf32, #tpu.memory_space<hbm>> -> memref<3968xf32, #tpu.memory_space<hbm>>
    %dma_wait3A_143 = arith.constant 3968 : i32
    %dma_wait3A_144 = tpu.memref_slice %arg7[%dma_wait3A_143] : memref<31744xf32, #tpu.memory_space<vmem>> -> memref<3968xf32, #tpu.memory_space<vmem>>
    %dma_wait3A_145 = tpu.memref_slice %arg2[%add3A_139] : memref<1000000xf32, #tpu.memory_space<hbm>> -> memref<3968xf32, #tpu.memory_space<hbm>>
    tpu.wait_dma2 semaphore(%arg13 : memref<!tpu.dma_semaphore, #tpu.memory_space<semaphore_mem>>) src(%dma_wait3A_145 : memref<3968xf32, #tpu.memory_space<hbm>>) dst(%dma_wait3A_144 : memref<3968xf32, #tpu.memory_space<vmem>>)
    %dma_wait3A_146 = arith.constant 3968 : i32
    %dma_wait3A_147 = tpu.memref_slice %arg8[%dma_wait3A_146] : memref<31744xi32, #tpu.memory_space<vmem>> -> memref<3968xi32, #tpu.memory_space<vmem>>
    %dma_wait3A_148 = tpu.memref_slice %arg3[%add3A_139] : memref<1000000xi32, #tpu.memory_space<hbm>> -> memref<3968xi32, #tpu.memory_space<hbm>>
    %dma_wait3A_149 = arith.constant 3968 : i32
    %dma_wait3A_150 = tpu.memref_slice %arg8[%dma_wait3A_149] : memref<31744xi32, #tpu.memory_space<vmem>> -> memref<3968xi32, #tpu.memory_space<vmem>>
    %dma_wait3A_151 = tpu.memref_slice %arg3[%add3A_139] : memref<1000000xi32, #tpu.memory_space<hbm>> -> memref<3968xi32, #tpu.memory_space<hbm>>
    tpu.wait_dma2 semaphore(%arg13 : memref<!tpu.dma_semaphore, #tpu.memory_space<semaphore_mem>>) src(%dma_wait3A_151 : memref<3968xi32, #tpu.memory_space<hbm>>) dst(%dma_wait3A_150 : memref<3968xi32, #tpu.memory_space<vmem>>)
    %scan3A_152 = arith.constant 0 : i32
    %scan3A_153 = arith.constant 0 : i32
    %scan3A_154 = arith.constant 31 : i32
    %scan3A_155 = arith.addi %scan3A_153, %scan3A_154 : i32
    %scan3A_156 = arith.constant 1 : i32
    scf.for %scan3A_406 = %scan3A_153 to %scan3A_155 step %scan3A_156  : i32 {
      %mul3A_407 = arith.constant 8 : i32
      %mul3A_408 = arith.muli %scan3A_406, %mul3A_407 : i32
      %add3A_409 = arith.constant 248 : i32
      %add3A_410 = arith.addi %add3A_409, %mul3A_408 : i32
      %add3A_411 = arith.constant 0 : i32
      %add3A_412 = arith.addi %add3A_410, %add3A_411 : i32
      %mul3A_413 = arith.constant 16 : i32
      %mul3A_414 = arith.muli %add3A_412, %mul3A_413 : i32
      %get3A_415 = arith.index_cast %mul3A_414 : i32 to index
      %get3A_416 = tpu.vector_load %arg8[%get3A_415] {strides = array<i32>} : memref<31744xi32, #tpu.memory_space<vmem>>, vector<16xi32>,
      %get3A_417 = vector.shape_cast %get3A_416 : vector<16xi32> to vector<16xi32>
      %get3A_418 = arith.index_cast %mul3A_414 : i32 to index
      %get3A_419 = tpu.vector_load %arg7[%get3A_418] {strides = array<i32>} : memref<31744xf32, #tpu.memory_space<vmem>>, vector<16xf32>,
      %get3A_420 = vector.shape_cast %get3A_419 : vector<16xf32> to vector<16xf32>
      %broadcast_in_dim3A = vector.shape_cast %get3A_417 : vector<16xi32> to vector<16x1xi32>
      %gather3A = vector.shape_cast %broadcast_in_dim3A : vector<16x1xi32> to vector<16xi32>
      %gather3A_421 = tpu.dynamic_gather %get3A_116[%gather3A] in [0] : vector<16xf32>, vector<16xi32> -> vector<16xf32>
      %mul3A_422 = arith.mulf %gather3A_421, %get3A_420 : vector<16xf32>
      %broadcast_in_dim3A_423 = vector.shape_cast %get3A_417 : vector<16xi32> to vector<16x1xi32>
      %gather3A_424 = vector.shape_cast %broadcast_in_dim3A_423 : vector<16x1xi32> to vector<16xi32>
      %gather3A_425 = tpu.dynamic_gather %get3A_119[%gather3A_424] in [0] : vector<16xf32>, vector<16xi32> -> vector<16xf32>
      %add3A_426 = arith.addf %mul3A_422, %gather3A_425 : vector<16xf32>
      %swap3A = arith.index_cast %mul3A_414 : i32 to index
      %swap3A_427 = tpu.vector_load %arg9[%swap3A] {strides = array<i32>} : memref<31744xf32, #tpu.memory_space<vmem>>, vector<16xf32>,
      %swap3A_428 = vector.shape_cast %swap3A_427 : vector<16xf32> to vector<16xf32>
      %swap3A_429 = vector.shape_cast %add3A_426 : vector<16xf32> to vector<16xf32>
      tpu.vector_store %arg9[%swap3A], %swap3A_429 {strides = array<i32>} : memref<31744xf32, #tpu.memory_space<vmem>>, vector<16xf32>,
      %mul3A_430 = arith.constant 8 : i32
      %mul3A_431 = arith.muli %scan3A_406, %mul3A_430 : i32
      %add3A_432 = arith.constant 248 : i32
      %add3A_433 = arith.addi %add3A_432, %mul3A_431 : i32
      %add3A_434 = arith.constant 1 : i32
      %add3A_435 = arith.addi %add3A_433, %add3A_434 : i32
      %mul3A_436 = arith.constant 16 : i32
      %mul3A_437 = arith.muli %add3A_435, %mul3A_436 : i32
      %get3A_438 = arith.index_cast %mul3A_437 : i32 to index
      %get3A_439 = tpu.vector_load %arg8[%get3A_438] {strides = array<i32>} : memref<31744xi32, #tpu.memory_space<vmem>>, vector<16xi32>,
      %get3A_440 = vector.shape_cast %get3A_439 : vector<16xi32> to vector<16xi32>
      %get3A_441 = arith.index_cast %mul3A_437 : i32 to index
      %get3A_442 = tpu.vector_load %arg7[%get3A_441] {strides = array<i32>} : memref<31744xf32, #tpu.memory_space<vmem>>, vector<16xf32>,
      %get3A_443 = vector.shape_cast %get3A_442 : vector<16xf32> to vector<16xf32>
      %broadcast_in_dim3A_444 = vector.shape_cast %get3A_440 : vector<16xi32> to vector<16x1xi32>
      %gather3A_445 = vector.shape_cast %broadcast_in_dim3A_444 : vector<16x1xi32> to vector<16xi32>
      %gather3A_446 = tpu.dynamic_gather %get3A_116[%gather3A_445] in [0] : vector<16xf32>, vector<16xi32> -> vector<16xf32>
      %mul3A_447 = arith.mulf %gather3A_446, %get3A_443 : vector<16xf32>
      %broadcast_in_dim3A_448 = vector.shape_cast %get3A_440 : vector<16xi32> to vector<16x1xi32>
      %gather3A_449 = vector.shape_cast %broadcast_in_dim3A_448 : vector<16x1xi32> to vector<16xi32>
      %gather3A_450 = tpu.dynamic_gather %get3A_119[%gather3A_449] in [0] : vector<16xf32>, vector<16xi32> -> vector<16xf32>
      %add3A_451 = arith.addf %mul3A_447, %gather3A_450 : vector<16xf32>
      %swap3A_452 = arith.index_cast %mul3A_437 : i32 to index
      %swap3A_453 = tpu.vector_load %arg9[%swap3A_452] {strides = array<i32>} : memref<31744xf32, #tpu.memory_space<vmem>>, vector<16xf32>,
      %swap3A_454 = vector.shape_cast %swap3A_453 : vector<16xf32> to vector<16xf32>
      %swap3A_455 = vector.shape_cast %add3A_451 : vector<16xf32> to vector<16xf32>
      tpu.vector_store %arg9[%swap3A_452], %swap3A_455 {strides = array<i32>} : memref<31744xf32, #tpu.memory_space<vmem>>, vector<16xf32>,
      %mul3A_456 = arith.constant 8 : i32
      %mul3A_457 = arith.muli %scan3A_406, %mul3A_456 : i32
      %add3A_458 = arith.constant 248 : i32
      %add3A_459 = arith.addi %add3A_458, %mul3A_457 : i32
      %add3A_460 = arith.constant 2 : i32
      %add3A_461 = arith.addi %add3A_459, %add3A_460 : i32
      %mul3A_462 = arith.constant 16 : i32
      %mul3A_463 = arith.muli %add3A_461, %mul3A_462 : i32
      %get3A_464 = arith.index_cast %mul3A_463 : i32 to index
      %get3A_465 = tpu.vector_load %arg8[%get3A_464] {strides = array<i32>} : memref<31744xi32, #tpu.memory_space<vmem>>, vector<16xi32>,
      %get3A_466 = vector.shape_cast %get3A_465 : vector<16xi32> to vector<16xi32>
      %get3A_467 = arith.index_cast %mul3A_463 : i32 to index
      %get3A_468 = tpu.vector_load %arg7[%get3A_467] {strides = array<i32>} : memref<31744xf32, #tpu.memory_space<vmem>>, vector<16xf32>,
      %get3A_469 = vector.shape_cast %get3A_468 : vector<16xf32> to vector<16xf32>
      %broadcast_in_dim3A_470 = vector.shape_cast %get3A_466 : vector<16xi32> to vector<16x1xi32>
      %gather3A_471 = vector.shape_cast %broadcast_in_dim3A_470 : vector<16x1xi32> to vector<16xi32>
      %gather3A_472 = tpu.dynamic_gather %get3A_116[%gather3A_471] in [0] : vector<16xf32>, vector<16xi32> -> vector<16xf32>
      %mul3A_473 = arith.mulf %gather3A_472, %get3A_469 : vector<16xf32>
      %broadcast_in_dim3A_474 = vector.shape_cast %get3A_466 : vector<16xi32> to vector<16x1xi32>
      %gather3A_475 = vector.shape_cast %broadcast_in_dim3A_474 : vector<16x1xi32> to vector<16xi32>
      %gather3A_476 = tpu.dynamic_gather %get3A_119[%gather3A_475] in [0] : vector<16xf32>, vector<16xi32> -> vector<16xf32>
      %add3A_477 = arith.addf %mul3A_473, %gather3A_476 : vector<16xf32>
      %swap3A_478 = arith.index_cast %mul3A_463 : i32 to index
      %swap3A_479 = tpu.vector_load %arg9[%swap3A_478] {strides = array<i32>} : memref<31744xf32, #tpu.memory_space<vmem>>, vector<16xf32>,
      %swap3A_480 = vector.shape_cast %swap3A_479 : vector<16xf32> to vector<16xf32>
      %swap3A_481 = vector.shape_cast %add3A_477 : vector<16xf32> to vector<16xf32>
      tpu.vector_store %arg9[%swap3A_478], %swap3A_481 {strides = array<i32>} : memref<31744xf32, #tpu.memory_space<vmem>>, vector<16xf32>,
      %mul3A_482 = arith.constant 8 : i32
      %mul3A_483 = arith.muli %scan3A_406, %mul3A_482 : i32
      %add3A_484 = arith.constant 248 : i32
      %add3A_485 = arith.addi %add3A_484, %mul3A_483 : i32
      %add3A_486 = arith.constant 3 : i32
      %add3A_487 = arith.addi %add3A_485, %add3A_486 : i32
      %mul3A_488 = arith.constant 16 : i32
      %mul3A_489 = arith.muli %add3A_487, %mul3A_488 : i32
      %get3A_490 = arith.index_cast %mul3A_489 : i32 to index
      %get3A_491 = tpu.vector_load %arg8[%get3A_490] {strides = array<i32>} : memref<31744xi32, #tpu.memory_space<vmem>>, vector<16xi32>,
      %get3A_492 = vector.shape_cast %get3A_491 : vector<16xi32> to vector<16xi32>
      %get3A_493 = arith.index_cast %mul3A_489 : i32 to index
      %get3A_494 = tpu.vector_load %arg7[%get3A_493] {strides = array<i32>} : memref<31744xf32, #tpu.memory_space<vmem>>, vector<16xf32>,
      %get3A_495 = vector.shape_cast %get3A_494 : vector<16xf32> to vector<16xf32>
      %broadcast_in_dim3A_496 = vector.shape_cast %get3A_492 : vector<16xi32> to vector<16x1xi32>
      %gather3A_497 = vector.shape_cast %broadcast_in_dim3A_496 : vector<16x1xi32> to vector<16xi32>
      %gather3A_498 = tpu.dynamic_gather %get3A_116[%gather3A_497] in [0] : vector<16xf32>, vector<16xi32> -> vector<16xf32>
      %mul3A_499 = arith.mulf %gather3A_498, %get3A_495 : vector<16xf32>
      %broadcast_in_dim3A_500 = vector.shape_cast %get3A_492 : vector<16xi32> to vector<16x1xi32>
      %gather3A_501 = vector.shape_cast %broadcast_in_dim3A_500 : vector<16x1xi32> to vector<16xi32>
      %gather3A_502 = tpu.dynamic_gather %get3A_119[%gather3A_501] in [0] : vector<16xf32>, vector<16xi32> -> vector<16xf32>
      %add3A_503 = arith.addf %mul3A_499, %gather3A_502 : vector<16xf32>
      %swap3A_504 = arith.index_cast %mul3A_489 : i32 to index
      %swap3A_505 = tpu.vector_load %arg9[%swap3A_504] {strides = array<i32>} : memref<31744xf32, #tpu.memory_space<vmem>>, vector<16xf32>,
      %swap3A_506 = vector.shape_cast %swap3A_505 : vector<16xf32> to vector<16xf32>
      %swap3A_507 = vector.shape_cast %add3A_503 : vector<16xf32> to vector<16xf32>
      tpu.vector_store %arg9[%swap3A_504], %swap3A_507 {strides = array<i32>} : memref<31744xf32, #tpu.memory_space<vmem>>, vector<16xf32>,
      %mul3A_508 = arith.constant 8 : i32
      %mul3A_509 = arith.muli %scan3A_406, %mul3A_508 : i32
      %add3A_510 = arith.constant 248 : i32
      %add3A_511 = arith.addi %add3A_510, %mul3A_509 : i32
      %add3A_512 = arith.constant 4 : i32
      %add3A_513 = arith.addi %add3A_511, %add3A_512 : i32
      %mul3A_514 = arith.constant 16 : i32
      %mul3A_515 = arith.muli %add3A_513, %mul3A_514 : i32
      %get3A_516 = arith.index_cast %mul3A_515 : i32 to index
      %get3A_517 = tpu.vector_load %arg8[%get3A_516] {strides = array<i32>} : memref<31744xi32, #tpu.memory_space<vmem>>, vector<16xi32>,
      %get3A_518 = vector.shape_cast %get3A_517 : vector<16xi32> to vector<16xi32>
      %get3A_519 = arith.index_cast %mul3A_515 : i32 to index
      %get3A_520 = tpu.vector_load %arg7[%get3A_519] {strides = array<i32>} : memref<31744xf32, #tpu.memory_space<vmem>>, vector<16xf32>,
      %get3A_521 = vector.shape_cast %get3A_520 : vector<16xf32> to vector<16xf32>
      %broadcast_in_dim3A_522 = vector.shape_cast %get3A_518 : vector<16xi32> to vector<16x1xi32>
      %gather3A_523 = vector.shape_cast %broadcast_in_dim3A_522 : vector<16x1xi32> to vector<16xi32>
      %gather3A_524 = tpu.dynamic_gather %get3A_116[%gather3A_523] in [0] : vector<16xf32>, vector<16xi32> -> vector<16xf32>
      %mul3A_525 = arith.mulf %gather3A_524, %get3A_521 : vector<16xf32>
      %broadcast_in_dim3A_526 = vector.shape_cast %get3A_518 : vector<16xi32> to vector<16x1xi32>
      %gather3A_527 = vector.shape_cast %broadcast_in_dim3A_526 : vector<16x1xi32> to vector<16xi32>
      %gather3A_528 = tpu.dynamic_gather %get3A_119[%gather3A_527] in [0] : vector<16xf32>, vector<16xi32> -> vector<16xf32>
      %add3A_529 = arith.addf %mul3A_525, %gather3A_528 : vector<16xf32>
      %swap3A_530 = arith.index_cast %mul3A_515 : i32 to index
      %swap3A_531 = tpu.vector_load %arg9[%swap3A_530] {strides = array<i32>} : memref<31744xf32, #tpu.memory_space<vmem>>, vector<16xf32>,
      %swap3A_532 = vector.shape_cast %swap3A_531 : vector<16xf32> to vector<16xf32>
      %swap3A_533 = vector.shape_cast %add3A_529 : vector<16xf32> to vector<16xf32>
      tpu.vector_store %arg9[%swap3A_530], %swap3A_533 {strides = array<i32>} : memref<31744xf32, #tpu.memory_space<vmem>>, vector<16xf32>,
      %mul3A_534 = arith.constant 8 : i32
      %mul3A_535 = arith.muli %scan3A_406, %mul3A_534 : i32
      %add3A_536 = arith.constant 248 : i32
      %add3A_537 = arith.addi %add3A_536, %mul3A_535 : i32
      %add3A_538 = arith.constant 5 : i32
      %add3A_539 = arith.addi %add3A_537, %add3A_538 : i32
      %mul3A_540 = arith.constant 16 : i32
      %mul3A_541 = arith.muli %add3A_539, %mul3A_540 : i32
      %get3A_542 = arith.index_cast %mul3A_541 : i32 to index
      %get3A_543 = tpu.vector_load %arg8[%get3A_542] {strides = array<i32>} : memref<31744xi32, #tpu.memory_space<vmem>>, vector<16xi32>,
      %get3A_544 = vector.shape_cast %get3A_543 : vector<16xi32> to vector<16xi32>
      %get3A_545 = arith.index_cast %mul3A_541 : i32 to index
      %get3A_546 = tpu.vector_load %arg7[%get3A_545] {strides = array<i32>} : memref<31744xf32, #tpu.memory_space<vmem>>, vector<16xf32>,
      %get3A_547 = vector.shape_cast %get3A_546 : vector<16xf32> to vector<16xf32>
      %broadcast_in_dim3A_548 = vector.shape_cast %get3A_544 : vector<16xi32> to vector<16x1xi32>
      %gather3A_549 = vector.shape_cast %broadcast_in_dim3A_548 : vector<16x1xi32> to vector<16xi32>
      %gather3A_550 = tpu.dynamic_gather %get3A_116[%gather3A_549] in [0] : vector<16xf32>, vector<16xi32> -> vector<16xf32>
      %mul3A_551 = arith.mulf %gather3A_550, %get3A_547 : vector<16xf32>
      %broadcast_in_dim3A_552 = vector.shape_cast %get3A_544 : vector<16xi32> to vector<16x1xi32>
      %gather3A_553 = vector.shape_cast %broadcast_in_dim3A_552 : vector<16x1xi32> to vector<16xi32>
      %gather3A_554 = tpu.dynamic_gather %get3A_119[%gather3A_553] in [0] : vector<16xf32>, vector<16xi32> -> vector<16xf32>
      %add3A_555 = arith.addf %mul3A_551, %gather3A_554 : vector<16xf32>
      %swap3A_556 = arith.index_cast %mul3A_541 : i32 to index
      %swap3A_557 = tpu.vector_load %arg9[%swap3A_556] {strides = array<i32>} : memref<31744xf32, #tpu.memory_space<vmem>>, vector<16xf32>,
      %swap3A_558 = vector.shape_cast %swap3A_557 : vector<16xf32> to vector<16xf32>
      %swap3A_559 = vector.shape_cast %add3A_555 : vector<16xf32> to vector<16xf32>
      tpu.vector_store %arg9[%swap3A_556], %swap3A_559 {strides = array<i32>} : memref<31744xf32, #tpu.memory_space<vmem>>, vector<16xf32>,
      %mul3A_560 = arith.constant 8 : i32
      %mul3A_561 = arith.muli %scan3A_406, %mul3A_560 : i32
      %add3A_562 = arith.constant 248 : i32
      %add3A_563 = arith.addi %add3A_562, %mul3A_561 : i32
      %add3A_564 = arith.constant 6 : i32
      %add3A_565 = arith.addi %add3A_563, %add3A_564 : i32
      %mul3A_566 = arith.constant 16 : i32
      %mul3A_567 = arith.muli %add3A_565, %mul3A_566 : i32
      %get3A_568 = arith.index_cast %mul3A_567 : i32 to index
      %get3A_569 = tpu.vector_load %arg8[%get3A_568] {strides = array<i32>} : memref<31744xi32, #tpu.memory_space<vmem>>, vector<16xi32>,
      %get3A_570 = vector.shape_cast %get3A_569 : vector<16xi32> to vector<16xi32>
      %get3A_571 = arith.index_cast %mul3A_567 : i32 to index
      %get3A_572 = tpu.vector_load %arg7[%get3A_571] {strides = array<i32>} : memref<31744xf32, #tpu.memory_space<vmem>>, vector<16xf32>,
      %get3A_573 = vector.shape_cast %get3A_572 : vector<16xf32> to vector<16xf32>
      %broadcast_in_dim3A_574 = vector.shape_cast %get3A_570 : vector<16xi32> to vector<16x1xi32>
      %gather3A_575 = vector.shape_cast %broadcast_in_dim3A_574 : vector<16x1xi32> to vector<16xi32>
      %gather3A_576 = tpu.dynamic_gather %get3A_116[%gather3A_575] in [0] : vector<16xf32>, vector<16xi32> -> vector<16xf32>
      %mul3A_577 = arith.mulf %gather3A_576, %get3A_573 : vector<16xf32>
      %broadcast_in_dim3A_578 = vector.shape_cast %get3A_570 : vector<16xi32> to vector<16x1xi32>
      %gather3A_579 = vector.shape_cast %broadcast_in_dim3A_578 : vector<16x1xi32> to vector<16xi32>
      %gather3A_580 = tpu.dynamic_gather %get3A_119[%gather3A_579] in [0] : vector<16xf32>, vector<16xi32> -> vector<16xf32>
      %add3A_581 = arith.addf %mul3A_577, %gather3A_580 : vector<16xf32>
      %swap3A_582 = arith.index_cast %mul3A_567 : i32 to index
      %swap3A_583 = tpu.vector_load %arg9[%swap3A_582] {strides = array<i32>} : memref<31744xf32, #tpu.memory_space<vmem>>, vector<16xf32>,
      %swap3A_584 = vector.shape_cast %swap3A_583 : vector<16xf32> to vector<16xf32>
      %swap3A_585 = vector.shape_cast %add3A_581 : vector<16xf32> to vector<16xf32>
      tpu.vector_store %arg9[%swap3A_582], %swap3A_585 {strides = array<i32>} : memref<31744xf32, #tpu.memory_space<vmem>>, vector<16xf32>,
      %mul3A_586 = arith.constant 8 : i32
      %mul3A_587 = arith.muli %scan3A_406, %mul3A_586 : i32
      %add3A_588 = arith.constant 248 : i32
      %add3A_589 = arith.addi %add3A_588, %mul3A_587 : i32
      %add3A_590 = arith.constant 7 : i32
      %add3A_591 = arith.addi %add3A_589, %add3A_590 : i32
      %mul3A_592 = arith.constant 16 : i32
      %mul3A_593 = arith.muli %add3A_591, %mul3A_592 : i32
      %get3A_594 = arith.index_cast %mul3A_593 : i32 to index
      %get3A_595 = tpu.vector_load %arg8[%get3A_594] {strides = array<i32>} : memref<31744xi32, #tpu.memory_space<vmem>>, vector<16xi32>,
      %get3A_596 = vector.shape_cast %get3A_595 : vector<16xi32> to vector<16xi32>
      %get3A_597 = arith.index_cast %mul3A_593 : i32 to index
      %get3A_598 = tpu.vector_load %arg7[%get3A_597] {strides = array<i32>} : memref<31744xf32, #tpu.memory_space<vmem>>, vector<16xf32>,
      %get3A_599 = vector.shape_cast %get3A_598 : vector<16xf32> to vector<16xf32>
      %broadcast_in_dim3A_600 = vector.shape_cast %get3A_596 : vector<16xi32> to vector<16x1xi32>
      %gather3A_601 = vector.shape_cast %broadcast_in_dim3A_600 : vector<16x1xi32> to vector<16xi32>
      %gather3A_602 = tpu.dynamic_gather %get3A_116[%gather3A_601] in [0] : vector<16xf32>, vector<16xi32> -> vector<16xf32>
      %mul3A_603 = arith.mulf %gather3A_602, %get3A_599 : vector<16xf32>
      %broadcast_in_dim3A_604 = vector.shape_cast %get3A_596 : vector<16xi32> to vector<16x1xi32>
      %gather3A_605 = vector.shape_cast %broadcast_in_dim3A_604 : vector<16x1xi32> to vector<16xi32>
      %gather3A_606 = tpu.dynamic_gather %get3A_119[%gather3A_605] in [0] : vector<16xf32>, vector<16xi32> -> vector<16xf32>
      %add3A_607 = arith.addf %mul3A_603, %gather3A_606 : vector<16xf32>
      %swap3A_608 = arith.index_cast %mul3A_593 : i32 to index
      %swap3A_609 = tpu.vector_load %arg9[%swap3A_608] {strides = array<i32>} : memref<31744xf32, #tpu.memory_space<vmem>>, vector<16xf32>,
      %swap3A_610 = vector.shape_cast %swap3A_609 : vector<16xf32> to vector<16xf32>
      %swap3A_611 = vector.shape_cast %add3A_607 : vector<16xf32> to vector<16xf32>
      tpu.vector_store %arg9[%swap3A_608], %swap3A_611 {strides = array<i32>} : memref<31744xf32, #tpu.memory_space<vmem>>, vector<16xf32>,
    }
    %scan3A_157 = arith.constant 31 : i32
    %add3A_158 = arith.constant 0 : i32
    %add3A_159 = arith.addi %min3A_3, %add3A_158 : i32
    %dma_start3A_160 = arith.constant 0 : i32
    %dma_start3A_161 = tpu.memref_slice %arg9[%dma_start3A_160] : memref<31744xf32, #tpu.memory_space<vmem>> -> memref<3968xf32, #tpu.memory_space<vmem>>
    %dma_start3A_162 = tpu.memref_slice %arg6[%add3A_159] : memref<1000000xf32, #tpu.memory_space<hbm>> -> memref<3968xf32, #tpu.memory_space<hbm>>
    %dma_start3A_163 = tpu.memref_slice %arg6[%add3A_159] : memref<1000000xf32, #tpu.memory_space<hbm>> -> memref<3968xf32, #tpu.memory_space<hbm>>
    %dma_start3A_164 = arith.constant 0 : i32
    %dma_start3A_165 = tpu.memref_slice %arg9[%dma_start3A_164] : memref<31744xf32, #tpu.memory_space<vmem>> -> memref<3968xf32, #tpu.memory_space<vmem>>
    tpu.enqueue_dma source(%dma_start3A_165 : memref<3968xf32, #tpu.memory_space<vmem>>) target(%dma_start3A_163 : memref<3968xf32, #tpu.memory_space<hbm>>) target_semaphore(%arg21 : memref<!tpu.dma_semaphore, #tpu.memory_space<semaphore_mem>>)
    %add3A_166 = arith.constant 7936 : i32
    %add3A_167 = arith.addi %min3A_3, %add3A_166 : i32
    %dma_wait3A_168 = arith.constant 7936 : i32
    %dma_wait3A_169 = tpu.memref_slice %arg7[%dma_wait3A_168] : memref<31744xf32, #tpu.memory_space<vmem>> -> memref<3968xf32, #tpu.memory_space<vmem>>
    %dma_wait3A_170 = tpu.memref_slice %arg2[%add3A_167] : memref<1000000xf32, #tpu.memory_space<hbm>> -> memref<3968xf32, #tpu.memory_space<hbm>>
    %dma_wait3A_171 = arith.constant 7936 : i32
    %dma_wait3A_172 = tpu.memref_slice %arg7[%dma_wait3A_171] : memref<31744xf32, #tpu.memory_space<vmem>> -> memref<3968xf32, #tpu.memory_space<vmem>>
    %dma_wait3A_173 = tpu.memref_slice %arg2[%add3A_167] : memref<1000000xf32, #tpu.memory_space<hbm>> -> memref<3968xf32, #tpu.memory_space<hbm>>
    tpu.wait_dma2 semaphore(%arg14 : memref<!tpu.dma_semaphore, #tpu.memory_space<semaphore_mem>>) src(%dma_wait3A_173 : memref<3968xf32, #tpu.memory_space<hbm>>) dst(%dma_wait3A_172 : memref<3968xf32, #tpu.memory_space<vmem>>)
    %dma_wait3A_174 = arith.constant 7936 : i32
    %dma_wait3A_175 = tpu.memref_slice %arg8[%dma_wait3A_174] : memref<31744xi32, #tpu.memory_space<vmem>> -> memref<3968xi32, #tpu.memory_space<vmem>>
    %dma_wait3A_176 = tpu.memref_slice %arg3[%add3A_167] : memref<1000000xi32, #tpu.memory_space<hbm>> -> memref<3968xi32, #tpu.memory_space<hbm>>
    %dma_wait3A_177 = arith.constant 7936 : i32
    %dma_wait3A_178 = tpu.memref_slice %arg8[%dma_wait3A_177] : memref<31744xi32, #tpu.memory_space<vmem>> -> memref<3968xi32, #tpu.memory_space<vmem>>
    %dma_wait3A_179 = tpu.memref_slice %arg3[%add3A_167] : memref<1000000xi32, #tpu.memory_space<hbm>> -> memref<3968xi32, #tpu.memory_space<hbm>>
    tpu.wait_dma2 semaphore(%arg14 : memref<!tpu.dma_semaphore, #tpu.memory_space<semaphore_mem>>) src(%dma_wait3A_179 : memref<3968xi32, #tpu.memory_space<hbm>>) dst(%dma_wait3A_178 : memref<3968xi32, #tpu.memory_space<vmem>>)
    %scan3A_180 = arith.constant 0 : i32
    %scan3A_181 = arith.constant 0 : i32
    %scan3A_182 = arith.constant 31 : i32
    %scan3A_183 = arith.addi %scan3A_181, %scan3A_182 : i32
    %scan3A_184 = arith.constant 1 : i32
    scf.for %scan3A_406 = %scan3A_181 to %scan3A_183 step %scan3A_184  : i32 {
      %mul3A_407 = arith.constant 8 : i32
      %mul3A_408 = arith.muli %scan3A_406, %mul3A_407 : i32
      %add3A_409 = arith.constant 496 : i32
      %add3A_410 = arith.addi %add3A_409, %mul3A_408 : i32
      %add3A_411 = arith.constant 0 : i32
      %add3A_412 = arith.addi %add3A_410, %add3A_411 : i32
      %mul3A_413 = arith.constant 16 : i32
      %mul3A_414 = arith.muli %add3A_412, %mul3A_413 : i32
      %get3A_415 = arith.index_cast %mul3A_414 : i32 to index
      %get3A_416 = tpu.vector_load %arg8[%get3A_415] {strides = array<i32>} : memref<31744xi32, #tpu.memory_space<vmem>>, vector<16xi32>,
      %get3A_417 = vector.shape_cast %get3A_416 : vector<16xi32> to vector<16xi32>
      %get3A_418 = arith.index_cast %mul3A_414 : i32 to index
      %get3A_419 = tpu.vector_load %arg7[%get3A_418] {strides = array<i32>} : memref<31744xf32, #tpu.memory_space<vmem>>, vector<16xf32>,
      %get3A_420 = vector.shape_cast %get3A_419 : vector<16xf32> to vector<16xf32>
      %broadcast_in_dim3A = vector.shape_cast %get3A_417 : vector<16xi32> to vector<16x1xi32>
      %gather3A = vector.shape_cast %broadcast_in_dim3A : vector<16x1xi32> to vector<16xi32>
      %gather3A_421 = tpu.dynamic_gather %get3A_116[%gather3A] in [0] : vector<16xf32>, vector<16xi32> -> vector<16xf32>
      %mul3A_422 = arith.mulf %gather3A_421, %get3A_420 : vector<16xf32>
      %broadcast_in_dim3A_423 = vector.shape_cast %get3A_417 : vector<16xi32> to vector<16x1xi32>
      %gather3A_424 = vector.shape_cast %broadcast_in_dim3A_423 : vector<16x1xi32> to vector<16xi32>
      %gather3A_425 = tpu.dynamic_gather %get3A_119[%gather3A_424] in [0] : vector<16xf32>, vector<16xi32> -> vector<16xf32>
      %add3A_426 = arith.addf %mul3A_422, %gather3A_425 : vector<16xf32>
      %swap3A = arith.index_cast %mul3A_414 : i32 to index
      %swap3A_427 = tpu.vector_load %arg9[%swap3A] {strides = array<i32>} : memref<31744xf32, #tpu.memory_space<vmem>>, vector<16xf32>,
      %swap3A_428 = vector.shape_cast %swap3A_427 : vector<16xf32> to vector<16xf32>
      %swap3A_429 = vector.shape_cast %add3A_426 : vector<16xf32> to vector<16xf32>
      tpu.vector_store %arg9[%swap3A], %swap3A_429 {strides = array<i32>} : memref<31744xf32, #tpu.memory_space<vmem>>, vector<16xf32>,
      %mul3A_430 = arith.constant 8 : i32
      %mul3A_431 = arith.muli %scan3A_406, %mul3A_430 : i32
      %add3A_432 = arith.constant 496 : i32
      %add3A_433 = arith.addi %add3A_432, %mul3A_431 : i32
      %add3A_434 = arith.constant 1 : i32
      %add3A_435 = arith.addi %add3A_433, %add3A_434 : i32
      %mul3A_436 = arith.constant 16 : i32
      %mul3A_437 = arith.muli %add3A_435, %mul3A_436 : i32
      %get3A_438 = arith.index_cast %mul3A_437 : i32 to index
      %get3A_439 = tpu.vector_load %arg8[%get3A_438] {strides = array<i32>} : memref<31744xi32, #tpu.memory_space<vmem>>, vector<16xi32>,
      %get3A_440 = vector.shape_cast %get3A_439 : vector<16xi32> to vector<16xi32>
      %get3A_441 = arith.index_cast %mul3A_437 : i32 to index
      %get3A_442 = tpu.vector_load %arg7[%get3A_441] {strides = array<i32>} : memref<31744xf32, #tpu.memory_space<vmem>>, vector<16xf32>,
      %get3A_443 = vector.shape_cast %get3A_442 : vector<16xf32> to vector<16xf32>
      %broadcast_in_dim3A_444 = vector.shape_cast %get3A_440 : vector<16xi32> to vector<16x1xi32>
      %gather3A_445 = vector.shape_cast %broadcast_in_dim3A_444 : vector<16x1xi32> to vector<16xi32>
      %gather3A_446 = tpu.dynamic_gather %get3A_116[%gather3A_445] in [0] : vector<16xf32>, vector<16xi32> -> vector<16xf32>
      %mul3A_447 = arith.mulf %gather3A_446, %get3A_443 : vector<16xf32>
      %broadcast_in_dim3A_448 = vector.shape_cast %get3A_440 : vector<16xi32> to vector<16x1xi32>
      %gather3A_449 = vector.shape_cast %broadcast_in_dim3A_448 : vector<16x1xi32> to vector<16xi32>
      %gather3A_450 = tpu.dynamic_gather %get3A_119[%gather3A_449] in [0] : vector<16xf32>, vector<16xi32> -> vector<16xf32>
      %add3A_451 = arith.addf %mul3A_447, %gather3A_450 : vector<16xf32>
      %swap3A_452 = arith.index_cast %mul3A_437 : i32 to index
      %swap3A_453 = tpu.vector_load %arg9[%swap3A_452] {strides = array<i32>} : memref<31744xf32, #tpu.memory_space<vmem>>, vector<16xf32>,
      %swap3A_454 = vector.shape_cast %swap3A_453 : vector<16xf32> to vector<16xf32>
      %swap3A_455 = vector.shape_cast %add3A_451 : vector<16xf32> to vector<16xf32>
      tpu.vector_store %arg9[%swap3A_452], %swap3A_455 {strides = array<i32>} : memref<31744xf32, #tpu.memory_space<vmem>>, vector<16xf32>,
      %mul3A_456 = arith.constant 8 : i32
      %mul3A_457 = arith.muli %scan3A_406, %mul3A_456 : i32
      %add3A_458 = arith.constant 496 : i32
      %add3A_459 = arith.addi %add3A_458, %mul3A_457 : i32
      %add3A_460 = arith.constant 2 : i32
      %add3A_461 = arith.addi %add3A_459, %add3A_460 : i32
      %mul3A_462 = arith.constant 16 : i32
      %mul3A_463 = arith.muli %add3A_461, %mul3A_462 : i32
      %get3A_464 = arith.index_cast %mul3A_463 : i32 to index
      %get3A_465 = tpu.vector_load %arg8[%get3A_464] {strides = array<i32>} : memref<31744xi32, #tpu.memory_space<vmem>>, vector<16xi32>,
      %get3A_466 = vector.shape_cast %get3A_465 : vector<16xi32> to vector<16xi32>
      %get3A_467 = arith.index_cast %mul3A_463 : i32 to index
      %get3A_468 = tpu.vector_load %arg7[%get3A_467] {strides = array<i32>} : memref<31744xf32, #tpu.memory_space<vmem>>, vector<16xf32>,
      %get3A_469 = vector.shape_cast %get3A_468 : vector<16xf32> to vector<16xf32>
      %broadcast_in_dim3A_470 = vector.shape_cast %get3A_466 : vector<16xi32> to vector<16x1xi32>
      %gather3A_471 = vector.shape_cast %broadcast_in_dim3A_470 : vector<16x1xi32> to vector<16xi32>
      %gather3A_472 = tpu.dynamic_gather %get3A_116[%gather3A_471] in [0] : vector<16xf32>, vector<16xi32> -> vector<16xf32>
      %mul3A_473 = arith.mulf %gather3A_472, %get3A_469 : vector<16xf32>
      %broadcast_in_dim3A_474 = vector.shape_cast %get3A_466 : vector<16xi32> to vector<16x1xi32>
      %gather3A_475 = vector.shape_cast %broadcast_in_dim3A_474 : vector<16x1xi32> to vector<16xi32>
      %gather3A_476 = tpu.dynamic_gather %get3A_119[%gather3A_475] in [0] : vector<16xf32>, vector<16xi32> -> vector<16xf32>
      %add3A_477 = arith.addf %mul3A_473, %gather3A_476 : vector<16xf32>
      %swap3A_478 = arith.index_cast %mul3A_463 : i32 to index
      %swap3A_479 = tpu.vector_load %arg9[%swap3A_478] {strides = array<i32>} : memref<31744xf32, #tpu.memory_space<vmem>>, vector<16xf32>,
      %swap3A_480 = vector.shape_cast %swap3A_479 : vector<16xf32> to vector<16xf32>
      %swap3A_481 = vector.shape_cast %add3A_477 : vector<16xf32> to vector<16xf32>
      tpu.vector_store %arg9[%swap3A_478], %swap3A_481 {strides = array<i32>} : memref<31744xf32, #tpu.memory_space<vmem>>, vector<16xf32>,
      %mul3A_482 = arith.constant 8 : i32
      %mul3A_483 = arith.muli %scan3A_406, %mul3A_482 : i32
      %add3A_484 = arith.constant 496 : i32
      %add3A_485 = arith.addi %add3A_484, %mul3A_483 : i32
      %add3A_486 = arith.constant 3 : i32
      %add3A_487 = arith.addi %add3A_485, %add3A_486 : i32
      %mul3A_488 = arith.constant 16 : i32
      %mul3A_489 = arith.muli %add3A_487, %mul3A_488 : i32
      %get3A_490 = arith.index_cast %mul3A_489 : i32 to index
      %get3A_491 = tpu.vector_load %arg8[%get3A_490] {strides = array<i32>} : memref<31744xi32, #tpu.memory_space<vmem>>, vector<16xi32>,
      %get3A_492 = vector.shape_cast %get3A_491 : vector<16xi32> to vector<16xi32>
      %get3A_493 = arith.index_cast %mul3A_489 : i32 to index
      %get3A_494 = tpu.vector_load %arg7[%get3A_493] {strides = array<i32>} : memref<31744xf32, #tpu.memory_space<vmem>>, vector<16xf32>,
      %get3A_495 = vector.shape_cast %get3A_494 : vector<16xf32> to vector<16xf32>
      %broadcast_in_dim3A_496 = vector.shape_cast %get3A_492 : vector<16xi32> to vector<16x1xi32>
      %gather3A_497 = vector.shape_cast %broadcast_in_dim3A_496 : vector<16x1xi32> to vector<16xi32>
      %gather3A_498 = tpu.dynamic_gather %get3A_116[%gather3A_497] in [0] : vector<16xf32>, vector<16xi32> -> vector<16xf32>
      %mul3A_499 = arith.mulf %gather3A_498, %get3A_495 : vector<16xf32>
      %broadcast_in_dim3A_500 = vector.shape_cast %get3A_492 : vector<16xi32> to vector<16x1xi32>
      %gather3A_501 = vector.shape_cast %broadcast_in_dim3A_500 : vector<16x1xi32> to vector<16xi32>
      %gather3A_502 = tpu.dynamic_gather %get3A_119[%gather3A_501] in [0] : vector<16xf32>, vector<16xi32> -> vector<16xf32>
      %add3A_503 = arith.addf %mul3A_499, %gather3A_502 : vector<16xf32>
      %swap3A_504 = arith.index_cast %mul3A_489 : i32 to index
      %swap3A_505 = tpu.vector_load %arg9[%swap3A_504] {strides = array<i32>} : memref<31744xf32, #tpu.memory_space<vmem>>, vector<16xf32>,
      %swap3A_506 = vector.shape_cast %swap3A_505 : vector<16xf32> to vector<16xf32>
      %swap3A_507 = vector.shape_cast %add3A_503 : vector<16xf32> to vector<16xf32>
      tpu.vector_store %arg9[%swap3A_504], %swap3A_507 {strides = array<i32>} : memref<31744xf32, #tpu.memory_space<vmem>>, vector<16xf32>,
      %mul3A_508 = arith.constant 8 : i32
      %mul3A_509 = arith.muli %scan3A_406, %mul3A_508 : i32
      %add3A_510 = arith.constant 496 : i32
      %add3A_511 = arith.addi %add3A_510, %mul3A_509 : i32
      %add3A_512 = arith.constant 4 : i32
      %add3A_513 = arith.addi %add3A_511, %add3A_512 : i32
      %mul3A_514 = arith.constant 16 : i32
      %mul3A_515 = arith.muli %add3A_513, %mul3A_514 : i32
      %get3A_516 = arith.index_cast %mul3A_515 : i32 to index
      %get3A_517 = tpu.vector_load %arg8[%get3A_516] {strides = array<i32>} : memref<31744xi32, #tpu.memory_space<vmem>>, vector<16xi32>,
      %get3A_518 = vector.shape_cast %get3A_517 : vector<16xi32> to vector<16xi32>
      %get3A_519 = arith.index_cast %mul3A_515 : i32 to index
      %get3A_520 = tpu.vector_load %arg7[%get3A_519] {strides = array<i32>} : memref<31744xf32, #tpu.memory_space<vmem>>, vector<16xf32>,
      %get3A_521 = vector.shape_cast %get3A_520 : vector<16xf32> to vector<16xf32>
      %broadcast_in_dim3A_522 = vector.shape_cast %get3A_518 : vector<16xi32> to vector<16x1xi32>
      %gather3A_523 = vector.shape_cast %broadcast_in_dim3A_522 : vector<16x1xi32> to vector<16xi32>
      %gather3A_524 = tpu.dynamic_gather %get3A_116[%gather3A_523] in [0] : vector<16xf32>, vector<16xi32> -> vector<16xf32>
      %mul3A_525 = arith.mulf %gather3A_524, %get3A_521 : vector<16xf32>
      %broadcast_in_dim3A_526 = vector.shape_cast %get3A_518 : vector<16xi32> to vector<16x1xi32>
      %gather3A_527 = vector.shape_cast %broadcast_in_dim3A_526 : vector<16x1xi32> to vector<16xi32>
      %gather3A_528 = tpu.dynamic_gather %get3A_119[%gather3A_527] in [0] : vector<16xf32>, vector<16xi32> -> vector<16xf32>
      %add3A_529 = arith.addf %mul3A_525, %gather3A_528 : vector<16xf32>
      %swap3A_530 = arith.index_cast %mul3A_515 : i32 to index
      %swap3A_531 = tpu.vector_load %arg9[%swap3A_530] {strides = array<i32>} : memref<31744xf32, #tpu.memory_space<vmem>>, vector<16xf32>,
      %swap3A_532 = vector.shape_cast %swap3A_531 : vector<16xf32> to vector<16xf32>
      %swap3A_533 = vector.shape_cast %add3A_529 : vector<16xf32> to vector<16xf32>
      tpu.vector_store %arg9[%swap3A_530], %swap3A_533 {strides = array<i32>} : memref<31744xf32, #tpu.memory_space<vmem>>, vector<16xf32>,
      %mul3A_534 = arith.constant 8 : i32
      %mul3A_535 = arith.muli %scan3A_406, %mul3A_534 : i32
      %add3A_536 = arith.constant 496 : i32
      %add3A_537 = arith.addi %add3A_536, %mul3A_535 : i32
      %add3A_538 = arith.constant 5 : i32
      %add3A_539 = arith.addi %add3A_537, %add3A_538 : i32
      %mul3A_540 = arith.constant 16 : i32
      %mul3A_541 = arith.muli %add3A_539, %mul3A_540 : i32
      %get3A_542 = arith.index_cast %mul3A_541 : i32 to index
      %get3A_543 = tpu.vector_load %arg8[%get3A_542] {strides = array<i32>} : memref<31744xi32, #tpu.memory_space<vmem>>, vector<16xi32>,
      %get3A_544 = vector.shape_cast %get3A_543 : vector<16xi32> to vector<16xi32>
      %get3A_545 = arith.index_cast %mul3A_541 : i32 to index
      %get3A_546 = tpu.vector_load %arg7[%get3A_545] {strides = array<i32>} : memref<31744xf32, #tpu.memory_space<vmem>>, vector<16xf32>,
      %get3A_547 = vector.shape_cast %get3A_546 : vector<16xf32> to vector<16xf32>
      %broadcast_in_dim3A_548 = vector.shape_cast %get3A_544 : vector<16xi32> to vector<16x1xi32>
      %gather3A_549 = vector.shape_cast %broadcast_in_dim3A_548 : vector<16x1xi32> to vector<16xi32>
      %gather3A_550 = tpu.dynamic_gather %get3A_116[%gather3A_549] in [0] : vector<16xf32>, vector<16xi32> -> vector<16xf32>
      %mul3A_551 = arith.mulf %gather3A_550, %get3A_547 : vector<16xf32>
      %broadcast_in_dim3A_552 = vector.shape_cast %get3A_544 : vector<16xi32> to vector<16x1xi32>
      %gather3A_553 = vector.shape_cast %broadcast_in_dim3A_552 : vector<16x1xi32> to vector<16xi32>
      %gather3A_554 = tpu.dynamic_gather %get3A_119[%gather3A_553] in [0] : vector<16xf32>, vector<16xi32> -> vector<16xf32>
      %add3A_555 = arith.addf %mul3A_551, %gather3A_554 : vector<16xf32>
      %swap3A_556 = arith.index_cast %mul3A_541 : i32 to index
      %swap3A_557 = tpu.vector_load %arg9[%swap3A_556] {strides = array<i32>} : memref<31744xf32, #tpu.memory_space<vmem>>, vector<16xf32>,
      %swap3A_558 = vector.shape_cast %swap3A_557 : vector<16xf32> to vector<16xf32>
      %swap3A_559 = vector.shape_cast %add3A_555 : vector<16xf32> to vector<16xf32>
      tpu.vector_store %arg9[%swap3A_556], %swap3A_559 {strides = array<i32>} : memref<31744xf32, #tpu.memory_space<vmem>>, vector<16xf32>,
      %mul3A_560 = arith.constant 8 : i32
      %mul3A_561 = arith.muli %scan3A_406, %mul3A_560 : i32
      %add3A_562 = arith.constant 496 : i32
      %add3A_563 = arith.addi %add3A_562, %mul3A_561 : i32
      %add3A_564 = arith.constant 6 : i32
      %add3A_565 = arith.addi %add3A_563, %add3A_564 : i32
      %mul3A_566 = arith.constant 16 : i32
      %mul3A_567 = arith.muli %add3A_565, %mul3A_566 : i32
      %get3A_568 = arith.index_cast %mul3A_567 : i32 to index
      %get3A_569 = tpu.vector_load %arg8[%get3A_568] {strides = array<i32>} : memref<31744xi32, #tpu.memory_space<vmem>>, vector<16xi32>,
      %get3A_570 = vector.shape_cast %get3A_569 : vector<16xi32> to vector<16xi32>
      %get3A_571 = arith.index_cast %mul3A_567 : i32 to index
      %get3A_572 = tpu.vector_load %arg7[%get3A_571] {strides = array<i32>} : memref<31744xf32, #tpu.memory_space<vmem>>, vector<16xf32>,
      %get3A_573 = vector.shape_cast %get3A_572 : vector<16xf32> to vector<16xf32>
      %broadcast_in_dim3A_574 = vector.shape_cast %get3A_570 : vector<16xi32> to vector<16x1xi32>
      %gather3A_575 = vector.shape_cast %broadcast_in_dim3A_574 : vector<16x1xi32> to vector<16xi32>
      %gather3A_576 = tpu.dynamic_gather %get3A_116[%gather3A_575] in [0] : vector<16xf32>, vector<16xi32> -> vector<16xf32>
      %mul3A_577 = arith.mulf %gather3A_576, %get3A_573 : vector<16xf32>
      %broadcast_in_dim3A_578 = vector.shape_cast %get3A_570 : vector<16xi32> to vector<16x1xi32>
      %gather3A_579 = vector.shape_cast %broadcast_in_dim3A_578 : vector<16x1xi32> to vector<16xi32>
      %gather3A_580 = tpu.dynamic_gather %get3A_119[%gather3A_579] in [0] : vector<16xf32>, vector<16xi32> -> vector<16xf32>
      %add3A_581 = arith.addf %mul3A_577, %gather3A_580 : vector<16xf32>
      %swap3A_582 = arith.index_cast %mul3A_567 : i32 to index
      %swap3A_583 = tpu.vector_load %arg9[%swap3A_582] {strides = array<i32>} : memref<31744xf32, #tpu.memory_space<vmem>>, vector<16xf32>,
      %swap3A_584 = vector.shape_cast %swap3A_583 : vector<16xf32> to vector<16xf32>
      %swap3A_585 = vector.shape_cast %add3A_581 : vector<16xf32> to vector<16xf32>
      tpu.vector_store %arg9[%swap3A_582], %swap3A_585 {strides = array<i32>} : memref<31744xf32, #tpu.memory_space<vmem>>, vector<16xf32>,
      %mul3A_586 = arith.constant 8 : i32
      %mul3A_587 = arith.muli %scan3A_406, %mul3A_586 : i32
      %add3A_588 = arith.constant 496 : i32
      %add3A_589 = arith.addi %add3A_588, %mul3A_587 : i32
      %add3A_590 = arith.constant 7 : i32
      %add3A_591 = arith.addi %add3A_589, %add3A_590 : i32
      %mul3A_592 = arith.constant 16 : i32
      %mul3A_593 = arith.muli %add3A_591, %mul3A_592 : i32
      %get3A_594 = arith.index_cast %mul3A_593 : i32 to index
      %get3A_595 = tpu.vector_load %arg8[%get3A_594] {strides = array<i32>} : memref<31744xi32, #tpu.memory_space<vmem>>, vector<16xi32>,
      %get3A_596 = vector.shape_cast %get3A_595 : vector<16xi32> to vector<16xi32>
      %get3A_597 = arith.index_cast %mul3A_593 : i32 to index
      %get3A_598 = tpu.vector_load %arg7[%get3A_597] {strides = array<i32>} : memref<31744xf32, #tpu.memory_space<vmem>>, vector<16xf32>,
      %get3A_599 = vector.shape_cast %get3A_598 : vector<16xf32> to vector<16xf32>
      %broadcast_in_dim3A_600 = vector.shape_cast %get3A_596 : vector<16xi32> to vector<16x1xi32>
      %gather3A_601 = vector.shape_cast %broadcast_in_dim3A_600 : vector<16x1xi32> to vector<16xi32>
      %gather3A_602 = tpu.dynamic_gather %get3A_116[%gather3A_601] in [0] : vector<16xf32>, vector<16xi32> -> vector<16xf32>
      %mul3A_603 = arith.mulf %gather3A_602, %get3A_599 : vector<16xf32>
      %broadcast_in_dim3A_604 = vector.shape_cast %get3A_596 : vector<16xi32> to vector<16x1xi32>
      %gather3A_605 = vector.shape_cast %broadcast_in_dim3A_604 : vector<16x1xi32> to vector<16xi32>
      %gather3A_606 = tpu.dynamic_gather %get3A_119[%gather3A_605] in [0] : vector<16xf32>, vector<16xi32> -> vector<16xf32>
      %add3A_607 = arith.addf %mul3A_603, %gather3A_606 : vector<16xf32>
      %swap3A_608 = arith.index_cast %mul3A_593 : i32 to index
      %swap3A_609 = tpu.vector_load %arg9[%swap3A_608] {strides = array<i32>} : memref<31744xf32, #tpu.memory_space<vmem>>, vector<16xf32>,
      %swap3A_610 = vector.shape_cast %swap3A_609 : vector<16xf32> to vector<16xf32>
      %swap3A_611 = vector.shape_cast %add3A_607 : vector<16xf32> to vector<16xf32>
      tpu.vector_store %arg9[%swap3A_608], %swap3A_611 {strides = array<i32>} : memref<31744xf32, #tpu.memory_space<vmem>>, vector<16xf32>,
    }
    %scan3A_185 = arith.constant 31 : i32
    %add3A_186 = arith.constant 3968 : i32
    %add3A_187 = arith.addi %min3A_3, %add3A_186 : i32
    %dma_start3A_188 = arith.constant 3968 : i32
    %dma_start3A_189 = tpu.memref_slice %arg9[%dma_start3A_188] : memref<31744xf32, #tpu.memory_space<vmem>> -> memref<3968xf32, #tpu.memory_space<vmem>>
    %dma_start3A_190 = tpu.memref_slice %arg6[%add3A_187] : memref<1000000xf32, #tpu.memory_space<hbm>> -> memref<3968xf32, #tpu.memory_space<hbm>>
    %dma_start3A_191 = tpu.memref_slice %arg6[%add3A_187] : memref<1000000xf32, #tpu.memory_space<hbm>> -> memref<3968xf32, #tpu.memory_space<hbm>>
    %dma_start3A_192 = arith.constant 3968 : i32
    %dma_start3A_193 = tpu.memref_slice %arg9[%dma_start3A_192] : memref<31744xf32, #tpu.memory_space<vmem>> -> memref<3968xf32, #tpu.memory_space<vmem>>
    tpu.enqueue_dma source(%dma_start3A_193 : memref<3968xf32, #tpu.memory_space<vmem>>) target(%dma_start3A_191 : memref<3968xf32, #tpu.memory_space<hbm>>) target_semaphore(%arg21 : memref<!tpu.dma_semaphore, #tpu.memory_space<semaphore_mem>>)
    %add3A_194 = arith.constant 11904 : i32
    %add3A_195 = arith.addi %min3A_3, %add3A_194 : i32
    %dma_wait3A_196 = arith.constant 11904 : i32
    %dma_wait3A_197 = tpu.memref_slice %arg7[%dma_wait3A_196] : memref<31744xf32, #tpu.memory_space<vmem>> -> memref<3968xf32, #tpu.memory_space<vmem>>
    %dma_wait3A_198 = tpu.memref_slice %arg2[%add3A_195] : memref<1000000xf32, #tpu.memory_space<hbm>> -> memref<3968xf32, #tpu.memory_space<hbm>>
    %dma_wait3A_199 = arith.constant 11904 : i32
    %dma_wait3A_200 = tpu.memref_slice %arg7[%dma_wait3A_199] : memref<31744xf32, #tpu.memory_space<vmem>> -> memref<3968xf32, #tpu.memory_space<vmem>>
    %dma_wait3A_201 = tpu.memref_slice %arg2[%add3A_195] : memref<1000000xf32, #tpu.memory_space<hbm>> -> memref<3968xf32, #tpu.memory_space<hbm>>
    tpu.wait_dma2 semaphore(%arg15 : memref<!tpu.dma_semaphore, #tpu.memory_space<semaphore_mem>>) src(%dma_wait3A_201 : memref<3968xf32, #tpu.memory_space<hbm>>) dst(%dma_wait3A_200 : memref<3968xf32, #tpu.memory_space<vmem>>)
    %dma_wait3A_202 = arith.constant 11904 : i32
    %dma_wait3A_203 = tpu.memref_slice %arg8[%dma_wait3A_202] : memref<31744xi32, #tpu.memory_space<vmem>> -> memref<3968xi32, #tpu.memory_space<vmem>>
    %dma_wait3A_204 = tpu.memref_slice %arg3[%add3A_195] : memref<1000000xi32, #tpu.memory_space<hbm>> -> memref<3968xi32, #tpu.memory_space<hbm>>
    %dma_wait3A_205 = arith.constant 11904 : i32
    %dma_wait3A_206 = tpu.memref_slice %arg8[%dma_wait3A_205] : memref<31744xi32, #tpu.memory_space<vmem>> -> memref<3968xi32, #tpu.memory_space<vmem>>
    %dma_wait3A_207 = tpu.memref_slice %arg3[%add3A_195] : memref<1000000xi32, #tpu.memory_space<hbm>> -> memref<3968xi32, #tpu.memory_space<hbm>>
    tpu.wait_dma2 semaphore(%arg15 : memref<!tpu.dma_semaphore, #tpu.memory_space<semaphore_mem>>) src(%dma_wait3A_207 : memref<3968xi32, #tpu.memory_space<hbm>>) dst(%dma_wait3A_206 : memref<3968xi32, #tpu.memory_space<vmem>>)
    %scan3A_208 = arith.constant 0 : i32
    %scan3A_209 = arith.constant 0 : i32
    %scan3A_210 = arith.constant 31 : i32
    %scan3A_211 = arith.addi %scan3A_209, %scan3A_210 : i32
    %scan3A_212 = arith.constant 1 : i32
    scf.for %scan3A_406 = %scan3A_209 to %scan3A_211 step %scan3A_212  : i32 {
      %mul3A_407 = arith.constant 8 : i32
      %mul3A_408 = arith.muli %scan3A_406, %mul3A_407 : i32
      %add3A_409 = arith.constant 744 : i32
      %add3A_410 = arith.addi %add3A_409, %mul3A_408 : i32
      %add3A_411 = arith.constant 0 : i32
      %add3A_412 = arith.addi %add3A_410, %add3A_411 : i32
      %mul3A_413 = arith.constant 16 : i32
      %mul3A_414 = arith.muli %add3A_412, %mul3A_413 : i32
      %get3A_415 = arith.index_cast %mul3A_414 : i32 to index
      %get3A_416 = tpu.vector_load %arg8[%get3A_415] {strides = array<i32>} : memref<31744xi32, #tpu.memory_space<vmem>>, vector<16xi32>,
      %get3A_417 = vector.shape_cast %get3A_416 : vector<16xi32> to vector<16xi32>
      %get3A_418 = arith.index_cast %mul3A_414 : i32 to index
      %get3A_419 = tpu.vector_load %arg7[%get3A_418] {strides = array<i32>} : memref<31744xf32, #tpu.memory_space<vmem>>, vector<16xf32>,
      %get3A_420 = vector.shape_cast %get3A_419 : vector<16xf32> to vector<16xf32>
      %broadcast_in_dim3A = vector.shape_cast %get3A_417 : vector<16xi32> to vector<16x1xi32>
      %gather3A = vector.shape_cast %broadcast_in_dim3A : vector<16x1xi32> to vector<16xi32>
      %gather3A_421 = tpu.dynamic_gather %get3A_116[%gather3A] in [0] : vector<16xf32>, vector<16xi32> -> vector<16xf32>
      %mul3A_422 = arith.mulf %gather3A_421, %get3A_420 : vector<16xf32>
      %broadcast_in_dim3A_423 = vector.shape_cast %get3A_417 : vector<16xi32> to vector<16x1xi32>
      %gather3A_424 = vector.shape_cast %broadcast_in_dim3A_423 : vector<16x1xi32> to vector<16xi32>
      %gather3A_425 = tpu.dynamic_gather %get3A_119[%gather3A_424] in [0] : vector<16xf32>, vector<16xi32> -> vector<16xf32>
      %add3A_426 = arith.addf %mul3A_422, %gather3A_425 : vector<16xf32>
      %swap3A = arith.index_cast %mul3A_414 : i32 to index
      %swap3A_427 = tpu.vector_load %arg9[%swap3A] {strides = array<i32>} : memref<31744xf32, #tpu.memory_space<vmem>>, vector<16xf32>,
      %swap3A_428 = vector.shape_cast %swap3A_427 : vector<16xf32> to vector<16xf32>
      %swap3A_429 = vector.shape_cast %add3A_426 : vector<16xf32> to vector<16xf32>
      tpu.vector_store %arg9[%swap3A], %swap3A_429 {strides = array<i32>} : memref<31744xf32, #tpu.memory_space<vmem>>, vector<16xf32>,
      %mul3A_430 = arith.constant 8 : i32
      %mul3A_431 = arith.muli %scan3A_406, %mul3A_430 : i32
      %add3A_432 = arith.constant 744 : i32
      %add3A_433 = arith.addi %add3A_432, %mul3A_431 : i32
      %add3A_434 = arith.constant 1 : i32
      %add3A_435 = arith.addi %add3A_433, %add3A_434 : i32
      %mul3A_436 = arith.constant 16 : i32
      %mul3A_437 = arith.muli %add3A_435, %mul3A_436 : i32
      %get3A_438 = arith.index_cast %mul3A_437 : i32 to index
      %get3A_439 = tpu.vector_load %arg8[%get3A_438] {strides = array<i32>} : memref<31744xi32, #tpu.memory_space<vmem>>, vector<16xi32>,
      %get3A_440 = vector.shape_cast %get3A_439 : vector<16xi32> to vector<16xi32>
      %get3A_441 = arith.index_cast %mul3A_437 : i32 to index
      %get3A_442 = tpu.vector_load %arg7[%get3A_441] {strides = array<i32>} : memref<31744xf32, #tpu.memory_space<vmem>>, vector<16xf32>,
      %get3A_443 = vector.shape_cast %get3A_442 : vector<16xf32> to vector<16xf32>
      %broadcast_in_dim3A_444 = vector.shape_cast %get3A_440 : vector<16xi32> to vector<16x1xi32>
      %gather3A_445 = vector.shape_cast %broadcast_in_dim3A_444 : vector<16x1xi32> to vector<16xi32>
      %gather3A_446 = tpu.dynamic_gather %get3A_116[%gather3A_445] in [0] : vector<16xf32>, vector<16xi32> -> vector<16xf32>
      %mul3A_447 = arith.mulf %gather3A_446, %get3A_443 : vector<16xf32>
      %broadcast_in_dim3A_448 = vector.shape_cast %get3A_440 : vector<16xi32> to vector<16x1xi32>
      %gather3A_449 = vector.shape_cast %broadcast_in_dim3A_448 : vector<16x1xi32> to vector<16xi32>
      %gather3A_450 = tpu.dynamic_gather %get3A_119[%gather3A_449] in [0] : vector<16xf32>, vector<16xi32> -> vector<16xf32>
      %add3A_451 = arith.addf %mul3A_447, %gather3A_450 : vector<16xf32>
      %swap3A_452 = arith.index_cast %mul3A_437 : i32 to index
      %swap3A_453 = tpu.vector_load %arg9[%swap3A_452] {strides = array<i32>} : memref<31744xf32, #tpu.memory_space<vmem>>, vector<16xf32>,
      %swap3A_454 = vector.shape_cast %swap3A_453 : vector<16xf32> to vector<16xf32>
      %swap3A_455 = vector.shape_cast %add3A_451 : vector<16xf32> to vector<16xf32>
      tpu.vector_store %arg9[%swap3A_452], %swap3A_455 {strides = array<i32>} : memref<31744xf32, #tpu.memory_space<vmem>>, vector<16xf32>,
      %mul3A_456 = arith.constant 8 : i32
      %mul3A_457 = arith.muli %scan3A_406, %mul3A_456 : i32
      %add3A_458 = arith.constant 744 : i32
      %add3A_459 = arith.addi %add3A_458, %mul3A_457 : i32
      %add3A_460 = arith.constant 2 : i32
      %add3A_461 = arith.addi %add3A_459, %add3A_460 : i32
      %mul3A_462 = arith.constant 16 : i32
      %mul3A_463 = arith.muli %add3A_461, %mul3A_462 : i32
      %get3A_464 = arith.index_cast %mul3A_463 : i32 to index
      %get3A_465 = tpu.vector_load %arg8[%get3A_464] {strides = array<i32>} : memref<31744xi32, #tpu.memory_space<vmem>>, vector<16xi32>,
      %get3A_466 = vector.shape_cast %get3A_465 : vector<16xi32> to vector<16xi32>
      %get3A_467 = arith.index_cast %mul3A_463 : i32 to index
      %get3A_468 = tpu.vector_load %arg7[%get3A_467] {strides = array<i32>} : memref<31744xf32, #tpu.memory_space<vmem>>, vector<16xf32>,
      %get3A_469 = vector.shape_cast %get3A_468 : vector<16xf32> to vector<16xf32>
      %broadcast_in_dim3A_470 = vector.shape_cast %get3A_466 : vector<16xi32> to vector<16x1xi32>
      %gather3A_471 = vector.shape_cast %broadcast_in_dim3A_470 : vector<16x1xi32> to vector<16xi32>
      %gather3A_472 = tpu.dynamic_gather %get3A_116[%gather3A_471] in [0] : vector<16xf32>, vector<16xi32> -> vector<16xf32>
      %mul3A_473 = arith.mulf %gather3A_472, %get3A_469 : vector<16xf32>
      %broadcast_in_dim3A_474 = vector.shape_cast %get3A_466 : vector<16xi32> to vector<16x1xi32>
      %gather3A_475 = vector.shape_cast %broadcast_in_dim3A_474 : vector<16x1xi32> to vector<16xi32>
      %gather3A_476 = tpu.dynamic_gather %get3A_119[%gather3A_475] in [0] : vector<16xf32>, vector<16xi32> -> vector<16xf32>
      %add3A_477 = arith.addf %mul3A_473, %gather3A_476 : vector<16xf32>
      %swap3A_478 = arith.index_cast %mul3A_463 : i32 to index
      %swap3A_479 = tpu.vector_load %arg9[%swap3A_478] {strides = array<i32>} : memref<31744xf32, #tpu.memory_space<vmem>>, vector<16xf32>,
      %swap3A_480 = vector.shape_cast %swap3A_479 : vector<16xf32> to vector<16xf32>
      %swap3A_481 = vector.shape_cast %add3A_477 : vector<16xf32> to vector<16xf32>
      tpu.vector_store %arg9[%swap3A_478], %swap3A_481 {strides = array<i32>} : memref<31744xf32, #tpu.memory_space<vmem>>, vector<16xf32>,
      %mul3A_482 = arith.constant 8 : i32
      %mul3A_483 = arith.muli %scan3A_406, %mul3A_482 : i32
      %add3A_484 = arith.constant 744 : i32
      %add3A_485 = arith.addi %add3A_484, %mul3A_483 : i32
      %add3A_486 = arith.constant 3 : i32
      %add3A_487 = arith.addi %add3A_485, %add3A_486 : i32
      %mul3A_488 = arith.constant 16 : i32
      %mul3A_489 = arith.muli %add3A_487, %mul3A_488 : i32
      %get3A_490 = arith.index_cast %mul3A_489 : i32 to index
      %get3A_491 = tpu.vector_load %arg8[%get3A_490] {strides = array<i32>} : memref<31744xi32, #tpu.memory_space<vmem>>, vector<16xi32>,
      %get3A_492 = vector.shape_cast %get3A_491 : vector<16xi32> to vector<16xi32>
      %get3A_493 = arith.index_cast %mul3A_489 : i32 to index
      %get3A_494 = tpu.vector_load %arg7[%get3A_493] {strides = array<i32>} : memref<31744xf32, #tpu.memory_space<vmem>>, vector<16xf32>,
      %get3A_495 = vector.shape_cast %get3A_494 : vector<16xf32> to vector<16xf32>
      %broadcast_in_dim3A_496 = vector.shape_cast %get3A_492 : vector<16xi32> to vector<16x1xi32>
      %gather3A_497 = vector.shape_cast %broadcast_in_dim3A_496 : vector<16x1xi32> to vector<16xi32>
      %gather3A_498 = tpu.dynamic_gather %get3A_116[%gather3A_497] in [0] : vector<16xf32>, vector<16xi32> -> vector<16xf32>
      %mul3A_499 = arith.mulf %gather3A_498, %get3A_495 : vector<16xf32>
      %broadcast_in_dim3A_500 = vector.shape_cast %get3A_492 : vector<16xi32> to vector<16x1xi32>
      %gather3A_501 = vector.shape_cast %broadcast_in_dim3A_500 : vector<16x1xi32> to vector<16xi32>
      %gather3A_502 = tpu.dynamic_gather %get3A_119[%gather3A_501] in [0] : vector<16xf32>, vector<16xi32> -> vector<16xf32>
      %add3A_503 = arith.addf %mul3A_499, %gather3A_502 : vector<16xf32>
      %swap3A_504 = arith.index_cast %mul3A_489 : i32 to index
      %swap3A_505 = tpu.vector_load %arg9[%swap3A_504] {strides = array<i32>} : memref<31744xf32, #tpu.memory_space<vmem>>, vector<16xf32>,
      %swap3A_506 = vector.shape_cast %swap3A_505 : vector<16xf32> to vector<16xf32>
      %swap3A_507 = vector.shape_cast %add3A_503 : vector<16xf32> to vector<16xf32>
      tpu.vector_store %arg9[%swap3A_504], %swap3A_507 {strides = array<i32>} : memref<31744xf32, #tpu.memory_space<vmem>>, vector<16xf32>,
      %mul3A_508 = arith.constant 8 : i32
      %mul3A_509 = arith.muli %scan3A_406, %mul3A_508 : i32
      %add3A_510 = arith.constant 744 : i32
      %add3A_511 = arith.addi %add3A_510, %mul3A_509 : i32
      %add3A_512 = arith.constant 4 : i32
      %add3A_513 = arith.addi %add3A_511, %add3A_512 : i32
      %mul3A_514 = arith.constant 16 : i32
      %mul3A_515 = arith.muli %add3A_513, %mul3A_514 : i32
      %get3A_516 = arith.index_cast %mul3A_515 : i32 to index
      %get3A_517 = tpu.vector_load %arg8[%get3A_516] {strides = array<i32>} : memref<31744xi32, #tpu.memory_space<vmem>>, vector<16xi32>,
      %get3A_518 = vector.shape_cast %get3A_517 : vector<16xi32> to vector<16xi32>
      %get3A_519 = arith.index_cast %mul3A_515 : i32 to index
      %get3A_520 = tpu.vector_load %arg7[%get3A_519] {strides = array<i32>} : memref<31744xf32, #tpu.memory_space<vmem>>, vector<16xf32>,
      %get3A_521 = vector.shape_cast %get3A_520 : vector<16xf32> to vector<16xf32>
      %broadcast_in_dim3A_522 = vector.shape_cast %get3A_518 : vector<16xi32> to vector<16x1xi32>
      %gather3A_523 = vector.shape_cast %broadcast_in_dim3A_522 : vector<16x1xi32> to vector<16xi32>
      %gather3A_524 = tpu.dynamic_gather %get3A_116[%gather3A_523] in [0] : vector<16xf32>, vector<16xi32> -> vector<16xf32>
      %mul3A_525 = arith.mulf %gather3A_524, %get3A_521 : vector<16xf32>
      %broadcast_in_dim3A_526 = vector.shape_cast %get3A_518 : vector<16xi32> to vector<16x1xi32>
      %gather3A_527 = vector.shape_cast %broadcast_in_dim3A_526 : vector<16x1xi32> to vector<16xi32>
      %gather3A_528 = tpu.dynamic_gather %get3A_119[%gather3A_527] in [0] : vector<16xf32>, vector<16xi32> -> vector<16xf32>
      %add3A_529 = arith.addf %mul3A_525, %gather3A_528 : vector<16xf32>
      %swap3A_530 = arith.index_cast %mul3A_515 : i32 to index
      %swap3A_531 = tpu.vector_load %arg9[%swap3A_530] {strides = array<i32>} : memref<31744xf32, #tpu.memory_space<vmem>>, vector<16xf32>,
      %swap3A_532 = vector.shape_cast %swap3A_531 : vector<16xf32> to vector<16xf32>
      %swap3A_533 = vector.shape_cast %add3A_529 : vector<16xf32> to vector<16xf32>
      tpu.vector_store %arg9[%swap3A_530], %swap3A_533 {strides = array<i32>} : memref<31744xf32, #tpu.memory_space<vmem>>, vector<16xf32>,
      %mul3A_534 = arith.constant 8 : i32
      %mul3A_535 = arith.muli %scan3A_406, %mul3A_534 : i32
      %add3A_536 = arith.constant 744 : i32
      %add3A_537 = arith.addi %add3A_536, %mul3A_535 : i32
      %add3A_538 = arith.constant 5 : i32
      %add3A_539 = arith.addi %add3A_537, %add3A_538 : i32
      %mul3A_540 = arith.constant 16 : i32
      %mul3A_541 = arith.muli %add3A_539, %mul3A_540 : i32
      %get3A_542 = arith.index_cast %mul3A_541 : i32 to index
      %get3A_543 = tpu.vector_load %arg8[%get3A_542] {strides = array<i32>} : memref<31744xi32, #tpu.memory_space<vmem>>, vector<16xi32>,
      %get3A_544 = vector.shape_cast %get3A_543 : vector<16xi32> to vector<16xi32>
      %get3A_545 = arith.index_cast %mul3A_541 : i32 to index
      %get3A_546 = tpu.vector_load %arg7[%get3A_545] {strides = array<i32>} : memref<31744xf32, #tpu.memory_space<vmem>>, vector<16xf32>,
      %get3A_547 = vector.shape_cast %get3A_546 : vector<16xf32> to vector<16xf32>
      %broadcast_in_dim3A_548 = vector.shape_cast %get3A_544 : vector<16xi32> to vector<16x1xi32>
      %gather3A_549 = vector.shape_cast %broadcast_in_dim3A_548 : vector<16x1xi32> to vector<16xi32>
      %gather3A_550 = tpu.dynamic_gather %get3A_116[%gather3A_549] in [0] : vector<16xf32>, vector<16xi32> -> vector<16xf32>
      %mul3A_551 = arith.mulf %gather3A_550, %get3A_547 : vector<16xf32>
      %broadcast_in_dim3A_552 = vector.shape_cast %get3A_544 : vector<16xi32> to vector<16x1xi32>
      %gather3A_553 = vector.shape_cast %broadcast_in_dim3A_552 : vector<16x1xi32> to vector<16xi32>
      %gather3A_554 = tpu.dynamic_gather %get3A_119[%gather3A_553] in [0] : vector<16xf32>, vector<16xi32> -> vector<16xf32>
      %add3A_555 = arith.addf %mul3A_551, %gather3A_554 : vector<16xf32>
      %swap3A_556 = arith.index_cast %mul3A_541 : i32 to index
      %swap3A_557 = tpu.vector_load %arg9[%swap3A_556] {strides = array<i32>} : memref<31744xf32, #tpu.memory_space<vmem>>, vector<16xf32>,
      %swap3A_558 = vector.shape_cast %swap3A_557 : vector<16xf32> to vector<16xf32>
      %swap3A_559 = vector.shape_cast %add3A_555 : vector<16xf32> to vector<16xf32>
      tpu.vector_store %arg9[%swap3A_556], %swap3A_559 {strides = array<i32>} : memref<31744xf32, #tpu.memory_space<vmem>>, vector<16xf32>,
      %mul3A_560 = arith.constant 8 : i32
      %mul3A_561 = arith.muli %scan3A_406, %mul3A_560 : i32
      %add3A_562 = arith.constant 744 : i32
      %add3A_563 = arith.addi %add3A_562, %mul3A_561 : i32
      %add3A_564 = arith.constant 6 : i32
      %add3A_565 = arith.addi %add3A_563, %add3A_564 : i32
      %mul3A_566 = arith.constant 16 : i32
      %mul3A_567 = arith.muli %add3A_565, %mul3A_566 : i32
      %get3A_568 = arith.index_cast %mul3A_567 : i32 to index
      %get3A_569 = tpu.vector_load %arg8[%get3A_568] {strides = array<i32>} : memref<31744xi32, #tpu.memory_space<vmem>>, vector<16xi32>,
      %get3A_570 = vector.shape_cast %get3A_569 : vector<16xi32> to vector<16xi32>
      %get3A_571 = arith.index_cast %mul3A_567 : i32 to index
      %get3A_572 = tpu.vector_load %arg7[%get3A_571] {strides = array<i32>} : memref<31744xf32, #tpu.memory_space<vmem>>, vector<16xf32>,
      %get3A_573 = vector.shape_cast %get3A_572 : vector<16xf32> to vector<16xf32>
      %broadcast_in_dim3A_574 = vector.shape_cast %get3A_570 : vector<16xi32> to vector<16x1xi32>
      %gather3A_575 = vector.shape_cast %broadcast_in_dim3A_574 : vector<16x1xi32> to vector<16xi32>
      %gather3A_576 = tpu.dynamic_gather %get3A_116[%gather3A_575] in [0] : vector<16xf32>, vector<16xi32> -> vector<16xf32>
      %mul3A_577 = arith.mulf %gather3A_576, %get3A_573 : vector<16xf32>
      %broadcast_in_dim3A_578 = vector.shape_cast %get3A_570 : vector<16xi32> to vector<16x1xi32>
      %gather3A_579 = vector.shape_cast %broadcast_in_dim3A_578 : vector<16x1xi32> to vector<16xi32>
      %gather3A_580 = tpu.dynamic_gather %get3A_119[%gather3A_579] in [0] : vector<16xf32>, vector<16xi32> -> vector<16xf32>
      %add3A_581 = arith.addf %mul3A_577, %gather3A_580 : vector<16xf32>
      %swap3A_582 = arith.index_cast %mul3A_567 : i32 to index
      %swap3A_583 = tpu.vector_load %arg9[%swap3A_582] {strides = array<i32>} : memref<31744xf32, #tpu.memory_space<vmem>>, vector<16xf32>,
      %swap3A_584 = vector.shape_cast %swap3A_583 : vector<16xf32> to vector<16xf32>
      %swap3A_585 = vector.shape_cast %add3A_581 : vector<16xf32> to vector<16xf32>
      tpu.vector_store %arg9[%swap3A_582], %swap3A_585 {strides = array<i32>} : memref<31744xf32, #tpu.memory_space<vmem>>, vector<16xf32>,
      %mul3A_586 = arith.constant 8 : i32
      %mul3A_587 = arith.muli %scan3A_406, %mul3A_586 : i32
      %add3A_588 = arith.constant 744 : i32
      %add3A_589 = arith.addi %add3A_588, %mul3A_587 : i32
      %add3A_590 = arith.constant 7 : i32
      %add3A_591 = arith.addi %add3A_589, %add3A_590 : i32
      %mul3A_592 = arith.constant 16 : i32
      %mul3A_593 = arith.muli %add3A_591, %mul3A_592 : i32
      %get3A_594 = arith.index_cast %mul3A_593 : i32 to index
      %get3A_595 = tpu.vector_load %arg8[%get3A_594] {strides = array<i32>} : memref<31744xi32, #tpu.memory_space<vmem>>, vector<16xi32>,
      %get3A_596 = vector.shape_cast %get3A_595 : vector<16xi32> to vector<16xi32>
      %get3A_597 = arith.index_cast %mul3A_593 : i32 to index
      %get3A_598 = tpu.vector_load %arg7[%get3A_597] {strides = array<i32>} : memref<31744xf32, #tpu.memory_space<vmem>>, vector<16xf32>,
      %get3A_599 = vector.shape_cast %get3A_598 : vector<16xf32> to vector<16xf32>
      %broadcast_in_dim3A_600 = vector.shape_cast %get3A_596 : vector<16xi32> to vector<16x1xi32>
      %gather3A_601 = vector.shape_cast %broadcast_in_dim3A_600 : vector<16x1xi32> to vector<16xi32>
      %gather3A_602 = tpu.dynamic_gather %get3A_116[%gather3A_601] in [0] : vector<16xf32>, vector<16xi32> -> vector<16xf32>
      %mul3A_603 = arith.mulf %gather3A_602, %get3A_599 : vector<16xf32>
      %broadcast_in_dim3A_604 = vector.shape_cast %get3A_596 : vector<16xi32> to vector<16x1xi32>
      %gather3A_605 = vector.shape_cast %broadcast_in_dim3A_604 : vector<16x1xi32> to vector<16xi32>
      %gather3A_606 = tpu.dynamic_gather %get3A_119[%gather3A_605] in [0] : vector<16xf32>, vector<16xi32> -> vector<16xf32>
      %add3A_607 = arith.addf %mul3A_603, %gather3A_606 : vector<16xf32>
      %swap3A_608 = arith.index_cast %mul3A_593 : i32 to index
      %swap3A_609 = tpu.vector_load %arg9[%swap3A_608] {strides = array<i32>} : memref<31744xf32, #tpu.memory_space<vmem>>, vector<16xf32>,
      %swap3A_610 = vector.shape_cast %swap3A_609 : vector<16xf32> to vector<16xf32>
      %swap3A_611 = vector.shape_cast %add3A_607 : vector<16xf32> to vector<16xf32>
      tpu.vector_store %arg9[%swap3A_608], %swap3A_611 {strides = array<i32>} : memref<31744xf32, #tpu.memory_space<vmem>>, vector<16xf32>,
    }
    %scan3A_213 = arith.constant 31 : i32
    %add3A_214 = arith.constant 7936 : i32
    %add3A_215 = arith.addi %min3A_3, %add3A_214 : i32
    %dma_start3A_216 = arith.constant 7936 : i32
    %dma_start3A_217 = tpu.memref_slice %arg9[%dma_start3A_216] : memref<31744xf32, #tpu.memory_space<vmem>> -> memref<3968xf32, #tpu.memory_space<vmem>>
    %dma_start3A_218 = tpu.memref_slice %arg6[%add3A_215] : memref<1000000xf32, #tpu.memory_space<hbm>> -> memref<3968xf32, #tpu.memory_space<hbm>>
    %dma_start3A_219 = tpu.memref_slice %arg6[%add3A_215] : memref<1000000xf32, #tpu.memory_space<hbm>> -> memref<3968xf32, #tpu.memory_space<hbm>>
    %dma_start3A_220 = arith.constant 7936 : i32
    %dma_start3A_221 = tpu.memref_slice %arg9[%dma_start3A_220] : memref<31744xf32, #tpu.memory_space<vmem>> -> memref<3968xf32, #tpu.memory_space<vmem>>
    tpu.enqueue_dma source(%dma_start3A_221 : memref<3968xf32, #tpu.memory_space<vmem>>) target(%dma_start3A_219 : memref<3968xf32, #tpu.memory_space<hbm>>) target_semaphore(%arg21 : memref<!tpu.dma_semaphore, #tpu.memory_space<semaphore_mem>>)
    %add3A_222 = arith.constant 15872 : i32
    %add3A_223 = arith.addi %min3A_3, %add3A_222 : i32
    %dma_wait3A_224 = arith.constant 15872 : i32
    %dma_wait3A_225 = tpu.memref_slice %arg7[%dma_wait3A_224] : memref<31744xf32, #tpu.memory_space<vmem>> -> memref<3968xf32, #tpu.memory_space<vmem>>
    %dma_wait3A_226 = tpu.memref_slice %arg2[%add3A_223] : memref<1000000xf32, #tpu.memory_space<hbm>> -> memref<3968xf32, #tpu.memory_space<hbm>>
    %dma_wait3A_227 = arith.constant 15872 : i32
    %dma_wait3A_228 = tpu.memref_slice %arg7[%dma_wait3A_227] : memref<31744xf32, #tpu.memory_space<vmem>> -> memref<3968xf32, #tpu.memory_space<vmem>>
    %dma_wait3A_229 = tpu.memref_slice %arg2[%add3A_223] : memref<1000000xf32, #tpu.memory_space<hbm>> -> memref<3968xf32, #tpu.memory_space<hbm>>
    tpu.wait_dma2 semaphore(%arg16 : memref<!tpu.dma_semaphore, #tpu.memory_space<semaphore_mem>>) src(%dma_wait3A_229 : memref<3968xf32, #tpu.memory_space<hbm>>) dst(%dma_wait3A_228 : memref<3968xf32, #tpu.memory_space<vmem>>)
    %dma_wait3A_230 = arith.constant 15872 : i32
    %dma_wait3A_231 = tpu.memref_slice %arg8[%dma_wait3A_230] : memref<31744xi32, #tpu.memory_space<vmem>> -> memref<3968xi32, #tpu.memory_space<vmem>>
    %dma_wait3A_232 = tpu.memref_slice %arg3[%add3A_223] : memref<1000000xi32, #tpu.memory_space<hbm>> -> memref<3968xi32, #tpu.memory_space<hbm>>
    %dma_wait3A_233 = arith.constant 15872 : i32
    %dma_wait3A_234 = tpu.memref_slice %arg8[%dma_wait3A_233] : memref<31744xi32, #tpu.memory_space<vmem>> -> memref<3968xi32, #tpu.memory_space<vmem>>
    %dma_wait3A_235 = tpu.memref_slice %arg3[%add3A_223] : memref<1000000xi32, #tpu.memory_space<hbm>> -> memref<3968xi32, #tpu.memory_space<hbm>>
    tpu.wait_dma2 semaphore(%arg16 : memref<!tpu.dma_semaphore, #tpu.memory_space<semaphore_mem>>) src(%dma_wait3A_235 : memref<3968xi32, #tpu.memory_space<hbm>>) dst(%dma_wait3A_234 : memref<3968xi32, #tpu.memory_space<vmem>>)
    %scan3A_236 = arith.constant 0 : i32
    %scan3A_237 = arith.constant 0 : i32
    %scan3A_238 = arith.constant 31 : i32
    %scan3A_239 = arith.addi %scan3A_237, %scan3A_238 : i32
    %scan3A_240 = arith.constant 1 : i32
    scf.for %scan3A_406 = %scan3A_237 to %scan3A_239 step %scan3A_240  : i32 {
      %mul3A_407 = arith.constant 8 : i32
      %mul3A_408 = arith.muli %scan3A_406, %mul3A_407 : i32
      %add3A_409 = arith.constant 992 : i32
      %add3A_410 = arith.addi %add3A_409, %mul3A_408 : i32
      %add3A_411 = arith.constant 0 : i32
      %add3A_412 = arith.addi %add3A_410, %add3A_411 : i32
      %mul3A_413 = arith.constant 16 : i32
      %mul3A_414 = arith.muli %add3A_412, %mul3A_413 : i32
      %get3A_415 = arith.index_cast %mul3A_414 : i32 to index
      %get3A_416 = tpu.vector_load %arg8[%get3A_415] {strides = array<i32>} : memref<31744xi32, #tpu.memory_space<vmem>>, vector<16xi32>,
      %get3A_417 = vector.shape_cast %get3A_416 : vector<16xi32> to vector<16xi32>
      %get3A_418 = arith.index_cast %mul3A_414 : i32 to index
      %get3A_419 = tpu.vector_load %arg7[%get3A_418] {strides = array<i32>} : memref<31744xf32, #tpu.memory_space<vmem>>, vector<16xf32>,
      %get3A_420 = vector.shape_cast %get3A_419 : vector<16xf32> to vector<16xf32>
      %broadcast_in_dim3A = vector.shape_cast %get3A_417 : vector<16xi32> to vector<16x1xi32>
      %gather3A = vector.shape_cast %broadcast_in_dim3A : vector<16x1xi32> to vector<16xi32>
      %gather3A_421 = tpu.dynamic_gather %get3A_116[%gather3A] in [0] : vector<16xf32>, vector<16xi32> -> vector<16xf32>
      %mul3A_422 = arith.mulf %gather3A_421, %get3A_420 : vector<16xf32>
      %broadcast_in_dim3A_423 = vector.shape_cast %get3A_417 : vector<16xi32> to vector<16x1xi32>
      %gather3A_424 = vector.shape_cast %broadcast_in_dim3A_423 : vector<16x1xi32> to vector<16xi32>
      %gather3A_425 = tpu.dynamic_gather %get3A_119[%gather3A_424] in [0] : vector<16xf32>, vector<16xi32> -> vector<16xf32>
      %add3A_426 = arith.addf %mul3A_422, %gather3A_425 : vector<16xf32>
      %swap3A = arith.index_cast %mul3A_414 : i32 to index
      %swap3A_427 = tpu.vector_load %arg9[%swap3A] {strides = array<i32>} : memref<31744xf32, #tpu.memory_space<vmem>>, vector<16xf32>,
      %swap3A_428 = vector.shape_cast %swap3A_427 : vector<16xf32> to vector<16xf32>
      %swap3A_429 = vector.shape_cast %add3A_426 : vector<16xf32> to vector<16xf32>
      tpu.vector_store %arg9[%swap3A], %swap3A_429 {strides = array<i32>} : memref<31744xf32, #tpu.memory_space<vmem>>, vector<16xf32>,
      %mul3A_430 = arith.constant 8 : i32
      %mul3A_431 = arith.muli %scan3A_406, %mul3A_430 : i32
      %add3A_432 = arith.constant 992 : i32
      %add3A_433 = arith.addi %add3A_432, %mul3A_431 : i32
      %add3A_434 = arith.constant 1 : i32
      %add3A_435 = arith.addi %add3A_433, %add3A_434 : i32
      %mul3A_436 = arith.constant 16 : i32
      %mul3A_437 = arith.muli %add3A_435, %mul3A_436 : i32
      %get3A_438 = arith.index_cast %mul3A_437 : i32 to index
      %get3A_439 = tpu.vector_load %arg8[%get3A_438] {strides = array<i32>} : memref<31744xi32, #tpu.memory_space<vmem>>, vector<16xi32>,
      %get3A_440 = vector.shape_cast %get3A_439 : vector<16xi32> to vector<16xi32>
      %get3A_441 = arith.index_cast %mul3A_437 : i32 to index
      %get3A_442 = tpu.vector_load %arg7[%get3A_441] {strides = array<i32>} : memref<31744xf32, #tpu.memory_space<vmem>>, vector<16xf32>,
      %get3A_443 = vector.shape_cast %get3A_442 : vector<16xf32> to vector<16xf32>
      %broadcast_in_dim3A_444 = vector.shape_cast %get3A_440 : vector<16xi32> to vector<16x1xi32>
      %gather3A_445 = vector.shape_cast %broadcast_in_dim3A_444 : vector<16x1xi32> to vector<16xi32>
      %gather3A_446 = tpu.dynamic_gather %get3A_116[%gather3A_445] in [0] : vector<16xf32>, vector<16xi32> -> vector<16xf32>
      %mul3A_447 = arith.mulf %gather3A_446, %get3A_443 : vector<16xf32>
      %broadcast_in_dim3A_448 = vector.shape_cast %get3A_440 : vector<16xi32> to vector<16x1xi32>
      %gather3A_449 = vector.shape_cast %broadcast_in_dim3A_448 : vector<16x1xi32> to vector<16xi32>
      %gather3A_450 = tpu.dynamic_gather %get3A_119[%gather3A_449] in [0] : vector<16xf32>, vector<16xi32> -> vector<16xf32>
      %add3A_451 = arith.addf %mul3A_447, %gather3A_450 : vector<16xf32>
      %swap3A_452 = arith.index_cast %mul3A_437 : i32 to index
      %swap3A_453 = tpu.vector_load %arg9[%swap3A_452] {strides = array<i32>} : memref<31744xf32, #tpu.memory_space<vmem>>, vector<16xf32>,
      %swap3A_454 = vector.shape_cast %swap3A_453 : vector<16xf32> to vector<16xf32>
      %swap3A_455 = vector.shape_cast %add3A_451 : vector<16xf32> to vector<16xf32>
      tpu.vector_store %arg9[%swap3A_452], %swap3A_455 {strides = array<i32>} : memref<31744xf32, #tpu.memory_space<vmem>>, vector<16xf32>,
      %mul3A_456 = arith.constant 8 : i32
      %mul3A_457 = arith.muli %scan3A_406, %mul3A_456 : i32
      %add3A_458 = arith.constant 992 : i32
      %add3A_459 = arith.addi %add3A_458, %mul3A_457 : i32
      %add3A_460 = arith.constant 2 : i32
      %add3A_461 = arith.addi %add3A_459, %add3A_460 : i32
      %mul3A_462 = arith.constant 16 : i32
      %mul3A_463 = arith.muli %add3A_461, %mul3A_462 : i32
      %get3A_464 = arith.index_cast %mul3A_463 : i32 to index
      %get3A_465 = tpu.vector_load %arg8[%get3A_464] {strides = array<i32>} : memref<31744xi32, #tpu.memory_space<vmem>>, vector<16xi32>,
      %get3A_466 = vector.shape_cast %get3A_465 : vector<16xi32> to vector<16xi32>
      %get3A_467 = arith.index_cast %mul3A_463 : i32 to index
      %get3A_468 = tpu.vector_load %arg7[%get3A_467] {strides = array<i32>} : memref<31744xf32, #tpu.memory_space<vmem>>, vector<16xf32>,
      %get3A_469 = vector.shape_cast %get3A_468 : vector<16xf32> to vector<16xf32>
      %broadcast_in_dim3A_470 = vector.shape_cast %get3A_466 : vector<16xi32> to vector<16x1xi32>
      %gather3A_471 = vector.shape_cast %broadcast_in_dim3A_470 : vector<16x1xi32> to vector<16xi32>
      %gather3A_472 = tpu.dynamic_gather %get3A_116[%gather3A_471] in [0] : vector<16xf32>, vector<16xi32> -> vector<16xf32>
      %mul3A_473 = arith.mulf %gather3A_472, %get3A_469 : vector<16xf32>
      %broadcast_in_dim3A_474 = vector.shape_cast %get3A_466 : vector<16xi32> to vector<16x1xi32>
      %gather3A_475 = vector.shape_cast %broadcast_in_dim3A_474 : vector<16x1xi32> to vector<16xi32>
      %gather3A_476 = tpu.dynamic_gather %get3A_119[%gather3A_475] in [0] : vector<16xf32>, vector<16xi32> -> vector<16xf32>
      %add3A_477 = arith.addf %mul3A_473, %gather3A_476 : vector<16xf32>
      %swap3A_478 = arith.index_cast %mul3A_463 : i32 to index
      %swap3A_479 = tpu.vector_load %arg9[%swap3A_478] {strides = array<i32>} : memref<31744xf32, #tpu.memory_space<vmem>>, vector<16xf32>,
      %swap3A_480 = vector.shape_cast %swap3A_479 : vector<16xf32> to vector<16xf32>
      %swap3A_481 = vector.shape_cast %add3A_477 : vector<16xf32> to vector<16xf32>
      tpu.vector_store %arg9[%swap3A_478], %swap3A_481 {strides = array<i32>} : memref<31744xf32, #tpu.memory_space<vmem>>, vector<16xf32>,
      %mul3A_482 = arith.constant 8 : i32
      %mul3A_483 = arith.muli %scan3A_406, %mul3A_482 : i32
      %add3A_484 = arith.constant 992 : i32
      %add3A_485 = arith.addi %add3A_484, %mul3A_483 : i32
      %add3A_486 = arith.constant 3 : i32
      %add3A_487 = arith.addi %add3A_485, %add3A_486 : i32
      %mul3A_488 = arith.constant 16 : i32
      %mul3A_489 = arith.muli %add3A_487, %mul3A_488 : i32
      %get3A_490 = arith.index_cast %mul3A_489 : i32 to index
      %get3A_491 = tpu.vector_load %arg8[%get3A_490] {strides = array<i32>} : memref<31744xi32, #tpu.memory_space<vmem>>, vector<16xi32>,
      %get3A_492 = vector.shape_cast %get3A_491 : vector<16xi32> to vector<16xi32>
      %get3A_493 = arith.index_cast %mul3A_489 : i32 to index
      %get3A_494 = tpu.vector_load %arg7[%get3A_493] {strides = array<i32>} : memref<31744xf32, #tpu.memory_space<vmem>>, vector<16xf32>,
      %get3A_495 = vector.shape_cast %get3A_494 : vector<16xf32> to vector<16xf32>
      %broadcast_in_dim3A_496 = vector.shape_cast %get3A_492 : vector<16xi32> to vector<16x1xi32>
      %gather3A_497 = vector.shape_cast %broadcast_in_dim3A_496 : vector<16x1xi32> to vector<16xi32>
      %gather3A_498 = tpu.dynamic_gather %get3A_116[%gather3A_497] in [0] : vector<16xf32>, vector<16xi32> -> vector<16xf32>
      %mul3A_499 = arith.mulf %gather3A_498, %get3A_495 : vector<16xf32>
      %broadcast_in_dim3A_500 = vector.shape_cast %get3A_492 : vector<16xi32> to vector<16x1xi32>
      %gather3A_501 = vector.shape_cast %broadcast_in_dim3A_500 : vector<16x1xi32> to vector<16xi32>
      %gather3A_502 = tpu.dynamic_gather %get3A_119[%gather3A_501] in [0] : vector<16xf32>, vector<16xi32> -> vector<16xf32>
      %add3A_503 = arith.addf %mul3A_499, %gather3A_502 : vector<16xf32>
      %swap3A_504 = arith.index_cast %mul3A_489 : i32 to index
      %swap3A_505 = tpu.vector_load %arg9[%swap3A_504] {strides = array<i32>} : memref<31744xf32, #tpu.memory_space<vmem>>, vector<16xf32>,
      %swap3A_506 = vector.shape_cast %swap3A_505 : vector<16xf32> to vector<16xf32>
      %swap3A_507 = vector.shape_cast %add3A_503 : vector<16xf32> to vector<16xf32>
      tpu.vector_store %arg9[%swap3A_504], %swap3A_507 {strides = array<i32>} : memref<31744xf32, #tpu.memory_space<vmem>>, vector<16xf32>,
      %mul3A_508 = arith.constant 8 : i32
      %mul3A_509 = arith.muli %scan3A_406, %mul3A_508 : i32
      %add3A_510 = arith.constant 992 : i32
      %add3A_511 = arith.addi %add3A_510, %mul3A_509 : i32
      %add3A_512 = arith.constant 4 : i32
      %add3A_513 = arith.addi %add3A_511, %add3A_512 : i32
      %mul3A_514 = arith.constant 16 : i32
      %mul3A_515 = arith.muli %add3A_513, %mul3A_514 : i32
      %get3A_516 = arith.index_cast %mul3A_515 : i32 to index
      %get3A_517 = tpu.vector_load %arg8[%get3A_516] {strides = array<i32>} : memref<31744xi32, #tpu.memory_space<vmem>>, vector<16xi32>,
      %get3A_518 = vector.shape_cast %get3A_517 : vector<16xi32> to vector<16xi32>
      %get3A_519 = arith.index_cast %mul3A_515 : i32 to index
      %get3A_520 = tpu.vector_load %arg7[%get3A_519] {strides = array<i32>} : memref<31744xf32, #tpu.memory_space<vmem>>, vector<16xf32>,
      %get3A_521 = vector.shape_cast %get3A_520 : vector<16xf32> to vector<16xf32>
      %broadcast_in_dim3A_522 = vector.shape_cast %get3A_518 : vector<16xi32> to vector<16x1xi32>
      %gather3A_523 = vector.shape_cast %broadcast_in_dim3A_522 : vector<16x1xi32> to vector<16xi32>
      %gather3A_524 = tpu.dynamic_gather %get3A_116[%gather3A_523] in [0] : vector<16xf32>, vector<16xi32> -> vector<16xf32>
      %mul3A_525 = arith.mulf %gather3A_524, %get3A_521 : vector<16xf32>
      %broadcast_in_dim3A_526 = vector.shape_cast %get3A_518 : vector<16xi32> to vector<16x1xi32>
      %gather3A_527 = vector.shape_cast %broadcast_in_dim3A_526 : vector<16x1xi32> to vector<16xi32>
      %gather3A_528 = tpu.dynamic_gather %get3A_119[%gather3A_527] in [0] : vector<16xf32>, vector<16xi32> -> vector<16xf32>
      %add3A_529 = arith.addf %mul3A_525, %gather3A_528 : vector<16xf32>
      %swap3A_530 = arith.index_cast %mul3A_515 : i32 to index
      %swap3A_531 = tpu.vector_load %arg9[%swap3A_530] {strides = array<i32>} : memref<31744xf32, #tpu.memory_space<vmem>>, vector<16xf32>,
      %swap3A_532 = vector.shape_cast %swap3A_531 : vector<16xf32> to vector<16xf32>
      %swap3A_533 = vector.shape_cast %add3A_529 : vector<16xf32> to vector<16xf32>
      tpu.vector_store %arg9[%swap3A_530], %swap3A_533 {strides = array<i32>} : memref<31744xf32, #tpu.memory_space<vmem>>, vector<16xf32>,
      %mul3A_534 = arith.constant 8 : i32
      %mul3A_535 = arith.muli %scan3A_406, %mul3A_534 : i32
      %add3A_536 = arith.constant 992 : i32
      %add3A_537 = arith.addi %add3A_536, %mul3A_535 : i32
      %add3A_538 = arith.constant 5 : i32
      %add3A_539 = arith.addi %add3A_537, %add3A_538 : i32
      %mul3A_540 = arith.constant 16 : i32
      %mul3A_541 = arith.muli %add3A_539, %mul3A_540 : i32
      %get3A_542 = arith.index_cast %mul3A_541 : i32 to index
      %get3A_543 = tpu.vector_load %arg8[%get3A_542] {strides = array<i32>} : memref<31744xi32, #tpu.memory_space<vmem>>, vector<16xi32>,
      %get3A_544 = vector.shape_cast %get3A_543 : vector<16xi32> to vector<16xi32>
      %get3A_545 = arith.index_cast %mul3A_541 : i32 to index
      %get3A_546 = tpu.vector_load %arg7[%get3A_545] {strides = array<i32>} : memref<31744xf32, #tpu.memory_space<vmem>>, vector<16xf32>,
      %get3A_547 = vector.shape_cast %get3A_546 : vector<16xf32> to vector<16xf32>
      %broadcast_in_dim3A_548 = vector.shape_cast %get3A_544 : vector<16xi32> to vector<16x1xi32>
      %gather3A_549 = vector.shape_cast %broadcast_in_dim3A_548 : vector<16x1xi32> to vector<16xi32>
      %gather3A_550 = tpu.dynamic_gather %get3A_116[%gather3A_549] in [0] : vector<16xf32>, vector<16xi32> -> vector<16xf32>
      %mul3A_551 = arith.mulf %gather3A_550, %get3A_547 : vector<16xf32>
      %broadcast_in_dim3A_552 = vector.shape_cast %get3A_544 : vector<16xi32> to vector<16x1xi32>
      %gather3A_553 = vector.shape_cast %broadcast_in_dim3A_552 : vector<16x1xi32> to vector<16xi32>
      %gather3A_554 = tpu.dynamic_gather %get3A_119[%gather3A_553] in [0] : vector<16xf32>, vector<16xi32> -> vector<16xf32>
      %add3A_555 = arith.addf %mul3A_551, %gather3A_554 : vector<16xf32>
      %swap3A_556 = arith.index_cast %mul3A_541 : i32 to index
      %swap3A_557 = tpu.vector_load %arg9[%swap3A_556] {strides = array<i32>} : memref<31744xf32, #tpu.memory_space<vmem>>, vector<16xf32>,
      %swap3A_558 = vector.shape_cast %swap3A_557 : vector<16xf32> to vector<16xf32>
      %swap3A_559 = vector.shape_cast %add3A_555 : vector<16xf32> to vector<16xf32>
      tpu.vector_store %arg9[%swap3A_556], %swap3A_559 {strides = array<i32>} : memref<31744xf32, #tpu.memory_space<vmem>>, vector<16xf32>,
      %mul3A_560 = arith.constant 8 : i32
      %mul3A_561 = arith.muli %scan3A_406, %mul3A_560 : i32
      %add3A_562 = arith.constant 992 : i32
      %add3A_563 = arith.addi %add3A_562, %mul3A_561 : i32
      %add3A_564 = arith.constant 6 : i32
      %add3A_565 = arith.addi %add3A_563, %add3A_564 : i32
      %mul3A_566 = arith.constant 16 : i32
      %mul3A_567 = arith.muli %add3A_565, %mul3A_566 : i32
      %get3A_568 = arith.index_cast %mul3A_567 : i32 to index
      %get3A_569 = tpu.vector_load %arg8[%get3A_568] {strides = array<i32>} : memref<31744xi32, #tpu.memory_space<vmem>>, vector<16xi32>,
      %get3A_570 = vector.shape_cast %get3A_569 : vector<16xi32> to vector<16xi32>
      %get3A_571 = arith.index_cast %mul3A_567 : i32 to index
      %get3A_572 = tpu.vector_load %arg7[%get3A_571] {strides = array<i32>} : memref<31744xf32, #tpu.memory_space<vmem>>, vector<16xf32>,
      %get3A_573 = vector.shape_cast %get3A_572 : vector<16xf32> to vector<16xf32>
      %broadcast_in_dim3A_574 = vector.shape_cast %get3A_570 : vector<16xi32> to vector<16x1xi32>
      %gather3A_575 = vector.shape_cast %broadcast_in_dim3A_574 : vector<16x1xi32> to vector<16xi32>
      %gather3A_576 = tpu.dynamic_gather %get3A_116[%gather3A_575] in [0] : vector<16xf32>, vector<16xi32> -> vector<16xf32>
      %mul3A_577 = arith.mulf %gather3A_576, %get3A_573 : vector<16xf32>
      %broadcast_in_dim3A_578 = vector.shape_cast %get3A_570 : vector<16xi32> to vector<16x1xi32>
      %gather3A_579 = vector.shape_cast %broadcast_in_dim3A_578 : vector<16x1xi32> to vector<16xi32>
      %gather3A_580 = tpu.dynamic_gather %get3A_119[%gather3A_579] in [0] : vector<16xf32>, vector<16xi32> -> vector<16xf32>
      %add3A_581 = arith.addf %mul3A_577, %gather3A_580 : vector<16xf32>
      %swap3A_582 = arith.index_cast %mul3A_567 : i32 to index
      %swap3A_583 = tpu.vector_load %arg9[%swap3A_582] {strides = array<i32>} : memref<31744xf32, #tpu.memory_space<vmem>>, vector<16xf32>,
      %swap3A_584 = vector.shape_cast %swap3A_583 : vector<16xf32> to vector<16xf32>
      %swap3A_585 = vector.shape_cast %add3A_581 : vector<16xf32> to vector<16xf32>
      tpu.vector_store %arg9[%swap3A_582], %swap3A_585 {strides = array<i32>} : memref<31744xf32, #tpu.memory_space<vmem>>, vector<16xf32>,
      %mul3A_586 = arith.constant 8 : i32
      %mul3A_587 = arith.muli %scan3A_406, %mul3A_586 : i32
      %add3A_588 = arith.constant 992 : i32
      %add3A_589 = arith.addi %add3A_588, %mul3A_587 : i32
      %add3A_590 = arith.constant 7 : i32
      %add3A_591 = arith.addi %add3A_589, %add3A_590 : i32
      %mul3A_592 = arith.constant 16 : i32
      %mul3A_593 = arith.muli %add3A_591, %mul3A_592 : i32
      %get3A_594 = arith.index_cast %mul3A_593 : i32 to index
      %get3A_595 = tpu.vector_load %arg8[%get3A_594] {strides = array<i32>} : memref<31744xi32, #tpu.memory_space<vmem>>, vector<16xi32>,
      %get3A_596 = vector.shape_cast %get3A_595 : vector<16xi32> to vector<16xi32>
      %get3A_597 = arith.index_cast %mul3A_593 : i32 to index
      %get3A_598 = tpu.vector_load %arg7[%get3A_597] {strides = array<i32>} : memref<31744xf32, #tpu.memory_space<vmem>>, vector<16xf32>,
      %get3A_599 = vector.shape_cast %get3A_598 : vector<16xf32> to vector<16xf32>
      %broadcast_in_dim3A_600 = vector.shape_cast %get3A_596 : vector<16xi32> to vector<16x1xi32>
      %gather3A_601 = vector.shape_cast %broadcast_in_dim3A_600 : vector<16x1xi32> to vector<16xi32>
      %gather3A_602 = tpu.dynamic_gather %get3A_116[%gather3A_601] in [0] : vector<16xf32>, vector<16xi32> -> vector<16xf32>
      %mul3A_603 = arith.mulf %gather3A_602, %get3A_599 : vector<16xf32>
      %broadcast_in_dim3A_604 = vector.shape_cast %get3A_596 : vector<16xi32> to vector<16x1xi32>
      %gather3A_605 = vector.shape_cast %broadcast_in_dim3A_604 : vector<16x1xi32> to vector<16xi32>
      %gather3A_606 = tpu.dynamic_gather %get3A_119[%gather3A_605] in [0] : vector<16xf32>, vector<16xi32> -> vector<16xf32>
      %add3A_607 = arith.addf %mul3A_603, %gather3A_606 : vector<16xf32>
      %swap3A_608 = arith.index_cast %mul3A_593 : i32 to index
      %swap3A_609 = tpu.vector_load %arg9[%swap3A_608] {strides = array<i32>} : memref<31744xf32, #tpu.memory_space<vmem>>, vector<16xf32>,
      %swap3A_610 = vector.shape_cast %swap3A_609 : vector<16xf32> to vector<16xf32>
      %swap3A_611 = vector.shape_cast %add3A_607 : vector<16xf32> to vector<16xf32>
      tpu.vector_store %arg9[%swap3A_608], %swap3A_611 {strides = array<i32>} : memref<31744xf32, #tpu.memory_space<vmem>>, vector<16xf32>,
    }
    %scan3A_241 = arith.constant 31 : i32
    %add3A_242 = arith.constant 11904 : i32
    %add3A_243 = arith.addi %min3A_3, %add3A_242 : i32
    %dma_start3A_244 = arith.constant 11904 : i32
    %dma_start3A_245 = tpu.memref_slice %arg9[%dma_start3A_244] : memref<31744xf32, #tpu.memory_space<vmem>> -> memref<3968xf32, #tpu.memory_space<vmem>>
    %dma_start3A_246 = tpu.memref_slice %arg6[%add3A_243] : memref<1000000xf32, #tpu.memory_space<hbm>> -> memref<3968xf32, #tpu.memory_space<hbm>>
    %dma_start3A_247 = tpu.memref_slice %arg6[%add3A_243] : memref<1000000xf32, #tpu.memory_space<hbm>> -> memref<3968xf32, #tpu.memory_space<hbm>>
    %dma_start3A_248 = arith.constant 11904 : i32
    %dma_start3A_249 = tpu.memref_slice %arg9[%dma_start3A_248] : memref<31744xf32, #tpu.memory_space<vmem>> -> memref<3968xf32, #tpu.memory_space<vmem>>
    tpu.enqueue_dma source(%dma_start3A_249 : memref<3968xf32, #tpu.memory_space<vmem>>) target(%dma_start3A_247 : memref<3968xf32, #tpu.memory_space<hbm>>) target_semaphore(%arg21 : memref<!tpu.dma_semaphore, #tpu.memory_space<semaphore_mem>>)
    %add3A_250 = arith.constant 19840 : i32
    %add3A_251 = arith.addi %min3A_3, %add3A_250 : i32
    %dma_wait3A_252 = arith.constant 19840 : i32
    %dma_wait3A_253 = tpu.memref_slice %arg7[%dma_wait3A_252] : memref<31744xf32, #tpu.memory_space<vmem>> -> memref<3968xf32, #tpu.memory_space<vmem>>
    %dma_wait3A_254 = tpu.memref_slice %arg2[%add3A_251] : memref<1000000xf32, #tpu.memory_space<hbm>> -> memref<3968xf32, #tpu.memory_space<hbm>>
    %dma_wait3A_255 = arith.constant 19840 : i32
    %dma_wait3A_256 = tpu.memref_slice %arg7[%dma_wait3A_255] : memref<31744xf32, #tpu.memory_space<vmem>> -> memref<3968xf32, #tpu.memory_space<vmem>>
    %dma_wait3A_257 = tpu.memref_slice %arg2[%add3A_251] : memref<1000000xf32, #tpu.memory_space<hbm>> -> memref<3968xf32, #tpu.memory_space<hbm>>
    tpu.wait_dma2 semaphore(%arg17 : memref<!tpu.dma_semaphore, #tpu.memory_space<semaphore_mem>>) src(%dma_wait3A_257 : memref<3968xf32, #tpu.memory_space<hbm>>) dst(%dma_wait3A_256 : memref<3968xf32, #tpu.memory_space<vmem>>)
    %dma_wait3A_258 = arith.constant 19840 : i32
    %dma_wait3A_259 = tpu.memref_slice %arg8[%dma_wait3A_258] : memref<31744xi32, #tpu.memory_space<vmem>> -> memref<3968xi32, #tpu.memory_space<vmem>>
    %dma_wait3A_260 = tpu.memref_slice %arg3[%add3A_251] : memref<1000000xi32, #tpu.memory_space<hbm>> -> memref<3968xi32, #tpu.memory_space<hbm>>
    %dma_wait3A_261 = arith.constant 19840 : i32
    %dma_wait3A_262 = tpu.memref_slice %arg8[%dma_wait3A_261] : memref<31744xi32, #tpu.memory_space<vmem>> -> memref<3968xi32, #tpu.memory_space<vmem>>
    %dma_wait3A_263 = tpu.memref_slice %arg3[%add3A_251] : memref<1000000xi32, #tpu.memory_space<hbm>> -> memref<3968xi32, #tpu.memory_space<hbm>>
    tpu.wait_dma2 semaphore(%arg17 : memref<!tpu.dma_semaphore, #tpu.memory_space<semaphore_mem>>) src(%dma_wait3A_263 : memref<3968xi32, #tpu.memory_space<hbm>>) dst(%dma_wait3A_262 : memref<3968xi32, #tpu.memory_space<vmem>>)
    %scan3A_264 = arith.constant 0 : i32
    %scan3A_265 = arith.constant 0 : i32
    %scan3A_266 = arith.constant 31 : i32
    %scan3A_267 = arith.addi %scan3A_265, %scan3A_266 : i32
    %scan3A_268 = arith.constant 1 : i32
    scf.for %scan3A_406 = %scan3A_265 to %scan3A_267 step %scan3A_268  : i32 {
      %mul3A_407 = arith.constant 8 : i32
      %mul3A_408 = arith.muli %scan3A_406, %mul3A_407 : i32
      %add3A_409 = arith.constant 1240 : i32
      %add3A_410 = arith.addi %add3A_409, %mul3A_408 : i32
      %add3A_411 = arith.constant 0 : i32
      %add3A_412 = arith.addi %add3A_410, %add3A_411 : i32
      %mul3A_413 = arith.constant 16 : i32
      %mul3A_414 = arith.muli %add3A_412, %mul3A_413 : i32
      %get3A_415 = arith.index_cast %mul3A_414 : i32 to index
      %get3A_416 = tpu.vector_load %arg8[%get3A_415] {strides = array<i32>} : memref<31744xi32, #tpu.memory_space<vmem>>, vector<16xi32>,
      %get3A_417 = vector.shape_cast %get3A_416 : vector<16xi32> to vector<16xi32>
      %get3A_418 = arith.index_cast %mul3A_414 : i32 to index
      %get3A_419 = tpu.vector_load %arg7[%get3A_418] {strides = array<i32>} : memref<31744xf32, #tpu.memory_space<vmem>>, vector<16xf32>,
      %get3A_420 = vector.shape_cast %get3A_419 : vector<16xf32> to vector<16xf32>
      %broadcast_in_dim3A = vector.shape_cast %get3A_417 : vector<16xi32> to vector<16x1xi32>
      %gather3A = vector.shape_cast %broadcast_in_dim3A : vector<16x1xi32> to vector<16xi32>
      %gather3A_421 = tpu.dynamic_gather %get3A_116[%gather3A] in [0] : vector<16xf32>, vector<16xi32> -> vector<16xf32>
      %mul3A_422 = arith.mulf %gather3A_421, %get3A_420 : vector<16xf32>
      %broadcast_in_dim3A_423 = vector.shape_cast %get3A_417 : vector<16xi32> to vector<16x1xi32>
      %gather3A_424 = vector.shape_cast %broadcast_in_dim3A_423 : vector<16x1xi32> to vector<16xi32>
      %gather3A_425 = tpu.dynamic_gather %get3A_119[%gather3A_424] in [0] : vector<16xf32>, vector<16xi32> -> vector<16xf32>
      %add3A_426 = arith.addf %mul3A_422, %gather3A_425 : vector<16xf32>
      %swap3A = arith.index_cast %mul3A_414 : i32 to index
      %swap3A_427 = tpu.vector_load %arg9[%swap3A] {strides = array<i32>} : memref<31744xf32, #tpu.memory_space<vmem>>, vector<16xf32>,
      %swap3A_428 = vector.shape_cast %swap3A_427 : vector<16xf32> to vector<16xf32>
      %swap3A_429 = vector.shape_cast %add3A_426 : vector<16xf32> to vector<16xf32>
      tpu.vector_store %arg9[%swap3A], %swap3A_429 {strides = array<i32>} : memref<31744xf32, #tpu.memory_space<vmem>>, vector<16xf32>,
      %mul3A_430 = arith.constant 8 : i32
      %mul3A_431 = arith.muli %scan3A_406, %mul3A_430 : i32
      %add3A_432 = arith.constant 1240 : i32
      %add3A_433 = arith.addi %add3A_432, %mul3A_431 : i32
      %add3A_434 = arith.constant 1 : i32
      %add3A_435 = arith.addi %add3A_433, %add3A_434 : i32
      %mul3A_436 = arith.constant 16 : i32
      %mul3A_437 = arith.muli %add3A_435, %mul3A_436 : i32
      %get3A_438 = arith.index_cast %mul3A_437 : i32 to index
      %get3A_439 = tpu.vector_load %arg8[%get3A_438] {strides = array<i32>} : memref<31744xi32, #tpu.memory_space<vmem>>, vector<16xi32>,
      %get3A_440 = vector.shape_cast %get3A_439 : vector<16xi32> to vector<16xi32>
      %get3A_441 = arith.index_cast %mul3A_437 : i32 to index
      %get3A_442 = tpu.vector_load %arg7[%get3A_441] {strides = array<i32>} : memref<31744xf32, #tpu.memory_space<vmem>>, vector<16xf32>,
      %get3A_443 = vector.shape_cast %get3A_442 : vector<16xf32> to vector<16xf32>
      %broadcast_in_dim3A_444 = vector.shape_cast %get3A_440 : vector<16xi32> to vector<16x1xi32>
      %gather3A_445 = vector.shape_cast %broadcast_in_dim3A_444 : vector<16x1xi32> to vector<16xi32>
      %gather3A_446 = tpu.dynamic_gather %get3A_116[%gather3A_445] in [0] : vector<16xf32>, vector<16xi32> -> vector<16xf32>
      %mul3A_447 = arith.mulf %gather3A_446, %get3A_443 : vector<16xf32>
      %broadcast_in_dim3A_448 = vector.shape_cast %get3A_440 : vector<16xi32> to vector<16x1xi32>
      %gather3A_449 = vector.shape_cast %broadcast_in_dim3A_448 : vector<16x1xi32> to vector<16xi32>
      %gather3A_450 = tpu.dynamic_gather %get3A_119[%gather3A_449] in [0] : vector<16xf32>, vector<16xi32> -> vector<16xf32>
      %add3A_451 = arith.addf %mul3A_447, %gather3A_450 : vector<16xf32>
      %swap3A_452 = arith.index_cast %mul3A_437 : i32 to index
      %swap3A_453 = tpu.vector_load %arg9[%swap3A_452] {strides = array<i32>} : memref<31744xf32, #tpu.memory_space<vmem>>, vector<16xf32>,
      %swap3A_454 = vector.shape_cast %swap3A_453 : vector<16xf32> to vector<16xf32>
      %swap3A_455 = vector.shape_cast %add3A_451 : vector<16xf32> to vector<16xf32>
      tpu.vector_store %arg9[%swap3A_452], %swap3A_455 {strides = array<i32>} : memref<31744xf32, #tpu.memory_space<vmem>>, vector<16xf32>,
      %mul3A_456 = arith.constant 8 : i32
      %mul3A_457 = arith.muli %scan3A_406, %mul3A_456 : i32
      %add3A_458 = arith.constant 1240 : i32
      %add3A_459 = arith.addi %add3A_458, %mul3A_457 : i32
      %add3A_460 = arith.constant 2 : i32
      %add3A_461 = arith.addi %add3A_459, %add3A_460 : i32
      %mul3A_462 = arith.constant 16 : i32
      %mul3A_463 = arith.muli %add3A_461, %mul3A_462 : i32
      %get3A_464 = arith.index_cast %mul3A_463 : i32 to index
      %get3A_465 = tpu.vector_load %arg8[%get3A_464] {strides = array<i32>} : memref<31744xi32, #tpu.memory_space<vmem>>, vector<16xi32>,
      %get3A_466 = vector.shape_cast %get3A_465 : vector<16xi32> to vector<16xi32>
      %get3A_467 = arith.index_cast %mul3A_463 : i32 to index
      %get3A_468 = tpu.vector_load %arg7[%get3A_467] {strides = array<i32>} : memref<31744xf32, #tpu.memory_space<vmem>>, vector<16xf32>,
      %get3A_469 = vector.shape_cast %get3A_468 : vector<16xf32> to vector<16xf32>
      %broadcast_in_dim3A_470 = vector.shape_cast %get3A_466 : vector<16xi32> to vector<16x1xi32>
      %gather3A_471 = vector.shape_cast %broadcast_in_dim3A_470 : vector<16x1xi32> to vector<16xi32>
      %gather3A_472 = tpu.dynamic_gather %get3A_116[%gather3A_471] in [0] : vector<16xf32>, vector<16xi32> -> vector<16xf32>
      %mul3A_473 = arith.mulf %gather3A_472, %get3A_469 : vector<16xf32>
      %broadcast_in_dim3A_474 = vector.shape_cast %get3A_466 : vector<16xi32> to vector<16x1xi32>
      %gather3A_475 = vector.shape_cast %broadcast_in_dim3A_474 : vector<16x1xi32> to vector<16xi32>
      %gather3A_476 = tpu.dynamic_gather %get3A_119[%gather3A_475] in [0] : vector<16xf32>, vector<16xi32> -> vector<16xf32>
      %add3A_477 = arith.addf %mul3A_473, %gather3A_476 : vector<16xf32>
      %swap3A_478 = arith.index_cast %mul3A_463 : i32 to index
      %swap3A_479 = tpu.vector_load %arg9[%swap3A_478] {strides = array<i32>} : memref<31744xf32, #tpu.memory_space<vmem>>, vector<16xf32>,
      %swap3A_480 = vector.shape_cast %swap3A_479 : vector<16xf32> to vector<16xf32>
      %swap3A_481 = vector.shape_cast %add3A_477 : vector<16xf32> to vector<16xf32>
      tpu.vector_store %arg9[%swap3A_478], %swap3A_481 {strides = array<i32>} : memref<31744xf32, #tpu.memory_space<vmem>>, vector<16xf32>,
      %mul3A_482 = arith.constant 8 : i32
      %mul3A_483 = arith.muli %scan3A_406, %mul3A_482 : i32
      %add3A_484 = arith.constant 1240 : i32
      %add3A_485 = arith.addi %add3A_484, %mul3A_483 : i32
      %add3A_486 = arith.constant 3 : i32
      %add3A_487 = arith.addi %add3A_485, %add3A_486 : i32
      %mul3A_488 = arith.constant 16 : i32
      %mul3A_489 = arith.muli %add3A_487, %mul3A_488 : i32
      %get3A_490 = arith.index_cast %mul3A_489 : i32 to index
      %get3A_491 = tpu.vector_load %arg8[%get3A_490] {strides = array<i32>} : memref<31744xi32, #tpu.memory_space<vmem>>, vector<16xi32>,
      %get3A_492 = vector.shape_cast %get3A_491 : vector<16xi32> to vector<16xi32>
      %get3A_493 = arith.index_cast %mul3A_489 : i32 to index
      %get3A_494 = tpu.vector_load %arg7[%get3A_493] {strides = array<i32>} : memref<31744xf32, #tpu.memory_space<vmem>>, vector<16xf32>,
      %get3A_495 = vector.shape_cast %get3A_494 : vector<16xf32> to vector<16xf32>
      %broadcast_in_dim3A_496 = vector.shape_cast %get3A_492 : vector<16xi32> to vector<16x1xi32>
      %gather3A_497 = vector.shape_cast %broadcast_in_dim3A_496 : vector<16x1xi32> to vector<16xi32>
      %gather3A_498 = tpu.dynamic_gather %get3A_116[%gather3A_497] in [0] : vector<16xf32>, vector<16xi32> -> vector<16xf32>
      %mul3A_499 = arith.mulf %gather3A_498, %get3A_495 : vector<16xf32>
      %broadcast_in_dim3A_500 = vector.shape_cast %get3A_492 : vector<16xi32> to vector<16x1xi32>
      %gather3A_501 = vector.shape_cast %broadcast_in_dim3A_500 : vector<16x1xi32> to vector<16xi32>
      %gather3A_502 = tpu.dynamic_gather %get3A_119[%gather3A_501] in [0] : vector<16xf32>, vector<16xi32> -> vector<16xf32>
      %add3A_503 = arith.addf %mul3A_499, %gather3A_502 : vector<16xf32>
      %swap3A_504 = arith.index_cast %mul3A_489 : i32 to index
      %swap3A_505 = tpu.vector_load %arg9[%swap3A_504] {strides = array<i32>} : memref<31744xf32, #tpu.memory_space<vmem>>, vector<16xf32>,
      %swap3A_506 = vector.shape_cast %swap3A_505 : vector<16xf32> to vector<16xf32>
      %swap3A_507 = vector.shape_cast %add3A_503 : vector<16xf32> to vector<16xf32>
      tpu.vector_store %arg9[%swap3A_504], %swap3A_507 {strides = array<i32>} : memref<31744xf32, #tpu.memory_space<vmem>>, vector<16xf32>,
      %mul3A_508 = arith.constant 8 : i32
      %mul3A_509 = arith.muli %scan3A_406, %mul3A_508 : i32
      %add3A_510 = arith.constant 1240 : i32
      %add3A_511 = arith.addi %add3A_510, %mul3A_509 : i32
      %add3A_512 = arith.constant 4 : i32
      %add3A_513 = arith.addi %add3A_511, %add3A_512 : i32
      %mul3A_514 = arith.constant 16 : i32
      %mul3A_515 = arith.muli %add3A_513, %mul3A_514 : i32
      %get3A_516 = arith.index_cast %mul3A_515 : i32 to index
      %get3A_517 = tpu.vector_load %arg8[%get3A_516] {strides = array<i32>} : memref<31744xi32, #tpu.memory_space<vmem>>, vector<16xi32>,
      %get3A_518 = vector.shape_cast %get3A_517 : vector<16xi32> to vector<16xi32>
      %get3A_519 = arith.index_cast %mul3A_515 : i32 to index
      %get3A_520 = tpu.vector_load %arg7[%get3A_519] {strides = array<i32>} : memref<31744xf32, #tpu.memory_space<vmem>>, vector<16xf32>,
      %get3A_521 = vector.shape_cast %get3A_520 : vector<16xf32> to vector<16xf32>
      %broadcast_in_dim3A_522 = vector.shape_cast %get3A_518 : vector<16xi32> to vector<16x1xi32>
      %gather3A_523 = vector.shape_cast %broadcast_in_dim3A_522 : vector<16x1xi32> to vector<16xi32>
      %gather3A_524 = tpu.dynamic_gather %get3A_116[%gather3A_523] in [0] : vector<16xf32>, vector<16xi32> -> vector<16xf32>
      %mul3A_525 = arith.mulf %gather3A_524, %get3A_521 : vector<16xf32>
      %broadcast_in_dim3A_526 = vector.shape_cast %get3A_518 : vector<16xi32> to vector<16x1xi32>
      %gather3A_527 = vector.shape_cast %broadcast_in_dim3A_526 : vector<16x1xi32> to vector<16xi32>
      %gather3A_528 = tpu.dynamic_gather %get3A_119[%gather3A_527] in [0] : vector<16xf32>, vector<16xi32> -> vector<16xf32>
      %add3A_529 = arith.addf %mul3A_525, %gather3A_528 : vector<16xf32>
      %swap3A_530 = arith.index_cast %mul3A_515 : i32 to index
      %swap3A_531 = tpu.vector_load %arg9[%swap3A_530] {strides = array<i32>} : memref<31744xf32, #tpu.memory_space<vmem>>, vector<16xf32>,
      %swap3A_532 = vector.shape_cast %swap3A_531 : vector<16xf32> to vector<16xf32>
      %swap3A_533 = vector.shape_cast %add3A_529 : vector<16xf32> to vector<16xf32>
      tpu.vector_store %arg9[%swap3A_530], %swap3A_533 {strides = array<i32>} : memref<31744xf32, #tpu.memory_space<vmem>>, vector<16xf32>,
      %mul3A_534 = arith.constant 8 : i32
      %mul3A_535 = arith.muli %scan3A_406, %mul3A_534 : i32
      %add3A_536 = arith.constant 1240 : i32
      %add3A_537 = arith.addi %add3A_536, %mul3A_535 : i32
      %add3A_538 = arith.constant 5 : i32
      %add3A_539 = arith.addi %add3A_537, %add3A_538 : i32
      %mul3A_540 = arith.constant 16 : i32
      %mul3A_541 = arith.muli %add3A_539, %mul3A_540 : i32
      %get3A_542 = arith.index_cast %mul3A_541 : i32 to index
      %get3A_543 = tpu.vector_load %arg8[%get3A_542] {strides = array<i32>} : memref<31744xi32, #tpu.memory_space<vmem>>, vector<16xi32>,
      %get3A_544 = vector.shape_cast %get3A_543 : vector<16xi32> to vector<16xi32>
      %get3A_545 = arith.index_cast %mul3A_541 : i32 to index
      %get3A_546 = tpu.vector_load %arg7[%get3A_545] {strides = array<i32>} : memref<31744xf32, #tpu.memory_space<vmem>>, vector<16xf32>,
      %get3A_547 = vector.shape_cast %get3A_546 : vector<16xf32> to vector<16xf32>
      %broadcast_in_dim3A_548 = vector.shape_cast %get3A_544 : vector<16xi32> to vector<16x1xi32>
      %gather3A_549 = vector.shape_cast %broadcast_in_dim3A_548 : vector<16x1xi32> to vector<16xi32>
      %gather3A_550 = tpu.dynamic_gather %get3A_116[%gather3A_549] in [0] : vector<16xf32>, vector<16xi32> -> vector<16xf32>
      %mul3A_551 = arith.mulf %gather3A_550, %get3A_547 : vector<16xf32>
      %broadcast_in_dim3A_552 = vector.shape_cast %get3A_544 : vector<16xi32> to vector<16x1xi32>
      %gather3A_553 = vector.shape_cast %broadcast_in_dim3A_552 : vector<16x1xi32> to vector<16xi32>
      %gather3A_554 = tpu.dynamic_gather %get3A_119[%gather3A_553] in [0] : vector<16xf32>, vector<16xi32> -> vector<16xf32>
      %add3A_555 = arith.addf %mul3A_551, %gather3A_554 : vector<16xf32>
      %swap3A_556 = arith.index_cast %mul3A_541 : i32 to index
      %swap3A_557 = tpu.vector_load %arg9[%swap3A_556] {strides = array<i32>} : memref<31744xf32, #tpu.memory_space<vmem>>, vector<16xf32>,
      %swap3A_558 = vector.shape_cast %swap3A_557 : vector<16xf32> to vector<16xf32>
      %swap3A_559 = vector.shape_cast %add3A_555 : vector<16xf32> to vector<16xf32>
      tpu.vector_store %arg9[%swap3A_556], %swap3A_559 {strides = array<i32>} : memref<31744xf32, #tpu.memory_space<vmem>>, vector<16xf32>,
      %mul3A_560 = arith.constant 8 : i32
      %mul3A_561 = arith.muli %scan3A_406, %mul3A_560 : i32
      %add3A_562 = arith.constant 1240 : i32
      %add3A_563 = arith.addi %add3A_562, %mul3A_561 : i32
      %add3A_564 = arith.constant 6 : i32
      %add3A_565 = arith.addi %add3A_563, %add3A_564 : i32
      %mul3A_566 = arith.constant 16 : i32
      %mul3A_567 = arith.muli %add3A_565, %mul3A_566 : i32
      %get3A_568 = arith.index_cast %mul3A_567 : i32 to index
      %get3A_569 = tpu.vector_load %arg8[%get3A_568] {strides = array<i32>} : memref<31744xi32, #tpu.memory_space<vmem>>, vector<16xi32>,
      %get3A_570 = vector.shape_cast %get3A_569 : vector<16xi32> to vector<16xi32>
      %get3A_571 = arith.index_cast %mul3A_567 : i32 to index
      %get3A_572 = tpu.vector_load %arg7[%get3A_571] {strides = array<i32>} : memref<31744xf32, #tpu.memory_space<vmem>>, vector<16xf32>,
      %get3A_573 = vector.shape_cast %get3A_572 : vector<16xf32> to vector<16xf32>
      %broadcast_in_dim3A_574 = vector.shape_cast %get3A_570 : vector<16xi32> to vector<16x1xi32>
      %gather3A_575 = vector.shape_cast %broadcast_in_dim3A_574 : vector<16x1xi32> to vector<16xi32>
      %gather3A_576 = tpu.dynamic_gather %get3A_116[%gather3A_575] in [0] : vector<16xf32>, vector<16xi32> -> vector<16xf32>
      %mul3A_577 = arith.mulf %gather3A_576, %get3A_573 : vector<16xf32>
      %broadcast_in_dim3A_578 = vector.shape_cast %get3A_570 : vector<16xi32> to vector<16x1xi32>
      %gather3A_579 = vector.shape_cast %broadcast_in_dim3A_578 : vector<16x1xi32> to vector<16xi32>
      %gather3A_580 = tpu.dynamic_gather %get3A_119[%gather3A_579] in [0] : vector<16xf32>, vector<16xi32> -> vector<16xf32>
      %add3A_581 = arith.addf %mul3A_577, %gather3A_580 : vector<16xf32>
      %swap3A_582 = arith.index_cast %mul3A_567 : i32 to index
      %swap3A_583 = tpu.vector_load %arg9[%swap3A_582] {strides = array<i32>} : memref<31744xf32, #tpu.memory_space<vmem>>, vector<16xf32>,
      %swap3A_584 = vector.shape_cast %swap3A_583 : vector<16xf32> to vector<16xf32>
      %swap3A_585 = vector.shape_cast %add3A_581 : vector<16xf32> to vector<16xf32>
      tpu.vector_store %arg9[%swap3A_582], %swap3A_585 {strides = array<i32>} : memref<31744xf32, #tpu.memory_space<vmem>>, vector<16xf32>,
      %mul3A_586 = arith.constant 8 : i32
      %mul3A_587 = arith.muli %scan3A_406, %mul3A_586 : i32
      %add3A_588 = arith.constant 1240 : i32
      %add3A_589 = arith.addi %add3A_588, %mul3A_587 : i32
      %add3A_590 = arith.constant 7 : i32
      %add3A_591 = arith.addi %add3A_589, %add3A_590 : i32
      %mul3A_592 = arith.constant 16 : i32
      %mul3A_593 = arith.muli %add3A_591, %mul3A_592 : i32
      %get3A_594 = arith.index_cast %mul3A_593 : i32 to index
      %get3A_595 = tpu.vector_load %arg8[%get3A_594] {strides = array<i32>} : memref<31744xi32, #tpu.memory_space<vmem>>, vector<16xi32>,
      %get3A_596 = vector.shape_cast %get3A_595 : vector<16xi32> to vector<16xi32>
      %get3A_597 = arith.index_cast %mul3A_593 : i32 to index
      %get3A_598 = tpu.vector_load %arg7[%get3A_597] {strides = array<i32>} : memref<31744xf32, #tpu.memory_space<vmem>>, vector<16xf32>,
      %get3A_599 = vector.shape_cast %get3A_598 : vector<16xf32> to vector<16xf32>
      %broadcast_in_dim3A_600 = vector.shape_cast %get3A_596 : vector<16xi32> to vector<16x1xi32>
      %gather3A_601 = vector.shape_cast %broadcast_in_dim3A_600 : vector<16x1xi32> to vector<16xi32>
      %gather3A_602 = tpu.dynamic_gather %get3A_116[%gather3A_601] in [0] : vector<16xf32>, vector<16xi32> -> vector<16xf32>
      %mul3A_603 = arith.mulf %gather3A_602, %get3A_599 : vector<16xf32>
      %broadcast_in_dim3A_604 = vector.shape_cast %get3A_596 : vector<16xi32> to vector<16x1xi32>
      %gather3A_605 = vector.shape_cast %broadcast_in_dim3A_604 : vector<16x1xi32> to vector<16xi32>
      %gather3A_606 = tpu.dynamic_gather %get3A_119[%gather3A_605] in [0] : vector<16xf32>, vector<16xi32> -> vector<16xf32>
      %add3A_607 = arith.addf %mul3A_603, %gather3A_606 : vector<16xf32>
      %swap3A_608 = arith.index_cast %mul3A_593 : i32 to index
      %swap3A_609 = tpu.vector_load %arg9[%swap3A_608] {strides = array<i32>} : memref<31744xf32, #tpu.memory_space<vmem>>, vector<16xf32>,
      %swap3A_610 = vector.shape_cast %swap3A_609 : vector<16xf32> to vector<16xf32>
      %swap3A_611 = vector.shape_cast %add3A_607 : vector<16xf32> to vector<16xf32>
      tpu.vector_store %arg9[%swap3A_608], %swap3A_611 {strides = array<i32>} : memref<31744xf32, #tpu.memory_space<vmem>>, vector<16xf32>,
    }
    %scan3A_269 = arith.constant 31 : i32
    %add3A_270 = arith.constant 15872 : i32
    %add3A_271 = arith.addi %min3A_3, %add3A_270 : i32
    %dma_start3A_272 = arith.constant 15872 : i32
    %dma_start3A_273 = tpu.memref_slice %arg9[%dma_start3A_272] : memref<31744xf32, #tpu.memory_space<vmem>> -> memref<3968xf32, #tpu.memory_space<vmem>>
    %dma_start3A_274 = tpu.memref_slice %arg6[%add3A_271] : memref<1000000xf32, #tpu.memory_space<hbm>> -> memref<3968xf32, #tpu.memory_space<hbm>>
    %dma_start3A_275 = tpu.memref_slice %arg6[%add3A_271] : memref<1000000xf32, #tpu.memory_space<hbm>> -> memref<3968xf32, #tpu.memory_space<hbm>>
    %dma_start3A_276 = arith.constant 15872 : i32
    %dma_start3A_277 = tpu.memref_slice %arg9[%dma_start3A_276] : memref<31744xf32, #tpu.memory_space<vmem>> -> memref<3968xf32, #tpu.memory_space<vmem>>
    tpu.enqueue_dma source(%dma_start3A_277 : memref<3968xf32, #tpu.memory_space<vmem>>) target(%dma_start3A_275 : memref<3968xf32, #tpu.memory_space<hbm>>) target_semaphore(%arg21 : memref<!tpu.dma_semaphore, #tpu.memory_space<semaphore_mem>>)
    %add3A_278 = arith.constant 23808 : i32
    %add3A_279 = arith.addi %min3A_3, %add3A_278 : i32
    %dma_wait3A_280 = arith.constant 23808 : i32
    %dma_wait3A_281 = tpu.memref_slice %arg7[%dma_wait3A_280] : memref<31744xf32, #tpu.memory_space<vmem>> -> memref<3968xf32, #tpu.memory_space<vmem>>
    %dma_wait3A_282 = tpu.memref_slice %arg2[%add3A_279] : memref<1000000xf32, #tpu.memory_space<hbm>> -> memref<3968xf32, #tpu.memory_space<hbm>>
    %dma_wait3A_283 = arith.constant 23808 : i32
    %dma_wait3A_284 = tpu.memref_slice %arg7[%dma_wait3A_283] : memref<31744xf32, #tpu.memory_space<vmem>> -> memref<3968xf32, #tpu.memory_space<vmem>>
    %dma_wait3A_285 = tpu.memref_slice %arg2[%add3A_279] : memref<1000000xf32, #tpu.memory_space<hbm>> -> memref<3968xf32, #tpu.memory_space<hbm>>
    tpu.wait_dma2 semaphore(%arg18 : memref<!tpu.dma_semaphore, #tpu.memory_space<semaphore_mem>>) src(%dma_wait3A_285 : memref<3968xf32, #tpu.memory_space<hbm>>) dst(%dma_wait3A_284 : memref<3968xf32, #tpu.memory_space<vmem>>)
    %dma_wait3A_286 = arith.constant 23808 : i32
    %dma_wait3A_287 = tpu.memref_slice %arg8[%dma_wait3A_286] : memref<31744xi32, #tpu.memory_space<vmem>> -> memref<3968xi32, #tpu.memory_space<vmem>>
    %dma_wait3A_288 = tpu.memref_slice %arg3[%add3A_279] : memref<1000000xi32, #tpu.memory_space<hbm>> -> memref<3968xi32, #tpu.memory_space<hbm>>
    %dma_wait3A_289 = arith.constant 23808 : i32
    %dma_wait3A_290 = tpu.memref_slice %arg8[%dma_wait3A_289] : memref<31744xi32, #tpu.memory_space<vmem>> -> memref<3968xi32, #tpu.memory_space<vmem>>
    %dma_wait3A_291 = tpu.memref_slice %arg3[%add3A_279] : memref<1000000xi32, #tpu.memory_space<hbm>> -> memref<3968xi32, #tpu.memory_space<hbm>>
    tpu.wait_dma2 semaphore(%arg18 : memref<!tpu.dma_semaphore, #tpu.memory_space<semaphore_mem>>) src(%dma_wait3A_291 : memref<3968xi32, #tpu.memory_space<hbm>>) dst(%dma_wait3A_290 : memref<3968xi32, #tpu.memory_space<vmem>>)
    %scan3A_292 = arith.constant 0 : i32
    %scan3A_293 = arith.constant 0 : i32
    %scan3A_294 = arith.constant 31 : i32
    %scan3A_295 = arith.addi %scan3A_293, %scan3A_294 : i32
    %scan3A_296 = arith.constant 1 : i32
    scf.for %scan3A_406 = %scan3A_293 to %scan3A_295 step %scan3A_296  : i32 {
      %mul3A_407 = arith.constant 8 : i32
      %mul3A_408 = arith.muli %scan3A_406, %mul3A_407 : i32
      %add3A_409 = arith.constant 1488 : i32
      %add3A_410 = arith.addi %add3A_409, %mul3A_408 : i32
      %add3A_411 = arith.constant 0 : i32
      %add3A_412 = arith.addi %add3A_410, %add3A_411 : i32
      %mul3A_413 = arith.constant 16 : i32
      %mul3A_414 = arith.muli %add3A_412, %mul3A_413 : i32
      %get3A_415 = arith.index_cast %mul3A_414 : i32 to index
      %get3A_416 = tpu.vector_load %arg8[%get3A_415] {strides = array<i32>} : memref<31744xi32, #tpu.memory_space<vmem>>, vector<16xi32>,
      %get3A_417 = vector.shape_cast %get3A_416 : vector<16xi32> to vector<16xi32>
      %get3A_418 = arith.index_cast %mul3A_414 : i32 to index
      %get3A_419 = tpu.vector_load %arg7[%get3A_418] {strides = array<i32>} : memref<31744xf32, #tpu.memory_space<vmem>>, vector<16xf32>,
      %get3A_420 = vector.shape_cast %get3A_419 : vector<16xf32> to vector<16xf32>
      %broadcast_in_dim3A = vector.shape_cast %get3A_417 : vector<16xi32> to vector<16x1xi32>
      %gather3A = vector.shape_cast %broadcast_in_dim3A : vector<16x1xi32> to vector<16xi32>
      %gather3A_421 = tpu.dynamic_gather %get3A_116[%gather3A] in [0] : vector<16xf32>, vector<16xi32> -> vector<16xf32>
      %mul3A_422 = arith.mulf %gather3A_421, %get3A_420 : vector<16xf32>
      %broadcast_in_dim3A_423 = vector.shape_cast %get3A_417 : vector<16xi32> to vector<16x1xi32>
      %gather3A_424 = vector.shape_cast %broadcast_in_dim3A_423 : vector<16x1xi32> to vector<16xi32>
      %gather3A_425 = tpu.dynamic_gather %get3A_119[%gather3A_424] in [0] : vector<16xf32>, vector<16xi32> -> vector<16xf32>
      %add3A_426 = arith.addf %mul3A_422, %gather3A_425 : vector<16xf32>
      %swap3A = arith.index_cast %mul3A_414 : i32 to index
      %swap3A_427 = tpu.vector_load %arg9[%swap3A] {strides = array<i32>} : memref<31744xf32, #tpu.memory_space<vmem>>, vector<16xf32>,
      %swap3A_428 = vector.shape_cast %swap3A_427 : vector<16xf32> to vector<16xf32>
      %swap3A_429 = vector.shape_cast %add3A_426 : vector<16xf32> to vector<16xf32>
      tpu.vector_store %arg9[%swap3A], %swap3A_429 {strides = array<i32>} : memref<31744xf32, #tpu.memory_space<vmem>>, vector<16xf32>,
      %mul3A_430 = arith.constant 8 : i32
      %mul3A_431 = arith.muli %scan3A_406, %mul3A_430 : i32
      %add3A_432 = arith.constant 1488 : i32
      %add3A_433 = arith.addi %add3A_432, %mul3A_431 : i32
      %add3A_434 = arith.constant 1 : i32
      %add3A_435 = arith.addi %add3A_433, %add3A_434 : i32
      %mul3A_436 = arith.constant 16 : i32
      %mul3A_437 = arith.muli %add3A_435, %mul3A_436 : i32
      %get3A_438 = arith.index_cast %mul3A_437 : i32 to index
      %get3A_439 = tpu.vector_load %arg8[%get3A_438] {strides = array<i32>} : memref<31744xi32, #tpu.memory_space<vmem>>, vector<16xi32>,
      %get3A_440 = vector.shape_cast %get3A_439 : vector<16xi32> to vector<16xi32>
      %get3A_441 = arith.index_cast %mul3A_437 : i32 to index
      %get3A_442 = tpu.vector_load %arg7[%get3A_441] {strides = array<i32>} : memref<31744xf32, #tpu.memory_space<vmem>>, vector<16xf32>,
      %get3A_443 = vector.shape_cast %get3A_442 : vector<16xf32> to vector<16xf32>
      %broadcast_in_dim3A_444 = vector.shape_cast %get3A_440 : vector<16xi32> to vector<16x1xi32>
      %gather3A_445 = vector.shape_cast %broadcast_in_dim3A_444 : vector<16x1xi32> to vector<16xi32>
      %gather3A_446 = tpu.dynamic_gather %get3A_116[%gather3A_445] in [0] : vector<16xf32>, vector<16xi32> -> vector<16xf32>
      %mul3A_447 = arith.mulf %gather3A_446, %get3A_443 : vector<16xf32>
      %broadcast_in_dim3A_448 = vector.shape_cast %get3A_440 : vector<16xi32> to vector<16x1xi32>
      %gather3A_449 = vector.shape_cast %broadcast_in_dim3A_448 : vector<16x1xi32> to vector<16xi32>
      %gather3A_450 = tpu.dynamic_gather %get3A_119[%gather3A_449] in [0] : vector<16xf32>, vector<16xi32> -> vector<16xf32>
      %add3A_451 = arith.addf %mul3A_447, %gather3A_450 : vector<16xf32>
      %swap3A_452 = arith.index_cast %mul3A_437 : i32 to index
      %swap3A_453 = tpu.vector_load %arg9[%swap3A_452] {strides = array<i32>} : memref<31744xf32, #tpu.memory_space<vmem>>, vector<16xf32>,
      %swap3A_454 = vector.shape_cast %swap3A_453 : vector<16xf32> to vector<16xf32>
      %swap3A_455 = vector.shape_cast %add3A_451 : vector<16xf32> to vector<16xf32>
      tpu.vector_store %arg9[%swap3A_452], %swap3A_455 {strides = array<i32>} : memref<31744xf32, #tpu.memory_space<vmem>>, vector<16xf32>,
      %mul3A_456 = arith.constant 8 : i32
      %mul3A_457 = arith.muli %scan3A_406, %mul3A_456 : i32
      %add3A_458 = arith.constant 1488 : i32
      %add3A_459 = arith.addi %add3A_458, %mul3A_457 : i32
      %add3A_460 = arith.constant 2 : i32
      %add3A_461 = arith.addi %add3A_459, %add3A_460 : i32
      %mul3A_462 = arith.constant 16 : i32
      %mul3A_463 = arith.muli %add3A_461, %mul3A_462 : i32
      %get3A_464 = arith.index_cast %mul3A_463 : i32 to index
      %get3A_465 = tpu.vector_load %arg8[%get3A_464] {strides = array<i32>} : memref<31744xi32, #tpu.memory_space<vmem>>, vector<16xi32>,
      %get3A_466 = vector.shape_cast %get3A_465 : vector<16xi32> to vector<16xi32>
      %get3A_467 = arith.index_cast %mul3A_463 : i32 to index
      %get3A_468 = tpu.vector_load %arg7[%get3A_467] {strides = array<i32>} : memref<31744xf32, #tpu.memory_space<vmem>>, vector<16xf32>,
      %get3A_469 = vector.shape_cast %get3A_468 : vector<16xf32> to vector<16xf32>
      %broadcast_in_dim3A_470 = vector.shape_cast %get3A_466 : vector<16xi32> to vector<16x1xi32>
      %gather3A_471 = vector.shape_cast %broadcast_in_dim3A_470 : vector<16x1xi32> to vector<16xi32>
      %gather3A_472 = tpu.dynamic_gather %get3A_116[%gather3A_471] in [0] : vector<16xf32>, vector<16xi32> -> vector<16xf32>
      %mul3A_473 = arith.mulf %gather3A_472, %get3A_469 : vector<16xf32>
      %broadcast_in_dim3A_474 = vector.shape_cast %get3A_466 : vector<16xi32> to vector<16x1xi32>
      %gather3A_475 = vector.shape_cast %broadcast_in_dim3A_474 : vector<16x1xi32> to vector<16xi32>
      %gather3A_476 = tpu.dynamic_gather %get3A_119[%gather3A_475] in [0] : vector<16xf32>, vector<16xi32> -> vector<16xf32>
      %add3A_477 = arith.addf %mul3A_473, %gather3A_476 : vector<16xf32>
      %swap3A_478 = arith.index_cast %mul3A_463 : i32 to index
      %swap3A_479 = tpu.vector_load %arg9[%swap3A_478] {strides = array<i32>} : memref<31744xf32, #tpu.memory_space<vmem>>, vector<16xf32>,
      %swap3A_480 = vector.shape_cast %swap3A_479 : vector<16xf32> to vector<16xf32>
      %swap3A_481 = vector.shape_cast %add3A_477 : vector<16xf32> to vector<16xf32>
      tpu.vector_store %arg9[%swap3A_478], %swap3A_481 {strides = array<i32>} : memref<31744xf32, #tpu.memory_space<vmem>>, vector<16xf32>,
      %mul3A_482 = arith.constant 8 : i32
      %mul3A_483 = arith.muli %scan3A_406, %mul3A_482 : i32
      %add3A_484 = arith.constant 1488 : i32
      %add3A_485 = arith.addi %add3A_484, %mul3A_483 : i32
      %add3A_486 = arith.constant 3 : i32
      %add3A_487 = arith.addi %add3A_485, %add3A_486 : i32
      %mul3A_488 = arith.constant 16 : i32
      %mul3A_489 = arith.muli %add3A_487, %mul3A_488 : i32
      %get3A_490 = arith.index_cast %mul3A_489 : i32 to index
      %get3A_491 = tpu.vector_load %arg8[%get3A_490] {strides = array<i32>} : memref<31744xi32, #tpu.memory_space<vmem>>, vector<16xi32>,
      %get3A_492 = vector.shape_cast %get3A_491 : vector<16xi32> to vector<16xi32>
      %get3A_493 = arith.index_cast %mul3A_489 : i32 to index
      %get3A_494 = tpu.vector_load %arg7[%get3A_493] {strides = array<i32>} : memref<31744xf32, #tpu.memory_space<vmem>>, vector<16xf32>,
      %get3A_495 = vector.shape_cast %get3A_494 : vector<16xf32> to vector<16xf32>
      %broadcast_in_dim3A_496 = vector.shape_cast %get3A_492 : vector<16xi32> to vector<16x1xi32>
      %gather3A_497 = vector.shape_cast %broadcast_in_dim3A_496 : vector<16x1xi32> to vector<16xi32>
      %gather3A_498 = tpu.dynamic_gather %get3A_116[%gather3A_497] in [0] : vector<16xf32>, vector<16xi32> -> vector<16xf32>
      %mul3A_499 = arith.mulf %gather3A_498, %get3A_495 : vector<16xf32>
      %broadcast_in_dim3A_500 = vector.shape_cast %get3A_492 : vector<16xi32> to vector<16x1xi32>
      %gather3A_501 = vector.shape_cast %broadcast_in_dim3A_500 : vector<16x1xi32> to vector<16xi32>
      %gather3A_502 = tpu.dynamic_gather %get3A_119[%gather3A_501] in [0] : vector<16xf32>, vector<16xi32> -> vector<16xf32>
      %add3A_503 = arith.addf %mul3A_499, %gather3A_502 : vector<16xf32>
      %swap3A_504 = arith.index_cast %mul3A_489 : i32 to index
      %swap3A_505 = tpu.vector_load %arg9[%swap3A_504] {strides = array<i32>} : memref<31744xf32, #tpu.memory_space<vmem>>, vector<16xf32>,
      %swap3A_506 = vector.shape_cast %swap3A_505 : vector<16xf32> to vector<16xf32>
      %swap3A_507 = vector.shape_cast %add3A_503 : vector<16xf32> to vector<16xf32>
      tpu.vector_store %arg9[%swap3A_504], %swap3A_507 {strides = array<i32>} : memref<31744xf32, #tpu.memory_space<vmem>>, vector<16xf32>,
      %mul3A_508 = arith.constant 8 : i32
      %mul3A_509 = arith.muli %scan3A_406, %mul3A_508 : i32
      %add3A_510 = arith.constant 1488 : i32
      %add3A_511 = arith.addi %add3A_510, %mul3A_509 : i32
      %add3A_512 = arith.constant 4 : i32
      %add3A_513 = arith.addi %add3A_511, %add3A_512 : i32
      %mul3A_514 = arith.constant 16 : i32
      %mul3A_515 = arith.muli %add3A_513, %mul3A_514 : i32
      %get3A_516 = arith.index_cast %mul3A_515 : i32 to index
      %get3A_517 = tpu.vector_load %arg8[%get3A_516] {strides = array<i32>} : memref<31744xi32, #tpu.memory_space<vmem>>, vector<16xi32>,
      %get3A_518 = vector.shape_cast %get3A_517 : vector<16xi32> to vector<16xi32>
      %get3A_519 = arith.index_cast %mul3A_515 : i32 to index
      %get3A_520 = tpu.vector_load %arg7[%get3A_519] {strides = array<i32>} : memref<31744xf32, #tpu.memory_space<vmem>>, vector<16xf32>,
      %get3A_521 = vector.shape_cast %get3A_520 : vector<16xf32> to vector<16xf32>
      %broadcast_in_dim3A_522 = vector.shape_cast %get3A_518 : vector<16xi32> to vector<16x1xi32>
      %gather3A_523 = vector.shape_cast %broadcast_in_dim3A_522 : vector<16x1xi32> to vector<16xi32>
      %gather3A_524 = tpu.dynamic_gather %get3A_116[%gather3A_523] in [0] : vector<16xf32>, vector<16xi32> -> vector<16xf32>
      %mul3A_525 = arith.mulf %gather3A_524, %get3A_521 : vector<16xf32>
      %broadcast_in_dim3A_526 = vector.shape_cast %get3A_518 : vector<16xi32> to vector<16x1xi32>
      %gather3A_527 = vector.shape_cast %broadcast_in_dim3A_526 : vector<16x1xi32> to vector<16xi32>
      %gather3A_528 = tpu.dynamic_gather %get3A_119[%gather3A_527] in [0] : vector<16xf32>, vector<16xi32> -> vector<16xf32>
      %add3A_529 = arith.addf %mul3A_525, %gather3A_528 : vector<16xf32>
      %swap3A_530 = arith.index_cast %mul3A_515 : i32 to index
      %swap3A_531 = tpu.vector_load %arg9[%swap3A_530] {strides = array<i32>} : memref<31744xf32, #tpu.memory_space<vmem>>, vector<16xf32>,
      %swap3A_532 = vector.shape_cast %swap3A_531 : vector<16xf32> to vector<16xf32>
      %swap3A_533 = vector.shape_cast %add3A_529 : vector<16xf32> to vector<16xf32>
      tpu.vector_store %arg9[%swap3A_530], %swap3A_533 {strides = array<i32>} : memref<31744xf32, #tpu.memory_space<vmem>>, vector<16xf32>,
      %mul3A_534 = arith.constant 8 : i32
      %mul3A_535 = arith.muli %scan3A_406, %mul3A_534 : i32
      %add3A_536 = arith.constant 1488 : i32
      %add3A_537 = arith.addi %add3A_536, %mul3A_535 : i32
      %add3A_538 = arith.constant 5 : i32
      %add3A_539 = arith.addi %add3A_537, %add3A_538 : i32
      %mul3A_540 = arith.constant 16 : i32
      %mul3A_541 = arith.muli %add3A_539, %mul3A_540 : i32
      %get3A_542 = arith.index_cast %mul3A_541 : i32 to index
      %get3A_543 = tpu.vector_load %arg8[%get3A_542] {strides = array<i32>} : memref<31744xi32, #tpu.memory_space<vmem>>, vector<16xi32>,
      %get3A_544 = vector.shape_cast %get3A_543 : vector<16xi32> to vector<16xi32>
      %get3A_545 = arith.index_cast %mul3A_541 : i32 to index
      %get3A_546 = tpu.vector_load %arg7[%get3A_545] {strides = array<i32>} : memref<31744xf32, #tpu.memory_space<vmem>>, vector<16xf32>,
      %get3A_547 = vector.shape_cast %get3A_546 : vector<16xf32> to vector<16xf32>
      %broadcast_in_dim3A_548 = vector.shape_cast %get3A_544 : vector<16xi32> to vector<16x1xi32>
      %gather3A_549 = vector.shape_cast %broadcast_in_dim3A_548 : vector<16x1xi32> to vector<16xi32>
      %gather3A_550 = tpu.dynamic_gather %get3A_116[%gather3A_549] in [0] : vector<16xf32>, vector<16xi32> -> vector<16xf32>
      %mul3A_551 = arith.mulf %gather3A_550, %get3A_547 : vector<16xf32>
      %broadcast_in_dim3A_552 = vector.shape_cast %get3A_544 : vector<16xi32> to vector<16x1xi32>
      %gather3A_553 = vector.shape_cast %broadcast_in_dim3A_552 : vector<16x1xi32> to vector<16xi32>
      %gather3A_554 = tpu.dynamic_gather %get3A_119[%gather3A_553] in [0] : vector<16xf32>, vector<16xi32> -> vector<16xf32>
      %add3A_555 = arith.addf %mul3A_551, %gather3A_554 : vector<16xf32>
      %swap3A_556 = arith.index_cast %mul3A_541 : i32 to index
      %swap3A_557 = tpu.vector_load %arg9[%swap3A_556] {strides = array<i32>} : memref<31744xf32, #tpu.memory_space<vmem>>, vector<16xf32>,
      %swap3A_558 = vector.shape_cast %swap3A_557 : vector<16xf32> to vector<16xf32>
      %swap3A_559 = vector.shape_cast %add3A_555 : vector<16xf32> to vector<16xf32>
      tpu.vector_store %arg9[%swap3A_556], %swap3A_559 {strides = array<i32>} : memref<31744xf32, #tpu.memory_space<vmem>>, vector<16xf32>,
      %mul3A_560 = arith.constant 8 : i32
      %mul3A_561 = arith.muli %scan3A_406, %mul3A_560 : i32
      %add3A_562 = arith.constant 1488 : i32
      %add3A_563 = arith.addi %add3A_562, %mul3A_561 : i32
      %add3A_564 = arith.constant 6 : i32
      %add3A_565 = arith.addi %add3A_563, %add3A_564 : i32
      %mul3A_566 = arith.constant 16 : i32
      %mul3A_567 = arith.muli %add3A_565, %mul3A_566 : i32
      %get3A_568 = arith.index_cast %mul3A_567 : i32 to index
      %get3A_569 = tpu.vector_load %arg8[%get3A_568] {strides = array<i32>} : memref<31744xi32, #tpu.memory_space<vmem>>, vector<16xi32>,
      %get3A_570 = vector.shape_cast %get3A_569 : vector<16xi32> to vector<16xi32>
      %get3A_571 = arith.index_cast %mul3A_567 : i32 to index
      %get3A_572 = tpu.vector_load %arg7[%get3A_571] {strides = array<i32>} : memref<31744xf32, #tpu.memory_space<vmem>>, vector<16xf32>,
      %get3A_573 = vector.shape_cast %get3A_572 : vector<16xf32> to vector<16xf32>
      %broadcast_in_dim3A_574 = vector.shape_cast %get3A_570 : vector<16xi32> to vector<16x1xi32>
      %gather3A_575 = vector.shape_cast %broadcast_in_dim3A_574 : vector<16x1xi32> to vector<16xi32>
      %gather3A_576 = tpu.dynamic_gather %get3A_116[%gather3A_575] in [0] : vector<16xf32>, vector<16xi32> -> vector<16xf32>
      %mul3A_577 = arith.mulf %gather3A_576, %get3A_573 : vector<16xf32>
      %broadcast_in_dim3A_578 = vector.shape_cast %get3A_570 : vector<16xi32> to vector<16x1xi32>
      %gather3A_579 = vector.shape_cast %broadcast_in_dim3A_578 : vector<16x1xi32> to vector<16xi32>
      %gather3A_580 = tpu.dynamic_gather %get3A_119[%gather3A_579] in [0] : vector<16xf32>, vector<16xi32> -> vector<16xf32>
      %add3A_581 = arith.addf %mul3A_577, %gather3A_580 : vector<16xf32>
      %swap3A_582 = arith.index_cast %mul3A_567 : i32 to index
      %swap3A_583 = tpu.vector_load %arg9[%swap3A_582] {strides = array<i32>} : memref<31744xf32, #tpu.memory_space<vmem>>, vector<16xf32>,
      %swap3A_584 = vector.shape_cast %swap3A_583 : vector<16xf32> to vector<16xf32>
      %swap3A_585 = vector.shape_cast %add3A_581 : vector<16xf32> to vector<16xf32>
      tpu.vector_store %arg9[%swap3A_582], %swap3A_585 {strides = array<i32>} : memref<31744xf32, #tpu.memory_space<vmem>>, vector<16xf32>,
      %mul3A_586 = arith.constant 8 : i32
      %mul3A_587 = arith.muli %scan3A_406, %mul3A_586 : i32
      %add3A_588 = arith.constant 1488 : i32
      %add3A_589 = arith.addi %add3A_588, %mul3A_587 : i32
      %add3A_590 = arith.constant 7 : i32
      %add3A_591 = arith.addi %add3A_589, %add3A_590 : i32
      %mul3A_592 = arith.constant 16 : i32
      %mul3A_593 = arith.muli %add3A_591, %mul3A_592 : i32
      %get3A_594 = arith.index_cast %mul3A_593 : i32 to index
      %get3A_595 = tpu.vector_load %arg8[%get3A_594] {strides = array<i32>} : memref<31744xi32, #tpu.memory_space<vmem>>, vector<16xi32>,
      %get3A_596 = vector.shape_cast %get3A_595 : vector<16xi32> to vector<16xi32>
      %get3A_597 = arith.index_cast %mul3A_593 : i32 to index
      %get3A_598 = tpu.vector_load %arg7[%get3A_597] {strides = array<i32>} : memref<31744xf32, #tpu.memory_space<vmem>>, vector<16xf32>,
      %get3A_599 = vector.shape_cast %get3A_598 : vector<16xf32> to vector<16xf32>
      %broadcast_in_dim3A_600 = vector.shape_cast %get3A_596 : vector<16xi32> to vector<16x1xi32>
      %gather3A_601 = vector.shape_cast %broadcast_in_dim3A_600 : vector<16x1xi32> to vector<16xi32>
      %gather3A_602 = tpu.dynamic_gather %get3A_116[%gather3A_601] in [0] : vector<16xf32>, vector<16xi32> -> vector<16xf32>
      %mul3A_603 = arith.mulf %gather3A_602, %get3A_599 : vector<16xf32>
      %broadcast_in_dim3A_604 = vector.shape_cast %get3A_596 : vector<16xi32> to vector<16x1xi32>
      %gather3A_605 = vector.shape_cast %broadcast_in_dim3A_604 : vector<16x1xi32> to vector<16xi32>
      %gather3A_606 = tpu.dynamic_gather %get3A_119[%gather3A_605] in [0] : vector<16xf32>, vector<16xi32> -> vector<16xf32>
      %add3A_607 = arith.addf %mul3A_603, %gather3A_606 : vector<16xf32>
      %swap3A_608 = arith.index_cast %mul3A_593 : i32 to index
      %swap3A_609 = tpu.vector_load %arg9[%swap3A_608] {strides = array<i32>} : memref<31744xf32, #tpu.memory_space<vmem>>, vector<16xf32>,
      %swap3A_610 = vector.shape_cast %swap3A_609 : vector<16xf32> to vector<16xf32>
      %swap3A_611 = vector.shape_cast %add3A_607 : vector<16xf32> to vector<16xf32>
      tpu.vector_store %arg9[%swap3A_608], %swap3A_611 {strides = array<i32>} : memref<31744xf32, #tpu.memory_space<vmem>>, vector<16xf32>,
    }
    %scan3A_297 = arith.constant 31 : i32
    %add3A_298 = arith.constant 19840 : i32
    %add3A_299 = arith.addi %min3A_3, %add3A_298 : i32
    %dma_start3A_300 = arith.constant 19840 : i32
    %dma_start3A_301 = tpu.memref_slice %arg9[%dma_start3A_300] : memref<31744xf32, #tpu.memory_space<vmem>> -> memref<3968xf32, #tpu.memory_space<vmem>>
    %dma_start3A_302 = tpu.memref_slice %arg6[%add3A_299] : memref<1000000xf32, #tpu.memory_space<hbm>> -> memref<3968xf32, #tpu.memory_space<hbm>>
    %dma_start3A_303 = tpu.memref_slice %arg6[%add3A_299] : memref<1000000xf32, #tpu.memory_space<hbm>> -> memref<3968xf32, #tpu.memory_space<hbm>>
    %dma_start3A_304 = arith.constant 19840 : i32
    %dma_start3A_305 = tpu.memref_slice %arg9[%dma_start3A_304] : memref<31744xf32, #tpu.memory_space<vmem>> -> memref<3968xf32, #tpu.memory_space<vmem>>
    tpu.enqueue_dma source(%dma_start3A_305 : memref<3968xf32, #tpu.memory_space<vmem>>) target(%dma_start3A_303 : memref<3968xf32, #tpu.memory_space<hbm>>) target_semaphore(%arg21 : memref<!tpu.dma_semaphore, #tpu.memory_space<semaphore_mem>>)
    %add3A_306 = arith.constant 27776 : i32
    %add3A_307 = arith.addi %min3A_3, %add3A_306 : i32
    %dma_wait3A_308 = arith.constant 27776 : i32
    %dma_wait3A_309 = tpu.memref_slice %arg7[%dma_wait3A_308] : memref<31744xf32, #tpu.memory_space<vmem>> -> memref<3968xf32, #tpu.memory_space<vmem>>
    %dma_wait3A_310 = tpu.memref_slice %arg2[%add3A_307] : memref<1000000xf32, #tpu.memory_space<hbm>> -> memref<3968xf32, #tpu.memory_space<hbm>>
    %dma_wait3A_311 = arith.constant 27776 : i32
    %dma_wait3A_312 = tpu.memref_slice %arg7[%dma_wait3A_311] : memref<31744xf32, #tpu.memory_space<vmem>> -> memref<3968xf32, #tpu.memory_space<vmem>>
    %dma_wait3A_313 = tpu.memref_slice %arg2[%add3A_307] : memref<1000000xf32, #tpu.memory_space<hbm>> -> memref<3968xf32, #tpu.memory_space<hbm>>
    tpu.wait_dma2 semaphore(%arg19 : memref<!tpu.dma_semaphore, #tpu.memory_space<semaphore_mem>>) src(%dma_wait3A_313 : memref<3968xf32, #tpu.memory_space<hbm>>) dst(%dma_wait3A_312 : memref<3968xf32, #tpu.memory_space<vmem>>)
    %dma_wait3A_314 = arith.constant 27776 : i32
    %dma_wait3A_315 = tpu.memref_slice %arg8[%dma_wait3A_314] : memref<31744xi32, #tpu.memory_space<vmem>> -> memref<3968xi32, #tpu.memory_space<vmem>>
    %dma_wait3A_316 = tpu.memref_slice %arg3[%add3A_307] : memref<1000000xi32, #tpu.memory_space<hbm>> -> memref<3968xi32, #tpu.memory_space<hbm>>
    %dma_wait3A_317 = arith.constant 27776 : i32
    %dma_wait3A_318 = tpu.memref_slice %arg8[%dma_wait3A_317] : memref<31744xi32, #tpu.memory_space<vmem>> -> memref<3968xi32, #tpu.memory_space<vmem>>
    %dma_wait3A_319 = tpu.memref_slice %arg3[%add3A_307] : memref<1000000xi32, #tpu.memory_space<hbm>> -> memref<3968xi32, #tpu.memory_space<hbm>>
    tpu.wait_dma2 semaphore(%arg19 : memref<!tpu.dma_semaphore, #tpu.memory_space<semaphore_mem>>) src(%dma_wait3A_319 : memref<3968xi32, #tpu.memory_space<hbm>>) dst(%dma_wait3A_318 : memref<3968xi32, #tpu.memory_space<vmem>>)
    %scan3A_320 = arith.constant 0 : i32
    %scan3A_321 = arith.constant 0 : i32
    %scan3A_322 = arith.constant 31 : i32
    %scan3A_323 = arith.addi %scan3A_321, %scan3A_322 : i32
    %scan3A_324 = arith.constant 1 : i32
    scf.for %scan3A_406 = %scan3A_321 to %scan3A_323 step %scan3A_324  : i32 {
      %mul3A_407 = arith.constant 8 : i32
      %mul3A_408 = arith.muli %scan3A_406, %mul3A_407 : i32
      %add3A_409 = arith.constant 1736 : i32
      %add3A_410 = arith.addi %add3A_409, %mul3A_408 : i32
      %add3A_411 = arith.constant 0 : i32
      %add3A_412 = arith.addi %add3A_410, %add3A_411 : i32
      %mul3A_413 = arith.constant 16 : i32
      %mul3A_414 = arith.muli %add3A_412, %mul3A_413 : i32
      %get3A_415 = arith.index_cast %mul3A_414 : i32 to index
      %get3A_416 = tpu.vector_load %arg8[%get3A_415] {strides = array<i32>} : memref<31744xi32, #tpu.memory_space<vmem>>, vector<16xi32>,
      %get3A_417 = vector.shape_cast %get3A_416 : vector<16xi32> to vector<16xi32>
      %get3A_418 = arith.index_cast %mul3A_414 : i32 to index
      %get3A_419 = tpu.vector_load %arg7[%get3A_418] {strides = array<i32>} : memref<31744xf32, #tpu.memory_space<vmem>>, vector<16xf32>,
      %get3A_420 = vector.shape_cast %get3A_419 : vector<16xf32> to vector<16xf32>
      %broadcast_in_dim3A = vector.shape_cast %get3A_417 : vector<16xi32> to vector<16x1xi32>
      %gather3A = vector.shape_cast %broadcast_in_dim3A : vector<16x1xi32> to vector<16xi32>
      %gather3A_421 = tpu.dynamic_gather %get3A_116[%gather3A] in [0] : vector<16xf32>, vector<16xi32> -> vector<16xf32>
      %mul3A_422 = arith.mulf %gather3A_421, %get3A_420 : vector<16xf32>
      %broadcast_in_dim3A_423 = vector.shape_cast %get3A_417 : vector<16xi32> to vector<16x1xi32>
      %gather3A_424 = vector.shape_cast %broadcast_in_dim3A_423 : vector<16x1xi32> to vector<16xi32>
      %gather3A_425 = tpu.dynamic_gather %get3A_119[%gather3A_424] in [0] : vector<16xf32>, vector<16xi32> -> vector<16xf32>
      %add3A_426 = arith.addf %mul3A_422, %gather3A_425 : vector<16xf32>
      %swap3A = arith.index_cast %mul3A_414 : i32 to index
      %swap3A_427 = tpu.vector_load %arg9[%swap3A] {strides = array<i32>} : memref<31744xf32, #tpu.memory_space<vmem>>, vector<16xf32>,
      %swap3A_428 = vector.shape_cast %swap3A_427 : vector<16xf32> to vector<16xf32>
      %swap3A_429 = vector.shape_cast %add3A_426 : vector<16xf32> to vector<16xf32>
      tpu.vector_store %arg9[%swap3A], %swap3A_429 {strides = array<i32>} : memref<31744xf32, #tpu.memory_space<vmem>>, vector<16xf32>,
      %mul3A_430 = arith.constant 8 : i32
      %mul3A_431 = arith.muli %scan3A_406, %mul3A_430 : i32
      %add3A_432 = arith.constant 1736 : i32
      %add3A_433 = arith.addi %add3A_432, %mul3A_431 : i32
      %add3A_434 = arith.constant 1 : i32
      %add3A_435 = arith.addi %add3A_433, %add3A_434 : i32
      %mul3A_436 = arith.constant 16 : i32
      %mul3A_437 = arith.muli %add3A_435, %mul3A_436 : i32
      %get3A_438 = arith.index_cast %mul3A_437 : i32 to index
      %get3A_439 = tpu.vector_load %arg8[%get3A_438] {strides = array<i32>} : memref<31744xi32, #tpu.memory_space<vmem>>, vector<16xi32>,
      %get3A_440 = vector.shape_cast %get3A_439 : vector<16xi32> to vector<16xi32>
      %get3A_441 = arith.index_cast %mul3A_437 : i32 to index
      %get3A_442 = tpu.vector_load %arg7[%get3A_441] {strides = array<i32>} : memref<31744xf32, #tpu.memory_space<vmem>>, vector<16xf32>,
      %get3A_443 = vector.shape_cast %get3A_442 : vector<16xf32> to vector<16xf32>
      %broadcast_in_dim3A_444 = vector.shape_cast %get3A_440 : vector<16xi32> to vector<16x1xi32>
      %gather3A_445 = vector.shape_cast %broadcast_in_dim3A_444 : vector<16x1xi32> to vector<16xi32>
      %gather3A_446 = tpu.dynamic_gather %get3A_116[%gather3A_445] in [0] : vector<16xf32>, vector<16xi32> -> vector<16xf32>
      %mul3A_447 = arith.mulf %gather3A_446, %get3A_443 : vector<16xf32>
      %broadcast_in_dim3A_448 = vector.shape_cast %get3A_440 : vector<16xi32> to vector<16x1xi32>
      %gather3A_449 = vector.shape_cast %broadcast_in_dim3A_448 : vector<16x1xi32> to vector<16xi32>
      %gather3A_450 = tpu.dynamic_gather %get3A_119[%gather3A_449] in [0] : vector<16xf32>, vector<16xi32> -> vector<16xf32>
      %add3A_451 = arith.addf %mul3A_447, %gather3A_450 : vector<16xf32>
      %swap3A_452 = arith.index_cast %mul3A_437 : i32 to index
      %swap3A_453 = tpu.vector_load %arg9[%swap3A_452] {strides = array<i32>} : memref<31744xf32, #tpu.memory_space<vmem>>, vector<16xf32>,
      %swap3A_454 = vector.shape_cast %swap3A_453 : vector<16xf32> to vector<16xf32>
      %swap3A_455 = vector.shape_cast %add3A_451 : vector<16xf32> to vector<16xf32>
      tpu.vector_store %arg9[%swap3A_452], %swap3A_455 {strides = array<i32>} : memref<31744xf32, #tpu.memory_space<vmem>>, vector<16xf32>,
      %mul3A_456 = arith.constant 8 : i32
      %mul3A_457 = arith.muli %scan3A_406, %mul3A_456 : i32
      %add3A_458 = arith.constant 1736 : i32
      %add3A_459 = arith.addi %add3A_458, %mul3A_457 : i32
      %add3A_460 = arith.constant 2 : i32
      %add3A_461 = arith.addi %add3A_459, %add3A_460 : i32
      %mul3A_462 = arith.constant 16 : i32
      %mul3A_463 = arith.muli %add3A_461, %mul3A_462 : i32
      %get3A_464 = arith.index_cast %mul3A_463 : i32 to index
      %get3A_465 = tpu.vector_load %arg8[%get3A_464] {strides = array<i32>} : memref<31744xi32, #tpu.memory_space<vmem>>, vector<16xi32>,
      %get3A_466 = vector.shape_cast %get3A_465 : vector<16xi32> to vector<16xi32>
      %get3A_467 = arith.index_cast %mul3A_463 : i32 to index
      %get3A_468 = tpu.vector_load %arg7[%get3A_467] {strides = array<i32>} : memref<31744xf32, #tpu.memory_space<vmem>>, vector<16xf32>,
      %get3A_469 = vector.shape_cast %get3A_468 : vector<16xf32> to vector<16xf32>
      %broadcast_in_dim3A_470 = vector.shape_cast %get3A_466 : vector<16xi32> to vector<16x1xi32>
      %gather3A_471 = vector.shape_cast %broadcast_in_dim3A_470 : vector<16x1xi32> to vector<16xi32>
      %gather3A_472 = tpu.dynamic_gather %get3A_116[%gather3A_471] in [0] : vector<16xf32>, vector<16xi32> -> vector<16xf32>
      %mul3A_473 = arith.mulf %gather3A_472, %get3A_469 : vector<16xf32>
      %broadcast_in_dim3A_474 = vector.shape_cast %get3A_466 : vector<16xi32> to vector<16x1xi32>
      %gather3A_475 = vector.shape_cast %broadcast_in_dim3A_474 : vector<16x1xi32> to vector<16xi32>
      %gather3A_476 = tpu.dynamic_gather %get3A_119[%gather3A_475] in [0] : vector<16xf32>, vector<16xi32> -> vector<16xf32>
      %add3A_477 = arith.addf %mul3A_473, %gather3A_476 : vector<16xf32>
      %swap3A_478 = arith.index_cast %mul3A_463 : i32 to index
      %swap3A_479 = tpu.vector_load %arg9[%swap3A_478] {strides = array<i32>} : memref<31744xf32, #tpu.memory_space<vmem>>, vector<16xf32>,
      %swap3A_480 = vector.shape_cast %swap3A_479 : vector<16xf32> to vector<16xf32>
      %swap3A_481 = vector.shape_cast %add3A_477 : vector<16xf32> to vector<16xf32>
      tpu.vector_store %arg9[%swap3A_478], %swap3A_481 {strides = array<i32>} : memref<31744xf32, #tpu.memory_space<vmem>>, vector<16xf32>,
      %mul3A_482 = arith.constant 8 : i32
      %mul3A_483 = arith.muli %scan3A_406, %mul3A_482 : i32
      %add3A_484 = arith.constant 1736 : i32
      %add3A_485 = arith.addi %add3A_484, %mul3A_483 : i32
      %add3A_486 = arith.constant 3 : i32
      %add3A_487 = arith.addi %add3A_485, %add3A_486 : i32
      %mul3A_488 = arith.constant 16 : i32
      %mul3A_489 = arith.muli %add3A_487, %mul3A_488 : i32
      %get3A_490 = arith.index_cast %mul3A_489 : i32 to index
      %get3A_491 = tpu.vector_load %arg8[%get3A_490] {strides = array<i32>} : memref<31744xi32, #tpu.memory_space<vmem>>, vector<16xi32>,
      %get3A_492 = vector.shape_cast %get3A_491 : vector<16xi32> to vector<16xi32>
      %get3A_493 = arith.index_cast %mul3A_489 : i32 to index
      %get3A_494 = tpu.vector_load %arg7[%get3A_493] {strides = array<i32>} : memref<31744xf32, #tpu.memory_space<vmem>>, vector<16xf32>,
      %get3A_495 = vector.shape_cast %get3A_494 : vector<16xf32> to vector<16xf32>
      %broadcast_in_dim3A_496 = vector.shape_cast %get3A_492 : vector<16xi32> to vector<16x1xi32>
      %gather3A_497 = vector.shape_cast %broadcast_in_dim3A_496 : vector<16x1xi32> to vector<16xi32>
      %gather3A_498 = tpu.dynamic_gather %get3A_116[%gather3A_497] in [0] : vector<16xf32>, vector<16xi32> -> vector<16xf32>
      %mul3A_499 = arith.mulf %gather3A_498, %get3A_495 : vector<16xf32>
      %broadcast_in_dim3A_500 = vector.shape_cast %get3A_492 : vector<16xi32> to vector<16x1xi32>
      %gather3A_501 = vector.shape_cast %broadcast_in_dim3A_500 : vector<16x1xi32> to vector<16xi32>
      %gather3A_502 = tpu.dynamic_gather %get3A_119[%gather3A_501] in [0] : vector<16xf32>, vector<16xi32> -> vector<16xf32>
      %add3A_503 = arith.addf %mul3A_499, %gather3A_502 : vector<16xf32>
      %swap3A_504 = arith.index_cast %mul3A_489 : i32 to index
      %swap3A_505 = tpu.vector_load %arg9[%swap3A_504] {strides = array<i32>} : memref<31744xf32, #tpu.memory_space<vmem>>, vector<16xf32>,
      %swap3A_506 = vector.shape_cast %swap3A_505 : vector<16xf32> to vector<16xf32>
      %swap3A_507 = vector.shape_cast %add3A_503 : vector<16xf32> to vector<16xf32>
      tpu.vector_store %arg9[%swap3A_504], %swap3A_507 {strides = array<i32>} : memref<31744xf32, #tpu.memory_space<vmem>>, vector<16xf32>,
      %mul3A_508 = arith.constant 8 : i32
      %mul3A_509 = arith.muli %scan3A_406, %mul3A_508 : i32
      %add3A_510 = arith.constant 1736 : i32
      %add3A_511 = arith.addi %add3A_510, %mul3A_509 : i32
      %add3A_512 = arith.constant 4 : i32
      %add3A_513 = arith.addi %add3A_511, %add3A_512 : i32
      %mul3A_514 = arith.constant 16 : i32
      %mul3A_515 = arith.muli %add3A_513, %mul3A_514 : i32
      %get3A_516 = arith.index_cast %mul3A_515 : i32 to index
      %get3A_517 = tpu.vector_load %arg8[%get3A_516] {strides = array<i32>} : memref<31744xi32, #tpu.memory_space<vmem>>, vector<16xi32>,
      %get3A_518 = vector.shape_cast %get3A_517 : vector<16xi32> to vector<16xi32>
      %get3A_519 = arith.index_cast %mul3A_515 : i32 to index
      %get3A_520 = tpu.vector_load %arg7[%get3A_519] {strides = array<i32>} : memref<31744xf32, #tpu.memory_space<vmem>>, vector<16xf32>,
      %get3A_521 = vector.shape_cast %get3A_520 : vector<16xf32> to vector<16xf32>
      %broadcast_in_dim3A_522 = vector.shape_cast %get3A_518 : vector<16xi32> to vector<16x1xi32>
      %gather3A_523 = vector.shape_cast %broadcast_in_dim3A_522 : vector<16x1xi32> to vector<16xi32>
      %gather3A_524 = tpu.dynamic_gather %get3A_116[%gather3A_523] in [0] : vector<16xf32>, vector<16xi32> -> vector<16xf32>
      %mul3A_525 = arith.mulf %gather3A_524, %get3A_521 : vector<16xf32>
      %broadcast_in_dim3A_526 = vector.shape_cast %get3A_518 : vector<16xi32> to vector<16x1xi32>
      %gather3A_527 = vector.shape_cast %broadcast_in_dim3A_526 : vector<16x1xi32> to vector<16xi32>
      %gather3A_528 = tpu.dynamic_gather %get3A_119[%gather3A_527] in [0] : vector<16xf32>, vector<16xi32> -> vector<16xf32>
      %add3A_529 = arith.addf %mul3A_525, %gather3A_528 : vector<16xf32>
      %swap3A_530 = arith.index_cast %mul3A_515 : i32 to index
      %swap3A_531 = tpu.vector_load %arg9[%swap3A_530] {strides = array<i32>} : memref<31744xf32, #tpu.memory_space<vmem>>, vector<16xf32>,
      %swap3A_532 = vector.shape_cast %swap3A_531 : vector<16xf32> to vector<16xf32>
      %swap3A_533 = vector.shape_cast %add3A_529 : vector<16xf32> to vector<16xf32>
      tpu.vector_store %arg9[%swap3A_530], %swap3A_533 {strides = array<i32>} : memref<31744xf32, #tpu.memory_space<vmem>>, vector<16xf32>,
      %mul3A_534 = arith.constant 8 : i32
      %mul3A_535 = arith.muli %scan3A_406, %mul3A_534 : i32
      %add3A_536 = arith.constant 1736 : i32
      %add3A_537 = arith.addi %add3A_536, %mul3A_535 : i32
      %add3A_538 = arith.constant 5 : i32
      %add3A_539 = arith.addi %add3A_537, %add3A_538 : i32
      %mul3A_540 = arith.constant 16 : i32
      %mul3A_541 = arith.muli %add3A_539, %mul3A_540 : i32
      %get3A_542 = arith.index_cast %mul3A_541 : i32 to index
      %get3A_543 = tpu.vector_load %arg8[%get3A_542] {strides = array<i32>} : memref<31744xi32, #tpu.memory_space<vmem>>, vector<16xi32>,
      %get3A_544 = vector.shape_cast %get3A_543 : vector<16xi32> to vector<16xi32>
      %get3A_545 = arith.index_cast %mul3A_541 : i32 to index
      %get3A_546 = tpu.vector_load %arg7[%get3A_545] {strides = array<i32>} : memref<31744xf32, #tpu.memory_space<vmem>>, vector<16xf32>,
      %get3A_547 = vector.shape_cast %get3A_546 : vector<16xf32> to vector<16xf32>
      %broadcast_in_dim3A_548 = vector.shape_cast %get3A_544 : vector<16xi32> to vector<16x1xi32>
      %gather3A_549 = vector.shape_cast %broadcast_in_dim3A_548 : vector<16x1xi32> to vector<16xi32>
      %gather3A_550 = tpu.dynamic_gather %get3A_116[%gather3A_549] in [0] : vector<16xf32>, vector<16xi32> -> vector<16xf32>
      %mul3A_551 = arith.mulf %gather3A_550, %get3A_547 : vector<16xf32>
      %broadcast_in_dim3A_552 = vector.shape_cast %get3A_544 : vector<16xi32> to vector<16x1xi32>
      %gather3A_553 = vector.shape_cast %broadcast_in_dim3A_552 : vector<16x1xi32> to vector<16xi32>
      %gather3A_554 = tpu.dynamic_gather %get3A_119[%gather3A_553] in [0] : vector<16xf32>, vector<16xi32> -> vector<16xf32>
      %add3A_555 = arith.addf %mul3A_551, %gather3A_554 : vector<16xf32>
      %swap3A_556 = arith.index_cast %mul3A_541 : i32 to index
      %swap3A_557 = tpu.vector_load %arg9[%swap3A_556] {strides = array<i32>} : memref<31744xf32, #tpu.memory_space<vmem>>, vector<16xf32>,
      %swap3A_558 = vector.shape_cast %swap3A_557 : vector<16xf32> to vector<16xf32>
      %swap3A_559 = vector.shape_cast %add3A_555 : vector<16xf32> to vector<16xf32>
      tpu.vector_store %arg9[%swap3A_556], %swap3A_559 {strides = array<i32>} : memref<31744xf32, #tpu.memory_space<vmem>>, vector<16xf32>,
      %mul3A_560 = arith.constant 8 : i32
      %mul3A_561 = arith.muli %scan3A_406, %mul3A_560 : i32
      %add3A_562 = arith.constant 1736 : i32
      %add3A_563 = arith.addi %add3A_562, %mul3A_561 : i32
      %add3A_564 = arith.constant 6 : i32
      %add3A_565 = arith.addi %add3A_563, %add3A_564 : i32
      %mul3A_566 = arith.constant 16 : i32
      %mul3A_567 = arith.muli %add3A_565, %mul3A_566 : i32
      %get3A_568 = arith.index_cast %mul3A_567 : i32 to index
      %get3A_569 = tpu.vector_load %arg8[%get3A_568] {strides = array<i32>} : memref<31744xi32, #tpu.memory_space<vmem>>, vector<16xi32>,
      %get3A_570 = vector.shape_cast %get3A_569 : vector<16xi32> to vector<16xi32>
      %get3A_571 = arith.index_cast %mul3A_567 : i32 to index
      %get3A_572 = tpu.vector_load %arg7[%get3A_571] {strides = array<i32>} : memref<31744xf32, #tpu.memory_space<vmem>>, vector<16xf32>,
      %get3A_573 = vector.shape_cast %get3A_572 : vector<16xf32> to vector<16xf32>
      %broadcast_in_dim3A_574 = vector.shape_cast %get3A_570 : vector<16xi32> to vector<16x1xi32>
      %gather3A_575 = vector.shape_cast %broadcast_in_dim3A_574 : vector<16x1xi32> to vector<16xi32>
      %gather3A_576 = tpu.dynamic_gather %get3A_116[%gather3A_575] in [0] : vector<16xf32>, vector<16xi32> -> vector<16xf32>
      %mul3A_577 = arith.mulf %gather3A_576, %get3A_573 : vector<16xf32>
      %broadcast_in_dim3A_578 = vector.shape_cast %get3A_570 : vector<16xi32> to vector<16x1xi32>
      %gather3A_579 = vector.shape_cast %broadcast_in_dim3A_578 : vector<16x1xi32> to vector<16xi32>
      %gather3A_580 = tpu.dynamic_gather %get3A_119[%gather3A_579] in [0] : vector<16xf32>, vector<16xi32> -> vector<16xf32>
      %add3A_581 = arith.addf %mul3A_577, %gather3A_580 : vector<16xf32>
      %swap3A_582 = arith.index_cast %mul3A_567 : i32 to index
      %swap3A_583 = tpu.vector_load %arg9[%swap3A_582] {strides = array<i32>} : memref<31744xf32, #tpu.memory_space<vmem>>, vector<16xf32>,
      %swap3A_584 = vector.shape_cast %swap3A_583 : vector<16xf32> to vector<16xf32>
      %swap3A_585 = vector.shape_cast %add3A_581 : vector<16xf32> to vector<16xf32>
      tpu.vector_store %arg9[%swap3A_582], %swap3A_585 {strides = array<i32>} : memref<31744xf32, #tpu.memory_space<vmem>>, vector<16xf32>,
      %mul3A_586 = arith.constant 8 : i32
      %mul3A_587 = arith.muli %scan3A_406, %mul3A_586 : i32
      %add3A_588 = arith.constant 1736 : i32
      %add3A_589 = arith.addi %add3A_588, %mul3A_587 : i32
      %add3A_590 = arith.constant 7 : i32
      %add3A_591 = arith.addi %add3A_589, %add3A_590 : i32
      %mul3A_592 = arith.constant 16 : i32
      %mul3A_593 = arith.muli %add3A_591, %mul3A_592 : i32
      %get3A_594 = arith.index_cast %mul3A_593 : i32 to index
      %get3A_595 = tpu.vector_load %arg8[%get3A_594] {strides = array<i32>} : memref<31744xi32, #tpu.memory_space<vmem>>, vector<16xi32>,
      %get3A_596 = vector.shape_cast %get3A_595 : vector<16xi32> to vector<16xi32>
      %get3A_597 = arith.index_cast %mul3A_593 : i32 to index
      %get3A_598 = tpu.vector_load %arg7[%get3A_597] {strides = array<i32>} : memref<31744xf32, #tpu.memory_space<vmem>>, vector<16xf32>,
      %get3A_599 = vector.shape_cast %get3A_598 : vector<16xf32> to vector<16xf32>
      %broadcast_in_dim3A_600 = vector.shape_cast %get3A_596 : vector<16xi32> to vector<16x1xi32>
      %gather3A_601 = vector.shape_cast %broadcast_in_dim3A_600 : vector<16x1xi32> to vector<16xi32>
      %gather3A_602 = tpu.dynamic_gather %get3A_116[%gather3A_601] in [0] : vector<16xf32>, vector<16xi32> -> vector<16xf32>
      %mul3A_603 = arith.mulf %gather3A_602, %get3A_599 : vector<16xf32>
      %broadcast_in_dim3A_604 = vector.shape_cast %get3A_596 : vector<16xi32> to vector<16x1xi32>
      %gather3A_605 = vector.shape_cast %broadcast_in_dim3A_604 : vector<16x1xi32> to vector<16xi32>
      %gather3A_606 = tpu.dynamic_gather %get3A_119[%gather3A_605] in [0] : vector<16xf32>, vector<16xi32> -> vector<16xf32>
      %add3A_607 = arith.addf %mul3A_603, %gather3A_606 : vector<16xf32>
      %swap3A_608 = arith.index_cast %mul3A_593 : i32 to index
      %swap3A_609 = tpu.vector_load %arg9[%swap3A_608] {strides = array<i32>} : memref<31744xf32, #tpu.memory_space<vmem>>, vector<16xf32>,
      %swap3A_610 = vector.shape_cast %swap3A_609 : vector<16xf32> to vector<16xf32>
      %swap3A_611 = vector.shape_cast %add3A_607 : vector<16xf32> to vector<16xf32>
      tpu.vector_store %arg9[%swap3A_608], %swap3A_611 {strides = array<i32>} : memref<31744xf32, #tpu.memory_space<vmem>>, vector<16xf32>,
    }
    %scan3A_325 = arith.constant 31 : i32
    %add3A_326 = arith.constant 23808 : i32
    %add3A_327 = arith.addi %min3A_3, %add3A_326 : i32
    %dma_start3A_328 = arith.constant 23808 : i32
    %dma_start3A_329 = tpu.memref_slice %arg9[%dma_start3A_328] : memref<31744xf32, #tpu.memory_space<vmem>> -> memref<3968xf32, #tpu.memory_space<vmem>>
    %dma_start3A_330 = tpu.memref_slice %arg6[%add3A_327] : memref<1000000xf32, #tpu.memory_space<hbm>> -> memref<3968xf32, #tpu.memory_space<hbm>>
    %dma_start3A_331 = tpu.memref_slice %arg6[%add3A_327] : memref<1000000xf32, #tpu.memory_space<hbm>> -> memref<3968xf32, #tpu.memory_space<hbm>>
    %dma_start3A_332 = arith.constant 23808 : i32
    %dma_start3A_333 = tpu.memref_slice %arg9[%dma_start3A_332] : memref<31744xf32, #tpu.memory_space<vmem>> -> memref<3968xf32, #tpu.memory_space<vmem>>
    tpu.enqueue_dma source(%dma_start3A_333 : memref<3968xf32, #tpu.memory_space<vmem>>) target(%dma_start3A_331 : memref<3968xf32, #tpu.memory_space<hbm>>) target_semaphore(%arg21 : memref<!tpu.dma_semaphore, #tpu.memory_space<semaphore_mem>>)
    %barrier3A = arith.constant 0 : index
    tpu.barrier barrier_id(%barrier3A)
    %add3A_334 = arith.constant 27776 : i32
    %add3A_335 = arith.addi %min3A_3, %add3A_334 : i32
    %dma_start3A_336 = arith.constant 27776 : i32
    %dma_start3A_337 = tpu.memref_slice %arg9[%dma_start3A_336] : memref<31744xf32, #tpu.memory_space<vmem>> -> memref<3968xf32, #tpu.memory_space<vmem>>
    %dma_start3A_338 = tpu.memref_slice %arg6[%add3A_335] : memref<1000000xf32, #tpu.memory_space<hbm>> -> memref<3968xf32, #tpu.memory_space<hbm>>
    %dma_start3A_339 = tpu.memref_slice %arg6[%add3A_335] : memref<1000000xf32, #tpu.memory_space<hbm>> -> memref<3968xf32, #tpu.memory_space<hbm>>
    %dma_start3A_340 = arith.constant 27776 : i32
    %dma_start3A_341 = tpu.memref_slice %arg9[%dma_start3A_340] : memref<31744xf32, #tpu.memory_space<vmem>> -> memref<3968xf32, #tpu.memory_space<vmem>>
    tpu.enqueue_dma source(%dma_start3A_341 : memref<3968xf32, #tpu.memory_space<vmem>>) target(%dma_start3A_339 : memref<3968xf32, #tpu.memory_space<hbm>>) target_semaphore(%arg21 : memref<!tpu.dma_semaphore, #tpu.memory_space<semaphore_mem>>)
    %add3A_342 = arith.constant 0 : i32
    %add3A_343 = arith.addi %min3A_3, %add3A_342 : i32
    %dma_wait3A_344 = arith.constant 0 : i32
    %dma_wait3A_345 = tpu.memref_slice %arg9[%dma_wait3A_344] : memref<31744xf32, #tpu.memory_space<vmem>> -> memref<3968xf32, #tpu.memory_space<vmem>>
    %dma_wait3A_346 = tpu.memref_slice %arg6[%add3A_343] : memref<1000000xf32, #tpu.memory_space<hbm>> -> memref<3968xf32, #tpu.memory_space<hbm>>
    %dma_wait3A_347 = tpu.memref_slice %arg6[%add3A_343] : memref<1000000xf32, #tpu.memory_space<hbm>> -> memref<3968xf32, #tpu.memory_space<hbm>>
    %dma_wait3A_348 = arith.constant 0 : i32
    %dma_wait3A_349 = tpu.memref_slice %arg9[%dma_wait3A_348] : memref<31744xf32, #tpu.memory_space<vmem>> -> memref<3968xf32, #tpu.memory_space<vmem>>
    tpu.wait_dma2 semaphore(%arg21 : memref<!tpu.dma_semaphore, #tpu.memory_space<semaphore_mem>>) src(%dma_wait3A_349 : memref<3968xf32, #tpu.memory_space<vmem>>) dst(%dma_wait3A_347 : memref<3968xf32, #tpu.memory_space<hbm>>)
    %add3A_350 = arith.constant 3968 : i32
    %add3A_351 = arith.addi %min3A_3, %add3A_350 : i32
    %dma_wait3A_352 = arith.constant 3968 : i32
    %dma_wait3A_353 = tpu.memref_slice %arg9[%dma_wait3A_352] : memref<31744xf32, #tpu.memory_space<vmem>> -> memref<3968xf32, #tpu.memory_space<vmem>>
    %dma_wait3A_354 = tpu.memref_slice %arg6[%add3A_351] : memref<1000000xf32, #tpu.memory_space<hbm>> -> memref<3968xf32, #tpu.memory_space<hbm>>
    %dma_wait3A_355 = tpu.memref_slice %arg6[%add3A_351] : memref<1000000xf32, #tpu.memory_space<hbm>> -> memref<3968xf32, #tpu.memory_space<hbm>>
    %dma_wait3A_356 = arith.constant 3968 : i32
    %dma_wait3A_357 = tpu.memref_slice %arg9[%dma_wait3A_356] : memref<31744xf32, #tpu.memory_space<vmem>> -> memref<3968xf32, #tpu.memory_space<vmem>>
    tpu.wait_dma2 semaphore(%arg21 : memref<!tpu.dma_semaphore, #tpu.memory_space<semaphore_mem>>) src(%dma_wait3A_357 : memref<3968xf32, #tpu.memory_space<vmem>>) dst(%dma_wait3A_355 : memref<3968xf32, #tpu.memory_space<hbm>>)
    %add3A_358 = arith.constant 7936 : i32
    %add3A_359 = arith.addi %min3A_3, %add3A_358 : i32
    %dma_wait3A_360 = arith.constant 7936 : i32
    %dma_wait3A_361 = tpu.memref_slice %arg9[%dma_wait3A_360] : memref<31744xf32, #tpu.memory_space<vmem>> -> memref<3968xf32, #tpu.memory_space<vmem>>
    %dma_wait3A_362 = tpu.memref_slice %arg6[%add3A_359] : memref<1000000xf32, #tpu.memory_space<hbm>> -> memref<3968xf32, #tpu.memory_space<hbm>>
    %dma_wait3A_363 = tpu.memref_slice %arg6[%add3A_359] : memref<1000000xf32, #tpu.memory_space<hbm>> -> memref<3968xf32, #tpu.memory_space<hbm>>
    %dma_wait3A_364 = arith.constant 7936 : i32
    %dma_wait3A_365 = tpu.memref_slice %arg9[%dma_wait3A_364] : memref<31744xf32, #tpu.memory_space<vmem>> -> memref<3968xf32, #tpu.memory_space<vmem>>
    tpu.wait_dma2 semaphore(%arg21 : memref<!tpu.dma_semaphore, #tpu.memory_space<semaphore_mem>>) src(%dma_wait3A_365 : memref<3968xf32, #tpu.memory_space<vmem>>) dst(%dma_wait3A_363 : memref<3968xf32, #tpu.memory_space<hbm>>)
    %add3A_366 = arith.constant 11904 : i32
    %add3A_367 = arith.addi %min3A_3, %add3A_366 : i32
    %dma_wait3A_368 = arith.constant 11904 : i32
    %dma_wait3A_369 = tpu.memref_slice %arg9[%dma_wait3A_368] : memref<31744xf32, #tpu.memory_space<vmem>> -> memref<3968xf32, #tpu.memory_space<vmem>>
    %dma_wait3A_370 = tpu.memref_slice %arg6[%add3A_367] : memref<1000000xf32, #tpu.memory_space<hbm>> -> memref<3968xf32, #tpu.memory_space<hbm>>
    %dma_wait3A_371 = tpu.memref_slice %arg6[%add3A_367] : memref<1000000xf32, #tpu.memory_space<hbm>> -> memref<3968xf32, #tpu.memory_space<hbm>>
    %dma_wait3A_372 = arith.constant 11904 : i32
    %dma_wait3A_373 = tpu.memref_slice %arg9[%dma_wait3A_372] : memref<31744xf32, #tpu.memory_space<vmem>> -> memref<3968xf32, #tpu.memory_space<vmem>>
    tpu.wait_dma2 semaphore(%arg21 : memref<!tpu.dma_semaphore, #tpu.memory_space<semaphore_mem>>) src(%dma_wait3A_373 : memref<3968xf32, #tpu.memory_space<vmem>>) dst(%dma_wait3A_371 : memref<3968xf32, #tpu.memory_space<hbm>>)
    %add3A_374 = arith.constant 15872 : i32
    %add3A_375 = arith.addi %min3A_3, %add3A_374 : i32
    %dma_wait3A_376 = arith.constant 15872 : i32
    %dma_wait3A_377 = tpu.memref_slice %arg9[%dma_wait3A_376] : memref<31744xf32, #tpu.memory_space<vmem>> -> memref<3968xf32, #tpu.memory_space<vmem>>
    %dma_wait3A_378 = tpu.memref_slice %arg6[%add3A_375] : memref<1000000xf32, #tpu.memory_space<hbm>> -> memref<3968xf32, #tpu.memory_space<hbm>>
    %dma_wait3A_379 = tpu.memref_slice %arg6[%add3A_375] : memref<1000000xf32, #tpu.memory_space<hbm>> -> memref<3968xf32, #tpu.memory_space<hbm>>
    %dma_wait3A_380 = arith.constant 15872 : i32
    %dma_wait3A_381 = tpu.memref_slice %arg9[%dma_wait3A_380] : memref<31744xf32, #tpu.memory_space<vmem>> -> memref<3968xf32, #tpu.memory_space<vmem>>
    tpu.wait_dma2 semaphore(%arg21 : memref<!tpu.dma_semaphore, #tpu.memory_space<semaphore_mem>>) src(%dma_wait3A_381 : memref<3968xf32, #tpu.memory_space<vmem>>) dst(%dma_wait3A_379 : memref<3968xf32, #tpu.memory_space<hbm>>)
    %add3A_382 = arith.constant 19840 : i32
    %add3A_383 = arith.addi %min3A_3, %add3A_382 : i32
    %dma_wait3A_384 = arith.constant 19840 : i32
    %dma_wait3A_385 = tpu.memref_slice %arg9[%dma_wait3A_384] : memref<31744xf32, #tpu.memory_space<vmem>> -> memref<3968xf32, #tpu.memory_space<vmem>>
    %dma_wait3A_386 = tpu.memref_slice %arg6[%add3A_383] : memref<1000000xf32, #tpu.memory_space<hbm>> -> memref<3968xf32, #tpu.memory_space<hbm>>
    %dma_wait3A_387 = tpu.memref_slice %arg6[%add3A_383] : memref<1000000xf32, #tpu.memory_space<hbm>> -> memref<3968xf32, #tpu.memory_space<hbm>>
    %dma_wait3A_388 = arith.constant 19840 : i32
    %dma_wait3A_389 = tpu.memref_slice %arg9[%dma_wait3A_388] : memref<31744xf32, #tpu.memory_space<vmem>> -> memref<3968xf32, #tpu.memory_space<vmem>>
    tpu.wait_dma2 semaphore(%arg21 : memref<!tpu.dma_semaphore, #tpu.memory_space<semaphore_mem>>) src(%dma_wait3A_389 : memref<3968xf32, #tpu.memory_space<vmem>>) dst(%dma_wait3A_387 : memref<3968xf32, #tpu.memory_space<hbm>>)
    %add3A_390 = arith.constant 23808 : i32
    %add3A_391 = arith.addi %min3A_3, %add3A_390 : i32
    %dma_wait3A_392 = arith.constant 23808 : i32
    %dma_wait3A_393 = tpu.memref_slice %arg9[%dma_wait3A_392] : memref<31744xf32, #tpu.memory_space<vmem>> -> memref<3968xf32, #tpu.memory_space<vmem>>
    %dma_wait3A_394 = tpu.memref_slice %arg6[%add3A_391] : memref<1000000xf32, #tpu.memory_space<hbm>> -> memref<3968xf32, #tpu.memory_space<hbm>>
    %dma_wait3A_395 = tpu.memref_slice %arg6[%add3A_391] : memref<1000000xf32, #tpu.memory_space<hbm>> -> memref<3968xf32, #tpu.memory_space<hbm>>
    %dma_wait3A_396 = arith.constant 23808 : i32
    %dma_wait3A_397 = tpu.memref_slice %arg9[%dma_wait3A_396] : memref<31744xf32, #tpu.memory_space<vmem>> -> memref<3968xf32, #tpu.memory_space<vmem>>
    tpu.wait_dma2 semaphore(%arg21 : memref<!tpu.dma_semaphore, #tpu.memory_space<semaphore_mem>>) src(%dma_wait3A_397 : memref<3968xf32, #tpu.memory_space<vmem>>) dst(%dma_wait3A_395 : memref<3968xf32, #tpu.memory_space<hbm>>)
    %add3A_398 = arith.constant 27776 : i32
    %add3A_399 = arith.addi %min3A_3, %add3A_398 : i32
    %dma_wait3A_400 = arith.constant 27776 : i32
    %dma_wait3A_401 = tpu.memref_slice %arg9[%dma_wait3A_400] : memref<31744xf32, #tpu.memory_space<vmem>> -> memref<3968xf32, #tpu.memory_space<vmem>>
    %dma_wait3A_402 = tpu.memref_slice %arg6[%add3A_399] : memref<1000000xf32, #tpu.memory_space<hbm>> -> memref<3968xf32, #tpu.memory_space<hbm>>
    %dma_wait3A_403 = tpu.memref_slice %arg6[%add3A_399] : memref<1000000xf32, #tpu.memory_space<hbm>> -> memref<3968xf32, #tpu.memory_space<hbm>>
    %dma_wait3A_404 = arith.constant 27776 : i32
    %dma_wait3A_405 = tpu.memref_slice %arg9[%dma_wait3A_404] : memref<31744xf32, #tpu.memory_space<vmem>> -> memref<3968xf32, #tpu.memory_space<vmem>>
    tpu.wait_dma2 semaphore(%arg21 : memref<!tpu.dma_semaphore, #tpu.memory_space<semaphore_mem>>) src(%dma_wait3A_405 : memref<3968xf32, #tpu.memory_space<vmem>>) dst(%dma_wait3A_403 : memref<3968xf32, #tpu.memory_space<hbm>>)
    return
  }
}

</mosaic_0001>

<sc_bundles>
// kernel: kernel.3.cloned.1.call-start
scs
__scs_entry_jumppad:
0x0: {  	(pc) =	sbr.rel $0x88, $3  }
0x1: {  	(tag) =	ssettag $0x0;
	lr =	simm.s32 $0x1  }
0x2: {  	[smem:$0x3F9D] =	sst lr;
	_ =	strace $0xD0000000  }
0x3: {  	_ = 	snop  }
0x4: {  	_ = 	snop  }
0x5: {  	_ = 	snop  }
0x6: {  	_ = 	snop  }
0x7: {  	_ = 	snop  }
__scs_overlays_trampoline_lowered:
0x8: {  	[smem:$0x3FAC] =	sst s0  }
0x9: {  	[smem:$0x3FAD] =	sst s1  }
0xa: {  	[smem:$0x3FAE] =	sst s2  }
0xb: {  	[smem:$0x3FAF] =	sst s3  }
0xc: {  	[smem:$0x3FB0] =	sst s4  }
0xd: {  	[smem:$0x3FB1] =	sst s5  }
0xe: {  	[smem:$0x3FB2] =	sst s6  }
0xf: {  	[smem:$0x3FB3] =	sst s7  }
0x10: {  	[smem:$0x3FB4] =	sst s8  }
0x11: {  	[smem:$0x3FB5] =	sst s9;
	s0 =	simm.s32 @!p0 $0x0  }
0x12: {  	s1 =	sld [smem:$0x3F9B];
	s0 =	simm.s32 @p0 $0x1  }
0x13: {  	[smem:$0x3FB6] =	sst s0;
	s0 =	simm.s32 @!p1 $0x0  }
0x14: {  	s2 =	sld [smem:$0x3F9A];
	s0 =	simm.s32 @p1 $0x1  }
0x15: {  	[smem:$0x3FB7] =	sst s0;
	s0 =	simm.s32 @!p2 $0x0  }
0x16: {  	s3 =	sld [smem:$0x3FDB];
	s0 =	simm.s32 @p2 $0x1  }
0x17: {  	s4 =	simm.s32 $0x1BF5;
	[smem:$0x3FB9] =	sst s0  }
0x18: {  	s0 =	sld [smem:$0x3F9C];
	_ =	swait.ge [sflag:s4], $0x0  }
0x19: {  	s7 =	sld [smem:$0x3F9D]  }
0x1a: {  	s8 =	sadd.s32 $0xFFFFE003, lr  }
0x1b: {  	s9 =	sadd.s32 $0xFFFFFEF7, lr;
	s5 =	simm.s32 $0xFFFFFFFF;
	p2 =	slt.u32 s8, $0xFFFFF086  }
0x1c: {  	p1 =	slt.u32 s9, $0xF7A;
	s5 =	simm.s32 @!p2 $0x0  }
0x1d: {  	s5 =	simm.s32 @p1 $0x1;
	p0 =	seq.s32 s7, s2  }
0x1e: {  	s7 =	smul.u32 @!p0 $0xF7A, s2;
	p2 =	seq.s32 @!p0 s5, $0x0  }
0x1f: {  	s9 =	smul.u32 $0xF7A, s1;
	s8 =	simm.s32 @!p0 $0x1BF5;
	p2 =	por !p2, p0  }
0x20: {  	[sflag:s8] =	ssyncset.s32 @!p0 $0xFFFFF086;
	s6 =	sadd.s32 @!p0 s3, s7;
	s7 =	simm.s32 @!p0 $0x108  }
0x21: {  	s3 =	sadd.s32 s3, s9;
	s6 =	sadd.s32 @!p0 $0x88, s6;
	s7 =	simm.s32 @p2 $0x1082  }
0x22: {  	[simem:s7], [sflag:s8] =	dma.local @!p0 [hbm:s6], $0xF7A  }
0x23: {  	s9 =	sor.u32 $0xD0000000, s2;
	s6 =	simm.s32 $0x108;
	_ =	swait.ge @!p0 [sflag:s8], $0x0  }
0x24: {  	s3 =	sadd.s32 $0x88, s3;
	s6 =	simm.s32 @!p1 $0x1082;
	[sflag:s4] =	ssyncset.s32 $0xFFFFF086  }
0x25: {  	[simem:s6], [sflag:s4] =	dma.local [hbm:s3], $0xF7A  }
0x26: {  	[smem:$0x3F9D] =	sst s1;
	(tag) =	ssettag s2;
	_ =	strace s9  }
0x27: {  	s1 =	sld [smem:$0x3FAD]  }
0x28: {  	s2 =	sld [smem:$0x3FAE]  }
0x29: {  	s4 =	sld [smem:$0x3FB0]  }
0x2a: {  	p0 =	seq.s32 s5, $0x0;
	s5 =	sld [smem:$0x3FB1]  }
0x2b: {  	s6 =	sld [smem:$0x3FB2]  }
0x2c: {  	s7 =	sld [smem:$0x3FB3]  }
0x2d: {  	s3 =	simm.s32 $0x108;
	s8 =	sld [smem:$0x3FB4]  }
0x2e: {  	s3 =	simm.s32 @!p0 $0x1082;
	s9 =	sld [smem:$0x3FB5]  }
0x2f: {  	lr =	sadd.s32 s0, s3;
	s0 =	sld [smem:$0x3FAC]  }
0x30: {  	s3 =	sld [smem:$0x3FAF]  }
0x31: {  	[smem:$0x3FB8] =	sst s10  }
0x32: {  	s10 =	sld [smem:$0x3FB6];
	_ =	sdelay $0x3  }
0x33: {  	p0 =	seq.s32 s10, $0x1;
	s10 =	sld [smem:$0x3FB8];
	_ =	sdelay $0x3  }
0x34: {  	[smem:$0x3FB8] =	sst s10  }
0x35: {  	s10 =	sld [smem:$0x3FB7];
	_ =	sdelay $0x3  }
0x36: {  	p1 =	seq.s32 s10, $0x1;
	s10 =	sld [smem:$0x3FB8];
	_ =	sdelay $0x3  }
0x37: {  	[smem:$0x3FB8] =	sst s10  }
0x38: {  	s10 =	sld [smem:$0x3FB9]  }
0x39: {  	_ = 	snop;
	(pc) =	sbr.ind lr, $3  }
0x3a: {  	_ = 	snop  }
0x3b: {  	_ = 	snop  }
0x3c: {  	p2 =	seq.s32 s10, $0x1;
	s10 =	sld [smem:$0x3FB8]  }
0x3d: {  	_ =	shalt  }
0x3e: {  	_ =	shalt  }
0x3f: {  	_ =	shalt  }
0x40: {  	_ =	shalt  }
0x41: {  	_ =	shalt  }
0x42: {  	_ =	shalt  }
0x43: {  	_ =	shalt  }
0x44: {  	_ =	shalt  }
0x45: {  	_ =	shalt  }
0x46: {  	_ =	shalt  }
0x47: {  	_ =	shalt  }
0x48: {  	_ =	shalt  }
0x49: {  	_ =	shalt  }
0x4a: {  	_ =	shalt  }
0x4b: {  	_ =	shalt  }
0x4c: {  	_ =	shalt  }
0x4d: {  	_ =	shalt  }
0x4e: {  	_ =	shalt  }
0x4f: {  	_ =	shalt  }
0x50: {  	_ =	shalt  }
0x51: {  	_ =	shalt  }
0x52: {  	_ =	shalt  }
0x53: {  	_ =	shalt  }
0x54: {  	_ =	shalt  }
0x55: {  	_ =	shalt  }
0x56: {  	_ =	shalt  }
0x57: {  	_ =	shalt  }
0x58: {  	_ =	shalt  }
0x59: {  	_ =	shalt  }
0x5a: {  	_ =	shalt  }
0x5b: {  	_ =	shalt  }
0x5c: {  	_ =	shalt  }
0x5d: {  	_ =	shalt  }
0x5e: {  	_ =	shalt  }
0x5f: {  	_ =	shalt  }
0x60: {  	_ =	shalt  }
0x61: {  	_ =	shalt  }
0x62: {  	_ =	shalt  }
0x63: {  	_ =	shalt  }
0x64: {  	_ =	shalt  }
0x65: {  	_ =	shalt  }
0x66: {  	_ =	shalt  }
0x67: {  	_ =	shalt  }
0x68: {  	_ =	shalt  }
0x69: {  	_ =	shalt  }
0x6a: {  	_ =	shalt  }
0x6b: {  	_ =	shalt  }
0x6c: {  	_ =	shalt  }
0x6d: {  	_ =	shalt  }
0x6e: {  	_ =	shalt  }
0x6f: {  	_ =	shalt  }
0x70: {  	_ =	shalt  }
0x71: {  	_ =	shalt  }
0x72: {  	_ =	shalt  }
0x73: {  	_ =	shalt  }
0x74: {  	_ =	shalt  }
0x75: {  	_ =	shalt  }
0x76: {  	_ =	shalt  }
0x77: {  	_ =	shalt  }
0x78: {  	_ =	shalt  }
0x79: {  	_ =	shalt  }
0x7a: {  	_ =	shalt  }
0x7b: {  	_ =	shalt  }
0x7c: {  	_ =	shalt  }
0x7d: {  	_ =	shalt  }
0x7e: {  	_ =	shalt  }
0x7f: {  	_ =	shalt  }
0x80: {  	_ =	shalt  }
0x81: {  	_ =	shalt  }
0x82: {  	_ =	shalt  }
0x83: {  	_ =	shalt  }
0x84: {  	_ =	shalt  }
0x85: {  	_ =	shalt  }
0x86: {  	_ =	shalt  }
0x87: {  	_ =	shalt  }
.Lfunc_end0:
.L_simem_size_0:
called_computation_lowered:
.L_overlay_start_0:
0x88: {  	s2 =	sld [smem:$0x3FD9]  }
0x89: {  	s3 =	sld [smem:$0x3FFE];
	_ =	sdelay $0x1  }
0x8a: {  	s1 =	srdreg.scid  }
0x8b: {  	s0 =	sand.u32 $0x1, s1  }
0x8c: {  	s18 =	sshll.u32 s0, $0xA;
	s2 =	sadd.s32 s3, s2  }
0x8d: {  	s2 =	sadd.s32 s2, s18  }
0x8e: {  	[smem:$0x3FC4] =	sst s2  }
0x8f: {  	_ = 	snop  }
0x90: {  	s2 =	sld [smem:$0x3FC9]  }
0x91: {  	s19 =	sld [smem:$0x3FC8]  }
0x92: {  	s4 =	sld [smem:$0x3FC7]  }
0x93: {  	s5 =	sld [smem:$0x3FC6]  }
0x94: {  	s6 =	sld [smem:$0x3FD0];
	(tm) =	ssettm $0x1  }
0x95: {  	s7 =	sld [smem:$0x3FFB];
	_ =	sdelay $0x3  }
0x96: {  	_ =	strace s7  }
0x97: {  	s7 =	sld [smem:$0x3FFC];
	_ =	sdelay $0x3  }
0x98: {  	_ =	strace s7  }
0x99: {  	s7 =	sld [smem:$0x3FFD];
	_ =	sdelay $0x3  }
0x9a: {  	_ =	strace s7  }
0x9b: {  	_ =	strace $0x8FFFFFFF  }
0x9c: {  	s20 =	sld [smem:$0x3FDB];
	_ =	sdelay $0x1  }
0x9d: {  	s8 =	simm.s32 $_scs_section_size  }
0x9e: {  	s9 =	simm.s32 $_size__tile_overlayer_lowered;
	s10 =	simm.s32 $_tile_overlayer_lowered  }
0x9f: {  	s23 =	simm.s32 $0x1BFF;
	s22 =	sshll.u32 s10, $0x1;
	s7 =	sadd.s32 s8, s20  }
0xa0: {  	s11 =	simm.s32 $0x0;
	s21 =	sshll.u32 s9, $0x1;
	s9 =	sadd.s32 s22, s7  }
0xa1: {  	[timem:s11], [sflag:s23] =	dma.local [hbm:s9], s21  }
0xa2: {  	_ =	swait.ge [sflag:s23], s21  }
0xa3: {  	s8 =	ssub.s32 $0x0, s21;
	[sflag:s23] =	ssyncset.done $0x0  }
0xa4: {  	[sflag:s23] =	ssyncadd.s32 s8;
	_ =	sdelay $0x1  }
0xa5: {  	s24 =	simm.s32 $0x1B8B  }
0xa6: {  	_ =	swait.ge [sflag:s24], $0x1  }
0xa7: {  	[sflag:s24] =	ssyncset.done $0x0  }
0xa8: {  	s25 =	simm.s32 $0x1B8E;
	[sflag:s24] =	ssyncadd.s32 $0xFFFFFFFF  }
0xa9: {  	s26 =	simm.s32 $execute0_lowered;
	[smem:$0x3FD2] =	sst s25  }
0xaa: {  	s8 =	sshll.u32 s26, $0x1;
	_ =	strace $0x80000046;
	[dreg:$0x1] =	wrdreg $0xFFFFFFFF  }
0xab: {  	s28 =	simm.s32 $_size_execute0_lowered;
	s7 =	sadd.s32 s7, s8;
	[dreg:$0x0] =	wrdreg $0x0  }
0xac: {  	s8 =	sshll.u32 s28, $0x1;
	[dreg:$0x2] =	wrdreg s7  }
0xad: {  	[dreg:$0x3] =	wrdreg s8  }
0xae: {  	[dreg:$0x4] =	wrdreg $0xC0  }
0xaf: {  	_ =	task [dreg:s11], $0x5FFFF  }
0xb0: {  	[dreg:$0x1] =	wrdreg $0xFFFFFFFF  }
0xb1: {  	[dreg:$0x0] =	wrdreg $0x60  }
0xb2: {  	[dreg:$0x2] =	wrdreg s2  }
0xb3: {  	[dreg:$0x3] =	wrdreg s19  }
0xb4: {  	[dreg:$0x4] =	wrdreg s4  }
0xb5: {  	[dreg:$0x5] =	wrdreg s5  }
0xb6: {  	[dreg:$0x6] =	wrdreg s6  }
0xb7: {  	[dreg:$0x7] =	wrdreg $0x9  }
0xb8: {  	_ =	task.clear_ibuf [dreg:s11], $0x8FFFF;
	_ =	strace $0x90000046  }
0xb9: {  	s29 =	simm.s32 $0x9;
	_ =	strace $0x80000048  }
0xba: {  	_ =	swait.ge [sflag:s29], $0x1  }
0xbb: {  	[sflag:s29] =	ssyncadd.s32 $0xFFFFFFFF  }
0xbc: {  	_ =	strace $0x90000048  }
0xbd: {  	_ =	sfence  }
0xbe: {  	s30 =	sld [smem:$0x0];
	_ =	sdelay $0x2  }
0xbf: {  	s31 =	sshll.u32 s1, $0xD;
	s1 =	sshrl.u32 s1, $0x2  }
0xc0: {  	s3 =	sand.u32 $0x4000, s31;
	s1 =	sadd.s32 s1, s30  }
0xc1: {  	s0 =	sor.u32 s3, s0;
	s1 =	sshll.u32 s1, $0x11  }
0xc2: {  	s0 =	sor.u32 s1, s0  }
0xc3: {  	s0 =	sadd.s32 $0x8F2B, s0  }
0xc4: {  	[sflag:s0] =	ssyncadd.remote.s32 $0x1  }
0xc5: {  	_ =	sfence.sel $0xFFFF  }
0xc6: {  	[dreg:$0x0] =	wrdreg $0xFFFFFFFF;
	(pc) =	sbr.abs _section_cstart, $3  }
0xc7: {  	[dreg:$0x1] =	wrdreg $0xFFFFFFFF  }
0xc8: {  	_ =	task.clear_ibuf [dreg:s11], $0x2FFFF;
	_ =	strace $0x9FFFFFFF  }
0xc9: {  	(tm) =	ssettm $0x7FFFFFFF  }
tec
execute0_lowered:
.L_overlay_start_1:
0x0: {  	(tag) =	ssettag $0x1  }
0x1: {  	s0 =	srdreg.scid;
	s1 =	stileid.u32  }
0x2: {  	s0 =	sand.u32 $0x1, s0;
	s1 =	sshll.u32 s1, $0x1  }
0x3: {  	s2 =	rddreg [dreg:$0x0];
	s1 =	sor.u32 s0, s1  }
0x4: {  	s3 =	rddreg [dreg:$0x1];
	s0 =	ssub.s32 $0x2, s0;
	s4 =	smul.u32 $0x7C00, s1  }
0x5: {  	s5 =	rddreg [dreg:$0x4];
	s31 =	simm.s32 $0x4;
	s6 =	sshrl.u32 s0, $0x1  }
0x6: {  	s1 =	simm.s32 $0x0;
	s0 =	ssub.s32 s0, s6;
	s4 =	smin.u32 s4, $0xEC640  }
0x7: {  	[smem:$0x7FF] =	sst s1;
	s30 =	smax.u32 s0, $0x1;
	s4 =	sshrl.u32 s4, $0x3  }
0x8: {  	s0 =	simm.s32 $0x9;
	s17 =	sadd.s32 s2, s4;
	s18 =	sadd.s32 s3, s4  }
0x9: {  	s6 =	sadd.s32 $0x1F0, s4;
	s20 =	sadd.s32 $0x3E0, s4;
	s23 =	sadd.s32 $0x5D0, s4  }
0xa: {  	s25 =	sadd.s32 $0x7C0, s4;
	s26 =	sadd.s32 $0x9B0, s4;
	[dreg:$0x6] =	wrdreg s17  }
0xb: {  	s21 =	sadd.s32 $0xBA0, s4;
	[dreg:$0x7] =	wrdreg s18;
	s7 =	sadd.s32 s2, s6  }
0xc: {  	s19 =	sadd.s32 s3, s6;
	s8 =	sadd.s32 s2, s20;
	s22 =	sadd.s32 s3, s20  }
0xd: {  	s9 =	sadd.s32 s2, s23;
	s24 =	sadd.s32 s3, s23;
	[dreg:$0x8] =	wrdreg s7  }
0xe: {  	s10 =	sadd.s32 s2, s25;
	s11 =	sadd.s32 s3, s25;
	[dreg:$0x9] =	wrdreg s19  }
0xf: {  	s12 =	sadd.s32 s2, s26;
	s13 =	sadd.s32 s2, s21;
	[dreg:$0xa] =	wrdreg s8  }
0x10: {  	s15 =	sadd.s32 s3, s26;
	s16 =	sadd.s32 s3, s21;
	[dreg:$0xb] =	wrdreg s22  }
0x11: {  	s18 =	sadd.s32 s5, s4;
	s20 =	sadd.s32 s5, s20;
	[dreg:$0xc] =	wrdreg s9  }
0x12: {  	s23 =	sadd.s32 s5, s23;
	s26 =	sadd.s32 s5, s26;
	[dreg:$0xd] =	wrdreg s24  }
0x13: {  	s28 =	sadd.s32 s5, s21;
	s21 =	simm.s32 $0x3;
	[dreg:$0xe] =	wrdreg s10  }
0x14: {  	s22 =	sadd.s32 $0xD90, s4;
	s19 =	sadd.s32 s5, s6;
	s24 =	sadd.s32 s5, s25  }
0x15: {  	s25 =	simm.s32 $0x2;
	s4 =	simm.s32 $0x7;
	s6 =	simm.s32 $0xA  }
0x16: {  	s7 =	simm.s32 $0x0;
	s14 =	sadd.s32 s2, s22;
	s17 =	sadd.s32 s3, s22  }
0x17: {  	s29 =	sadd.s32 s5, s22;
	_ =	strace $0x80000047;
	s22 =	simm.s32 $0x1  }
0x18: {  	s2 =	simm.s32 $0x5;
	s3 =	simm.s32 $0x6;
	s5 =	simm.s32 $0x8  }
.LBB2_1:
0x19: {  	s8 =	rddreg [dreg:$0x2];
	s9 =	simm.s32 $0x17400  }
0x1a: {  	[tilespmem:s9], [sflag:$0x9] =	stream.linear.gather [hbm4b:s8+s1], $0x80, $0x38;
	[tilespmem:$0x17500] =	vst v63  }
0x1b: {  	s10 =	simm.s32 $0x17480;
	s9 =	rddreg [dreg:$0x3]  }
0x1c: {  	[tilespmem:s10], [sflag:$0x9] =	stream.linear.gather [hbm4b:s9+s1], $0x80, $0x38;
	[tilespmem:$0x17500] =	vst v63  }
0x1d: {  	s10 =	rddreg [dreg:$0x6]  }
0x1e: {  	[tilespmem:s1], [sflag:$0x1] =	stream.linear.gather [hbm4b:s10+s1], $0xF80, $0x38;
	[tilespmem:$0x17500] =	vst v63  }
0x1f: {  	s9 =	rddreg [dreg:$0x7];
	s10 =	simm.s32 $0x7C00  }
0x20: {  	[tilespmem:s10], [sflag:$0x1] =	stream.linear.gather [hbm4b:s9+s1], $0xF80, $0x38;
	[tilespmem:$0x17500] =	vst v63  }
0x21: {  	s9 =	rddreg [dreg:$0x8];
	s10 =	simm.s32 $0xF80  }
0x22: {  	[tilespmem:s10], [sflag:$0x2] =	stream.linear.gather [hbm4b:s9+s1], $0xF80, $0x38;
	[tilespmem:$0x17500] =	vst v63  }
0x23: {  	s9 =	rddreg [dreg:$0x9];
	s10 =	simm.s32 $0x8B80  }
0x24: {  	[tilespmem:s10], [sflag:$0x2] =	stream.linear.gather [hbm4b:s9+s1], $0xF80, $0x38;
	[tilespmem:$0x17500] =	vst v63  }
0x25: {  	s9 =	rddreg [dreg:$0xa];
	s10 =	simm.s32 $0x1F00  }
0x26: {  	[tilespmem:s10], [sflag:$0x3] =	stream.linear.gather [hbm4b:s9+s1], $0xF80, $0x38;
	[tilespmem:$0x17500] =	vst v63  }
0x27: {  	s9 =	rddreg [dreg:$0xb];
	s10 =	simm.s32 $0x9B00  }
0x28: {  	[tilespmem:s10], [sflag:$0x3] =	stream.linear.gather [hbm4b:s9+s1], $0xF80, $0x38;
	[tilespmem:$0x17500] =	vst v63  }
0x29: {  	s9 =	rddreg [dreg:$0xc];
	s10 =	simm.s32 $0x2E80  }
0x2a: {  	[tilespmem:s10], [sflag:$0x4] =	stream.linear.gather [hbm4b:s9+s1], $0xF80, $0x38;
	[tilespmem:$0x17500] =	vst v63  }
0x2b: {  	s9 =	rddreg [dreg:$0xd];
	s10 =	simm.s32 $0xAA80  }
0x2c: {  	[tilespmem:s10], [sflag:$0x4] =	stream.linear.gather [hbm4b:s9+s1], $0xF80, $0x38;
	[tilespmem:$0x17500] =	vst v63  }
0x2d: {  	s9 =	rddreg [dreg:$0xe];
	s10 =	simm.s32 $0x3E00  }
0x2e: {  	[tilespmem:s10], [sflag:$0x5] =	stream.linear.gather [hbm4b:s9+s1], $0xF80, $0x38;
	[tilespmem:$0x17500] =	vst v63  }
0x2f: {  	s10 =	simm.s32 $0xBA00  }
0x30: {  	[tilespmem:s10], [sflag:$0x5] =	stream.linear.gather [hbm4b:s11+s1], $0xF80, $0x38;
	[tilespmem:$0x17500] =	vst v63  }
0x31: {  	s9 =	simm.s32 $0x4D80  }
0x32: {  	[tilespmem:s9], [sflag:$0x6] =	stream.linear.gather [hbm4b:s12+s1], $0xF80, $0x38;
	[tilespmem:$0x17500] =	vst v63  }
0x33: {  	s10 =	simm.s32 $0xC980  }
0x34: {  	[tilespmem:s10], [sflag:$0x6] =	stream.linear.gather [hbm4b:s15+s1], $0xF80, $0x38;
	[tilespmem:$0x17500] =	vst v63  }
0x35: {  	s9 =	simm.s32 $0x5D00  }
0x36: {  	[tilespmem:s9], [sflag:$0x7] =	stream.linear.gather [hbm4b:s13+s1], $0xF80, $0x38;
	[tilespmem:$0x17500] =	vst v63  }
0x37: {  	s10 =	simm.s32 $0xD900  }
0x38: {  	[tilespmem:s10], [sflag:$0x7] =	stream.linear.gather [hbm4b:s16+s1], $0xF80, $0x38;
	[tilespmem:$0x17500] =	vst v63  }
0x39: {  	s9 =	simm.s32 $0x6C80  }
0x3a: {  	[tilespmem:s9], [sflag:$0x8] =	stream.linear.gather [hbm4b:s14+s1], $0xF80, $0x38;
	[tilespmem:$0x17500] =	vst v63  }
0x3b: {  	s10 =	simm.s32 $0xE880  }
0x3c: {  	[tilespmem:s10], [sflag:$0x8] =	stream.linear.gather [hbm4b:s17+s1], $0xF80, $0x38;
	[tilespmem:$0x17500] =	vst v63  }
0x3d: {  	_ =	swait.ge [sflag:s0], $0x80  }
0x3e: {  	[sflag:s0] =	ssyncset.done $0x0  }
0x3f: {  	[sflag:s0] =	ssyncadd.s32 $0xFFFFFF80  }
0x40: {  	_ =	swait.ge [sflag:s0], $0x80  }
0x41: {  	[sflag:s0] =	ssyncset.done $0x0  }
0x42: {  	[sflag:s0] =	ssyncadd.s32 $0xFFFFFF80  }
0x43: {  	v1 =	vld [tilespmem:$0x17400]  }
0x44: {  	v0 =	vld [tilespmem:$0x17480];
	_ =	swait.ge [sflag:s22], $0xF80  }
0x45: {  	[sflag:s22] =	ssyncset.done $0x0  }
0x46: {  	[sflag:s22] =	ssyncadd.s32 $0xFFFFF080  }
0x47: {  	_ =	swait.ge [sflag:s22], $0xF80  }
0x48: {  	[sflag:s22] =	ssyncset.done $0x0  }
0x49: {  	s8 =	simm.s32 $0x0;
	[sflag:s22] =	ssyncadd.s32 $0xFFFFF080  }
0x4a: {  	v2 =	vld [tilespmem:s8+$0x7C70]  }
0x4b: {  	v3 =	vld [tilespmem:s8+$0x7C00]  }
0x4c: {  	v4 =	vld [tilespmem:s8+$0x7C10]  }
0x4d: {  	v5 =	vld [tilespmem:s8+$0x70]  }
0x4e: {  	v6 =	vld [tilespmem:s8+$0x7C20]  }
0x4f: {  	v9 =	vld [tilespmem:s8+$0x7C40]  }
0x50: {  	v10 =	vld [tilespmem:s8+$0x7C50]  }
0x51: {  	v17 =	vld [tilespmem:s8+$0x0]  }
0x52: {  	v21 =	vld [tilespmem:s8+$0x10];
	v7 =	vand.u32 $0xF, v2;
	v2 =	vand.u32 $0xF, v3  }
0x53: {  	v8 =	vld [tilespmem:s8+$0x7C30];
	v4 =	vand.u32 $0xF, v4;
	v3 =	vperm.xlane v1, v7;
	v12 =	vperm.xlane v1, v2  }
0x54: {  	v18 =	vand.u32 $0xF, v9;
	v2 =	vperm.xlane v0, v2;
	v11 =	vperm.xlane v0, v7  }
0x55: {  	v16 =	vld [tilespmem:s8+$0x7C60];
	v20 =	vperm.xlane v1, v4;
	v9 =	vperm.xlane v1, v18  }
0x56: {  	v22 =	vand.u32 $0xF, v10;
	v5 =	vmul.f32 v3, v5;
	v3 =	vperm.xlane v0, v4  }
0x57: {  	v13 =	vld [tilespmem:s8+$0x20];
	v4 =	vand.u32 $0xF, v6;
	v19 =	vmul.f32 v12, v17;
	v20 =	vmul.f32 v20, v21  }
0x58: {  	v14 =	vld [tilespmem:s8+$0x30];
	v6 =	vand.u32 $0xF, v8;
	v12 =	vperm.xlane v0, v22;
	v7 =	vperm.xlane v1, v4  }
0x59: {  	v15 =	vld [tilespmem:s8+$0x40];
	v4 =	vperm.xlane v0, v4;
	v8 =	vperm.xlane v1, v6;
	v11 =	vadd.f32 v11, v5  }
0x5a: {  	v5 =	vperm.xlane v0, v6;
	v6 =	vperm.xlane v0, v18;
	v18 =	vand.u32 $0xF, v16;
	v16 =	vld [tilespmem:s8+$0x50]  }
0x5b: {  	s9 =	simm.s32 $0x80;
	s10 =	simm.s32 $0x400;
	v17 =	vld [tilespmem:s8+$0x60];
	v10 =	vperm.xlane v1, v18;
	[tilespmem:s8+$0xF870] =	vst v11;
	v11 =	vperm.xlane v1, v22  }
.LBB2_2:
0x5c: {  	p0 =	sne.s32 s10, $0x3C00;
	v21 =	vld [tilespmem:s9+$0x7C70];
	v2 =	vadd.f32 v2, v19;
	v7 =	vmul.f32 v7, v13;
	v13 =	vperm.xlane v0, v18  }
0x5d: {  	v18 =	vld [tilespmem:s9+$0x7C00];
	v3 =	vadd.f32 v3, v20;
	v8 =	vmul.f32 v8, v14  }
0x5e: {  	v14 =	vld [tilespmem:s9+$0x7C10];
	[tilespmem:s8+$0xF800] =	vst v2;
	v2 =	vadd.f32 v4, v7;
	v4 =	vmul.f32 v9, v15  }
0x5f: {  	v7 =	vld [tilespmem:s9+$0x70];
	[tilespmem:s8+$0xF810] =	vst v3;
	v3 =	vadd.f32 v5, v8;
	v5 =	vmul.f32 v11, v16  }
0x60: {  	v8 =	vld [tilespmem:s9+$0x7C20];
	[tilespmem:s8+$0xF820] =	vst v2;
	v2 =	vadd.f32 v6, v4;
	v4 =	vmul.f32 v10, v17  }
0x61: {  	v6 =	vld [tilespmem:s9+$0x7C30];
	v9 =	vand.u32 $0xF, v21;
	[tilespmem:s8+$0xF830] =	vst v3;
	v3 =	vadd.f32 v12, v5  }
0x62: {  	v5 =	vand.u32 $0xF, v18;
	v10 =	vld [tilespmem:s9+$0x7C40];
	v11 =	vperm.xlane v1, v9;
	[tilespmem:s8+$0xF840] =	vst v2;
	v4 =	vadd.f32 v13, v4  }
0x63: {  	v12 =	vperm.xlane v1, v5;
	v2 =	vperm.xlane v0, v5;
	v5 =	vand.u32 $0xF, v14;
	v15 =	vld [tilespmem:s9+$0x7C50];
	[tilespmem:s8+$0xF850] =	vst v3  }
0x64: {  	v9 =	vperm.xlane v0, v9;
	v16 =	vld [tilespmem:s9+$0x7C60];
	v11 =	vmul.f32 v11, v7;
	[tilespmem:s8+$0xF860] =	vst v4;
	s8 =	smov.u32 s9  }
0x65: {  	v20 =	vperm.xlane v1, v5;
	v3 =	vperm.xlane v0, v5;
	v17 =	vld [tilespmem:s8+$0x0];
	v4 =	vand.u32 $0xF, v8  }
0x66: {  	v21 =	vld [tilespmem:s8+$0x10];
	v7 =	vperm.xlane v1, v4;
	v5 =	vand.u32 $0xF, v6;
	v6 =	vadd.f32 v9, v11  }
.Ltmp0:
0x67: {  	v4 =	vperm.xlane v0, v4;
	v13 =	vld [tilespmem:s8+$0x20];
	v8 =	vperm.xlane v1, v5;
	v10 =	vand.u32 $0xF, v10;
	(pc) =	sbr.rel @p0 .LBB2_2-.Ltmp0, $4  }
0x68: {  	v5 =	vperm.xlane v0, v5;
	v14 =	vld [tilespmem:s8+$0x30];
	v9 =	vperm.xlane v1, v10;
	v22 =	vand.u32 $0xF, v15;
	[tilespmem:s8+$0xF870] =	vst v6  }
0x69: {  	v6 =	vperm.xlane v0, v10;
	v15 =	vld [tilespmem:s8+$0x40];
	v11 =	vperm.xlane v1, v22;
	v18 =	vand.u32 $0xF, v16  }
0x6a: {  	v19 =	vmul.f32 v12, v17;
	v16 =	vld [tilespmem:s8+$0x50];
	v10 =	vperm.xlane v1, v18  }
0x6b: {  	s9 =	sshra.s32 s10, $0x2;
	s10 =	sadd.s32 $0x200, s10;
	v12 =	vperm.xlane v0, v22;
	v20 =	vmul.f32 v20, v21;
	v17 =	vld [tilespmem:s8+$0x60]  }
0x6c: {  	v21 =	vld [tilespmem:s9+$0x7C70];
	v2 =	vadd.f32 v2, v19;
	v7 =	vmul.f32 v7, v13  }
0x6d: {  	v19 =	vld [tilespmem:s9+$0x7C00];
	v3 =	vadd.f32 v3, v20;
	v8 =	vmul.f32 v8, v14  }
0x6e: {  	v22 =	vld [tilespmem:s9+$0x7C10];
	[tilespmem:s8+$0xF800] =	vst v2;
	v4 =	vadd.f32 v4, v7;
	v7 =	vmul.f32 v9, v15  }
0x6f: {  	v2 =	vld [tilespmem:s9+$0x70];
	[tilespmem:s8+$0xF810] =	vst v3;
	v5 =	vadd.f32 v5, v8;
	v8 =	vmul.f32 v11, v16  }
0x70: {  	v3 =	vld [tilespmem:s9+$0x7C20];
	[tilespmem:s8+$0xF820] =	vst v4;
	v6 =	vadd.f32 v6, v7;
	v7 =	vperm.xlane v0, v18;
	v9 =	vmul.f32 v10, v17  }
0x71: {  	v4 =	vld [tilespmem:s9+$0x7C30];
	[tilespmem:s8+$0xF830] =	vst v5;
	v8 =	vadd.f32 v12, v8  }
0x72: {  	v10 =	vand.u32 $0xF, v21;
	v5 =	vld [tilespmem:s9+$0x7C40];
	[tilespmem:s8+$0xF840] =	vst v6;
	v7 =	vadd.f32 v7, v9  }
0x73: {  	v13 =	vand.u32 $0xF, v22;
	v6 =	vld [tilespmem:s9+$0x7C50];
	[tilespmem:s8+$0xF850] =	vst v8;
	v8 =	vperm.xlane v1, v10  }
0x74: {  	v14 =	vperm.xlane v1, v13;
	v9 =	vld [tilespmem:s9+$0x7C60];
	[tilespmem:s8+$0xF860] =	vst v7  }
0x75: {  	v7 =	vand.u32 $0xF, v19;
	v2 =	vmul.f32 v8, v2;
	v8 =	vperm.xlane v0, v10;
	v10 =	vld [tilespmem:s9+$0x0]  }
0x76: {  	v13 =	vperm.xlane v0, v13;
	v11 =	vperm.xlane v1, v7;
	v12 =	vld [tilespmem:s9+$0x10]  }
0x77: {  	v7 =	vperm.xlane v0, v7;
	v3 =	vand.u32 $0xF, v3;
	v2 =	vadd.f32 v8, v2;
	v8 =	vld [tilespmem:s9+$0x20]  }
0x78: {  	v15 =	vld [tilespmem:s9+$0x30];
	v16 =	vperm.xlane v1, v3;
	v3 =	vperm.xlane v0, v3;
	v5 =	vand.u32 $0xF, v5  }
0x79: {  	v17 =	vld [tilespmem:s9+$0x40];
	v4 =	vand.u32 $0xF, v4;
	v18 =	vperm.xlane v1, v5;
	v5 =	vperm.xlane v0, v5  }
0x7a: {  	[tilespmem:s9+$0xF870] =	vst v2;
	v2 =	vperm.xlane v1, v4;
	v10 =	vmul.f32 v11, v10;
	v11 =	vld [tilespmem:s9+$0x50]  }
0x7b: {  	v6 =	vand.u32 $0xF, v6;
	v4 =	vperm.xlane v0, v4;
	v12 =	vmul.f32 v14, v12;
	v14 =	vld [tilespmem:s9+$0x60]  }
0x7c: {  	v19 =	vperm.xlane v1, v6;
	v7 =	vadd.f32 v7, v10;
	v8 =	vmul.f32 v16, v8  }
0x7d: {  	v9 =	vand.u32 $0xF, v9;
	v2 =	vmul.f32 v2, v15;
	v10 =	vadd.f32 v13, v12  }
0x7e: {  	v12 =	vperm.xlane v1, v9;
	[tilespmem:s9+$0xF800] =	vst v7;
	v3 =	vadd.f32 v3, v8;
	v7 =	vmul.f32 v18, v17  }
0x7f: {  	v6 =	vperm.xlane v0, v6;
	v2 =	vadd.f32 v4, v2;
	[tilespmem:s9+$0xF810] =	vst v10;
	v4 =	vmul.f32 v19, v11  }
0x80: {  	v8 =	vperm.xlane v0, v9;
	[tilespmem:s9+$0xF820] =	vst v3;
	v3 =	vadd.f32 v5, v7;
	v5 =	vmul.f32 v12, v14  }
0x81: {  	[tilespmem:s9+$0xF830] =	vst v2;
	v2 =	vadd.f32 v6, v4  }
0x82: {  	[tilespmem:s9+$0xF840] =	vst v3;
	v3 =	vadd.f32 v8, v5  }
0x83: {  	[tilespmem:s9+$0xF850] =	vst v2  }
0x84: {  	[tilespmem:s9+$0xF860] =	vst v3  }
0x85: {  	_ =	swait.ge [sflag:s25], $0xF80  }
0x86: {  	[sflag:s25] =	ssyncset.done $0x0  }
0x87: {  	[sflag:s25] =	ssyncadd.s32 $0xFFFFF080  }
0x88: {  	_ =	swait.ge [sflag:s25], $0xF80  }
0x89: {  	[sflag:s25] =	ssyncset.done $0x0  }
0x8a: {  	s8 =	simm.s32 $0x0;
	[sflag:s25] =	ssyncadd.s32 $0xFFFFF080  }
0x8b: {  	v2 =	vld [tilespmem:s8+$0x8BF0]  }
0x8c: {  	v3 =	vld [tilespmem:s8+$0x8B80]  }
0x8d: {  	v4 =	vld [tilespmem:s8+$0x8B90]  }
0x8e: {  	v5 =	vld [tilespmem:s8+$0xFF0]  }
0x8f: {  	v6 =	vld [tilespmem:s8+$0x8BA0]  }
0x90: {  	v9 =	vld [tilespmem:s8+$0x8BC0]  }
0x91: {  	v10 =	vld [tilespmem:s8+$0x8BD0]  }
0x92: {  	v17 =	vld [tilespmem:s8+$0xF80]  }
0x93: {  	v21 =	vld [tilespmem:s8+$0xF90];
	v7 =	vand.u32 $0xF, v2;
	v2 =	vand.u32 $0xF, v3  }
0x94: {  	v8 =	vld [tilespmem:s8+$0x8BB0];
	v4 =	vand.u32 $0xF, v4;
	v3 =	vperm.xlane v1, v7;
	v12 =	vperm.xlane v1, v2  }
0x95: {  	v18 =	vand.u32 $0xF, v9;
	v2 =	vperm.xlane v0, v2;
	v11 =	vperm.xlane v0, v7  }
0x96: {  	v16 =	vld [tilespmem:s8+$0x8BE0];
	v20 =	vperm.xlane v1, v4;
	v9 =	vperm.xlane v1, v18  }
0x97: {  	v22 =	vand.u32 $0xF, v10;
	v5 =	vmul.f32 v3, v5;
	v3 =	vperm.xlane v0, v4  }
0x98: {  	v13 =	vld [tilespmem:s8+$0xFA0];
	v4 =	vand.u32 $0xF, v6;
	v19 =	vmul.f32 v12, v17;
	v20 =	vmul.f32 v20, v21  }
0x99: {  	v14 =	vld [tilespmem:s8+$0xFB0];
	v6 =	vand.u32 $0xF, v8;
	v12 =	vperm.xlane v0, v22;
	v7 =	vperm.xlane v1, v4  }
0x9a: {  	v15 =	vld [tilespmem:s8+$0xFC0];
	v4 =	vperm.xlane v0, v4;
	v8 =	vperm.xlane v1, v6;
	v11 =	vadd.f32 v11, v5  }
0x9b: {  	v5 =	vperm.xlane v0, v6;
	v6 =	vperm.xlane v0, v18;
	v18 =	vand.u32 $0xF, v16;
	v16 =	vld [tilespmem:s8+$0xFD0]  }
0x9c: {  	s10 =	simm.s32 $0x400;
	s9 =	simm.s32 $0x80;
	v17 =	vld [tilespmem:s8+$0xFE0];
	v10 =	vperm.xlane v1, v18;
	[tilespmem:s8+$0x107F0] =	vst v11;
	v11 =	vperm.xlane v1, v22  }
.LBB2_4:
0x9d: {  	p0 =	sne.s32 s10, $0x3C00;
	v21 =	vld [tilespmem:s9+$0x8BF0];
	v2 =	vadd.f32 v2, v19;
	v7 =	vmul.f32 v7, v13;
	v13 =	vperm.xlane v0, v18  }
0x9e: {  	v18 =	vld [tilespmem:s9+$0x8B80];
	v3 =	vadd.f32 v3, v20;
	v8 =	vmul.f32 v8, v14  }
0x9f: {  	v14 =	vld [tilespmem:s9+$0x8B90];
	[tilespmem:s8+$0x10780] =	vst v2;
	v2 =	vadd.f32 v4, v7;
	v4 =	vmul.f32 v9, v15  }
0xa0: {  	v7 =	vld [tilespmem:s9+$0xFF0];
	[tilespmem:s8+$0x10790] =	vst v3;
	v3 =	vadd.f32 v5, v8;
	v5 =	vmul.f32 v11, v16  }
0xa1: {  	v8 =	vld [tilespmem:s9+$0x8BA0];
	[tilespmem:s8+$0x107A0] =	vst v2;
	v2 =	vadd.f32 v6, v4;
	v4 =	vmul.f32 v10, v17  }
0xa2: {  	v6 =	vld [tilespmem:s9+$0x8BB0];
	v9 =	vand.u32 $0xF, v21;
	[tilespmem:s8+$0x107B0] =	vst v3;
	v3 =	vadd.f32 v12, v5  }
0xa3: {  	v5 =	vand.u32 $0xF, v18;
	v10 =	vld [tilespmem:s9+$0x8BC0];
	v11 =	vperm.xlane v1, v9;
	[tilespmem:s8+$0x107C0] =	vst v2;
	v4 =	vadd.f32 v13, v4  }
0xa4: {  	v12 =	vperm.xlane v1, v5;
	v2 =	vperm.xlane v0, v5;
	v5 =	vand.u32 $0xF, v14;
	v15 =	vld [tilespmem:s9+$0x8BD0];
	[tilespmem:s8+$0x107D0] =	vst v3  }
0xa5: {  	v9 =	vperm.xlane v0, v9;
	v16 =	vld [tilespmem:s9+$0x8BE0];
	v11 =	vmul.f32 v11, v7;
	[tilespmem:s8+$0x107E0] =	vst v4;
	s8 =	smov.u32 s9  }
0xa6: {  	v20 =	vperm.xlane v1, v5;
	v3 =	vperm.xlane v0, v5;
	v17 =	vld [tilespmem:s8+$0xF80];
	v4 =	vand.u32 $0xF, v8  }
0xa7: {  	v21 =	vld [tilespmem:s8+$0xF90];
	v7 =	vperm.xlane v1, v4;
	v5 =	vand.u32 $0xF, v6;
	v6 =	vadd.f32 v9, v11  }
.Ltmp1:
0xa8: {  	v4 =	vperm.xlane v0, v4;
	v13 =	vld [tilespmem:s8+$0xFA0];
	v8 =	vperm.xlane v1, v5;
	v10 =	vand.u32 $0xF, v10;
	(pc) =	sbr.rel @p0 .LBB2_4-.Ltmp1, $4  }
0xa9: {  	v5 =	vperm.xlane v0, v5;
	v14 =	vld [tilespmem:s8+$0xFB0];
	v9 =	vperm.xlane v1, v10;
	v22 =	vand.u32 $0xF, v15;
	[tilespmem:s8+$0x107F0] =	vst v6  }
0xaa: {  	v6 =	vperm.xlane v0, v10;
	v15 =	vld [tilespmem:s8+$0xFC0];
	v11 =	vperm.xlane v1, v22;
	v18 =	vand.u32 $0xF, v16  }
0xab: {  	v19 =	vmul.f32 v12, v17;
	v16 =	vld [tilespmem:s8+$0xFD0];
	v10 =	vperm.xlane v1, v18  }
0xac: {  	s9 =	sshra.s32 s10, $0x2;
	s10 =	sadd.s32 $0x200, s10;
	v12 =	vperm.xlane v0, v22;
	v20 =	vmul.f32 v20, v21;
	v17 =	vld [tilespmem:s8+$0xFE0]  }
0xad: {  	v21 =	vld [tilespmem:s9+$0x8BF0];
	v2 =	vadd.f32 v2, v19;
	v7 =	vmul.f32 v7, v13  }
0xae: {  	v19 =	vld [tilespmem:s9+$0x8B80];
	v3 =	vadd.f32 v3, v20;
	v8 =	vmul.f32 v8, v14  }
0xaf: {  	v22 =	vld [tilespmem:s9+$0x8B90];
	[tilespmem:s8+$0x10780] =	vst v2;
	v4 =	vadd.f32 v4, v7;
	v7 =	vmul.f32 v9, v15  }
0xb0: {  	v2 =	vld [tilespmem:s9+$0xFF0];
	[tilespmem:s8+$0x10790] =	vst v3;
	v5 =	vadd.f32 v5, v8;
	v8 =	vmul.f32 v11, v16  }
0xb1: {  	v3 =	vld [tilespmem:s9+$0x8BA0];
	[tilespmem:s8+$0x107A0] =	vst v4;
	v6 =	vadd.f32 v6, v7;
	v7 =	vperm.xlane v0, v18;
	v9 =	vmul.f32 v10, v17  }
0xb2: {  	v4 =	vld [tilespmem:s9+$0x8BB0];
	[tilespmem:s8+$0x107B0] =	vst v5;
	v8 =	vadd.f32 v12, v8  }
0xb3: {  	v10 =	vand.u32 $0xF, v21;
	v5 =	vld [tilespmem:s9+$0x8BC0];
	[tilespmem:s8+$0x107C0] =	vst v6;
	v7 =	vadd.f32 v7, v9  }
0xb4: {  	v13 =	vand.u32 $0xF, v22;
	v6 =	vld [tilespmem:s9+$0x8BD0];
	[tilespmem:s8+$0x107D0] =	vst v8;
	v8 =	vperm.xlane v1, v10  }
0xb5: {  	v14 =	vperm.xlane v1, v13;
	v9 =	vld [tilespmem:s9+$0x8BE0];
	[tilespmem:s8+$0x107E0] =	vst v7  }
0xb6: {  	v7 =	vand.u32 $0xF, v19;
	v2 =	vmul.f32 v8, v2;
	v8 =	vperm.xlane v0, v10;
	v10 =	vld [tilespmem:s9+$0xF80]  }
0xb7: {  	v13 =	vperm.xlane v0, v13;
	v11 =	vperm.xlane v1, v7;
	v12 =	vld [tilespmem:s9+$0xF90]  }
0xb8: {  	v7 =	vperm.xlane v0, v7;
	v3 =	vand.u32 $0xF, v3;
	v2 =	vadd.f32 v8, v2;
	v8 =	vld [tilespmem:s9+$0xFA0]  }
0xb9: {  	v15 =	vld [tilespmem:s9+$0xFB0];
	v16 =	vperm.xlane v1, v3;
	v3 =	vperm.xlane v0, v3;
	v5 =	vand.u32 $0xF, v5  }
0xba: {  	v17 =	vld [tilespmem:s9+$0xFC0];
	v4 =	vand.u32 $0xF, v4;
	v18 =	vperm.xlane v1, v5;
	v5 =	vperm.xlane v0, v5  }
0xbb: {  	[tilespmem:s9+$0x107F0] =	vst v2;
	v2 =	vperm.xlane v1, v4;
	v10 =	vmul.f32 v11, v10;
	v11 =	vld [tilespmem:s9+$0xFD0]  }
0xbc: {  	v6 =	vand.u32 $0xF, v6;
	v4 =	vperm.xlane v0, v4;
	v12 =	vmul.f32 v14, v12;
	v14 =	vld [tilespmem:s9+$0xFE0]  }
0xbd: {  	v19 =	vperm.xlane v1, v6;
	v7 =	vadd.f32 v7, v10;
	v8 =	vmul.f32 v16, v8  }
0xbe: {  	v9 =	vand.u32 $0xF, v9;
	v2 =	vmul.f32 v2, v15;
	v10 =	vadd.f32 v13, v12  }
0xbf: {  	v12 =	vperm.xlane v1, v9;
	[tilespmem:s9+$0x10780] =	vst v7;
	v3 =	vadd.f32 v3, v8;
	v7 =	vmul.f32 v18, v17  }
0xc0: {  	v6 =	vperm.xlane v0, v6;
	v2 =	vadd.f32 v4, v2;
	[tilespmem:s9+$0x10790] =	vst v10;
	v4 =	vmul.f32 v19, v11  }
0xc1: {  	v8 =	vperm.xlane v0, v9;
	[tilespmem:s9+$0x107A0] =	vst v3;
	v3 =	vadd.f32 v5, v7;
	v5 =	vmul.f32 v12, v14  }
0xc2: {  	[tilespmem:s9+$0x107B0] =	vst v2;
	v2 =	vadd.f32 v6, v4  }
0xc3: {  	[tilespmem:s9+$0x107C0] =	vst v3;
	v3 =	vadd.f32 v8, v5  }
0xc4: {  	[tilespmem:s9+$0x107D0] =	vst v2  }
0xc5: {  	s10 =	simm.s32 $0xF800;
	[tilespmem:s9+$0x107E0] =	vst v3;
	s9 =	simm.s32 $0x0  }
0xc6: {  	[hbm4b:s18+s9] =	stream.linear.scatter [tilespmem:s10], [sflag:$0xA], $0xF80, $0x38;
	[tilespmem:$0x17500] =	vst v63  }
0xc7: {  	_ =	swait.ge [sflag:s21], $0xF80  }
0xc8: {  	[sflag:s21] =	ssyncset.done $0x0  }
0xc9: {  	[sflag:s21] =	ssyncadd.s32 $0xFFFFF080  }
0xca: {  	_ =	swait.ge [sflag:s21], $0xF80  }
0xcb: {  	[sflag:s21] =	ssyncset.done $0x0  }
0xcc: {  	s8 =	simm.s32 $0x0;
	[sflag:s21] =	ssyncadd.s32 $0xFFFFF080  }
0xcd: {  	v2 =	vld [tilespmem:s8+$0x9B70]  }
0xce: {  	v3 =	vld [tilespmem:s8+$0x9B00]  }
0xcf: {  	v4 =	vld [tilespmem:s8+$0x9B10]  }
0xd0: {  	v5 =	vld [tilespmem:s8+$0x1F70]  }
0xd1: {  	v6 =	vld [tilespmem:s8+$0x9B20]  }
0xd2: {  	v9 =	vld [tilespmem:s8+$0x9B40]  }
0xd3: {  	v10 =	vld [tilespmem:s8+$0x9B50]  }
0xd4: {  	v17 =	vld [tilespmem:s8+$0x1F00]  }
0xd5: {  	v21 =	vld [tilespmem:s8+$0x1F10];
	v7 =	vand.u32 $0xF, v2;
	v2 =	vand.u32 $0xF, v3  }
0xd6: {  	v8 =	vld [tilespmem:s8+$0x9B30];
	v4 =	vand.u32 $0xF, v4;
	v3 =	vperm.xlane v1, v7;
	v12 =	vperm.xlane v1, v2  }
0xd7: {  	v18 =	vand.u32 $0xF, v9;
	v2 =	vperm.xlane v0, v2;
	v11 =	vperm.xlane v0, v7  }
0xd8: {  	v16 =	vld [tilespmem:s8+$0x9B60];
	v20 =	vperm.xlane v1, v4;
	v9 =	vperm.xlane v1, v18  }
0xd9: {  	v22 =	vand.u32 $0xF, v10;
	v5 =	vmul.f32 v3, v5;
	v3 =	vperm.xlane v0, v4  }
0xda: {  	v13 =	vld [tilespmem:s8+$0x1F20];
	v4 =	vand.u32 $0xF, v6;
	v19 =	vmul.f32 v12, v17;
	v20 =	vmul.f32 v20, v21  }
0xdb: {  	v14 =	vld [tilespmem:s8+$0x1F30];
	v6 =	vand.u32 $0xF, v8;
	v12 =	vperm.xlane v0, v22;
	v7 =	vperm.xlane v1, v4  }
0xdc: {  	v15 =	vld [tilespmem:s8+$0x1F40];
	v4 =	vperm.xlane v0, v4;
	v8 =	vperm.xlane v1, v6;
	v11 =	vadd.f32 v11, v5  }
0xdd: {  	v5 =	vperm.xlane v0, v6;
	v6 =	vperm.xlane v0, v18;
	v18 =	vand.u32 $0xF, v16;
	v16 =	vld [tilespmem:s8+$0x1F50]  }
0xde: {  	s9 =	simm.s32 $0x80;
	s10 =	simm.s32 $0x400;
	v17 =	vld [tilespmem:s8+$0x1F60];
	v10 =	vperm.xlane v1, v18;
	[tilespmem:s8+$0x11770] =	vst v11;
	v11 =	vperm.xlane v1, v22  }
.LBB2_6:
0xdf: {  	p0 =	sne.s32 s10, $0x3C00;
	v21 =	vld [tilespmem:s9+$0x9B70];
	v2 =	vadd.f32 v2, v19;
	v7 =	vmul.f32 v7, v13;
	v13 =	vperm.xlane v0, v18  }
0xe0: {  	v18 =	vld [tilespmem:s9+$0x9B00];
	v3 =	vadd.f32 v3, v20;
	v8 =	vmul.f32 v8, v14  }
0xe1: {  	v14 =	vld [tilespmem:s9+$0x9B10];
	[tilespmem:s8+$0x11700] =	vst v2;
	v2 =	vadd.f32 v4, v7;
	v4 =	vmul.f32 v9, v15  }
0xe2: {  	v7 =	vld [tilespmem:s9+$0x1F70];
	[tilespmem:s8+$0x11710] =	vst v3;
	v3 =	vadd.f32 v5, v8;
	v5 =	vmul.f32 v11, v16  }
0xe3: {  	v8 =	vld [tilespmem:s9+$0x9B20];
	[tilespmem:s8+$0x11720] =	vst v2;
	v2 =	vadd.f32 v6, v4;
	v4 =	vmul.f32 v10, v17  }
0xe4: {  	v6 =	vld [tilespmem:s9+$0x9B30];
	v9 =	vand.u32 $0xF, v21;
	[tilespmem:s8+$0x11730] =	vst v3;
	v3 =	vadd.f32 v12, v5  }
0xe5: {  	v5 =	vand.u32 $0xF, v18;
	v10 =	vld [tilespmem:s9+$0x9B40];
	v11 =	vperm.xlane v1, v9;
	[tilespmem:s8+$0x11740] =	vst v2;
	v4 =	vadd.f32 v13, v4  }
0xe6: {  	v12 =	vperm.xlane v1, v5;
	v2 =	vperm.xlane v0, v5;
	v5 =	vand.u32 $0xF, v14;
	v15 =	vld [tilespmem:s9+$0x9B50];
	[tilespmem:s8+$0x11750] =	vst v3  }
0xe7: {  	v9 =	vperm.xlane v0, v9;
	v16 =	vld [tilespmem:s9+$0x9B60];
	v11 =	vmul.f32 v11, v7;
	[tilespmem:s8+$0x11760] =	vst v4;
	s8 =	smov.u32 s9  }
0xe8: {  	v20 =	vperm.xlane v1, v5;
	v3 =	vperm.xlane v0, v5;
	v17 =	vld [tilespmem:s8+$0x1F00];
	v4 =	vand.u32 $0xF, v8  }
0xe9: {  	v21 =	vld [tilespmem:s8+$0x1F10];
	v7 =	vperm.xlane v1, v4;
	v5 =	vand.u32 $0xF, v6;
	v6 =	vadd.f32 v9, v11  }
.Ltmp2:
0xea: {  	v4 =	vperm.xlane v0, v4;
	v13 =	vld [tilespmem:s8+$0x1F20];
	v8 =	vperm.xlane v1, v5;
	v10 =	vand.u32 $0xF, v10;
	(pc) =	sbr.rel @p0 .LBB2_6-.Ltmp2, $4  }
0xeb: {  	v5 =	vperm.xlane v0, v5;
	v14 =	vld [tilespmem:s8+$0x1F30];
	v9 =	vperm.xlane v1, v10;
	v22 =	vand.u32 $0xF, v15;
	[tilespmem:s8+$0x11770] =	vst v6  }
0xec: {  	v6 =	vperm.xlane v0, v10;
	v15 =	vld [tilespmem:s8+$0x1F40];
	v11 =	vperm.xlane v1, v22;
	v18 =	vand.u32 $0xF, v16  }
0xed: {  	v19 =	vmul.f32 v12, v17;
	v16 =	vld [tilespmem:s8+$0x1F50];
	v10 =	vperm.xlane v1, v18  }
0xee: {  	s9 =	sshra.s32 s10, $0x2;
	s10 =	sadd.s32 $0x200, s10;
	v12 =	vperm.xlane v0, v22;
	v20 =	vmul.f32 v20, v21;
	v17 =	vld [tilespmem:s8+$0x1F60]  }
0xef: {  	v21 =	vld [tilespmem:s9+$0x9B70];
	v2 =	vadd.f32 v2, v19;
	v7 =	vmul.f32 v7, v13  }
0xf0: {  	v19 =	vld [tilespmem:s9+$0x9B00];
	v3 =	vadd.f32 v3, v20;
	v8 =	vmul.f32 v8, v14  }
0xf1: {  	v22 =	vld [tilespmem:s9+$0x9B10];
	[tilespmem:s8+$0x11700] =	vst v2;
	v4 =	vadd.f32 v4, v7;
	v7 =	vmul.f32 v9, v15  }
0xf2: {  	v2 =	vld [tilespmem:s9+$0x1F70];
	[tilespmem:s8+$0x11710] =	vst v3;
	v5 =	vadd.f32 v5, v8;
	v8 =	vmul.f32 v11, v16  }
0xf3: {  	v3 =	vld [tilespmem:s9+$0x9B20];
	[tilespmem:s8+$0x11720] =	vst v4;
	v6 =	vadd.f32 v6, v7;
	v7 =	vperm.xlane v0, v18;
	v9 =	vmul.f32 v10, v17  }
0xf4: {  	v4 =	vld [tilespmem:s9+$0x9B30];
	[tilespmem:s8+$0x11730] =	vst v5;
	v8 =	vadd.f32 v12, v8  }
0xf5: {  	v10 =	vand.u32 $0xF, v21;
	v5 =	vld [tilespmem:s9+$0x9B40];
	[tilespmem:s8+$0x11740] =	vst v6;
	v7 =	vadd.f32 v7, v9  }
0xf6: {  	v13 =	vand.u32 $0xF, v22;
	v6 =	vld [tilespmem:s9+$0x9B50];
	[tilespmem:s8+$0x11750] =	vst v8;
	v8 =	vperm.xlane v1, v10  }
0xf7: {  	v14 =	vperm.xlane v1, v13;
	v9 =	vld [tilespmem:s9+$0x9B60];
	[tilespmem:s8+$0x11760] =	vst v7  }
0xf8: {  	v7 =	vand.u32 $0xF, v19;
	v2 =	vmul.f32 v8, v2;
	v8 =	vperm.xlane v0, v10;
	v10 =	vld [tilespmem:s9+$0x1F00]  }
0xf9: {  	v13 =	vperm.xlane v0, v13;
	v11 =	vperm.xlane v1, v7;
	v12 =	vld [tilespmem:s9+$0x1F10]  }
0xfa: {  	v7 =	vperm.xlane v0, v7;
	v3 =	vand.u32 $0xF, v3;
	v2 =	vadd.f32 v8, v2;
	v8 =	vld [tilespmem:s9+$0x1F20]  }
0xfb: {  	v15 =	vld [tilespmem:s9+$0x1F30];
	v16 =	vperm.xlane v1, v3;
	v3 =	vperm.xlane v0, v3;
	v5 =	vand.u32 $0xF, v5  }
0xfc: {  	v17 =	vld [tilespmem:s9+$0x1F40];
	v4 =	vand.u32 $0xF, v4;
	v18 =	vperm.xlane v1, v5;
	v5 =	vperm.xlane v0, v5  }
0xfd: {  	[tilespmem:s9+$0x11770] =	vst v2;
	v2 =	vperm.xlane v1, v4;
	v10 =	vmul.f32 v11, v10;
	v11 =	vld [tilespmem:s9+$0x1F50]  }
0xfe: {  	v6 =	vand.u32 $0xF, v6;
	v4 =	vperm.xlane v0, v4;
	v12 =	vmul.f32 v14, v12;
	v14 =	vld [tilespmem:s9+$0x1F60]  }
0xff: {  	v19 =	vperm.xlane v1, v6;
	v7 =	vadd.f32 v7, v10;
	v8 =	vmul.f32 v16, v8  }
0x100: {  	v9 =	vand.u32 $0xF, v9;
	v2 =	vmul.f32 v2, v15;
	v10 =	vadd.f32 v13, v12  }
0x101: {  	v12 =	vperm.xlane v1, v9;
	[tilespmem:s9+$0x11700] =	vst v7;
	v3 =	vadd.f32 v3, v8;
	v7 =	vmul.f32 v18, v17  }
0x102: {  	v6 =	vperm.xlane v0, v6;
	v2 =	vadd.f32 v4, v2;
	[tilespmem:s9+$0x11710] =	vst v10;
	v4 =	vmul.f32 v19, v11  }
0x103: {  	v8 =	vperm.xlane v0, v9;
	[tilespmem:s9+$0x11720] =	vst v3;
	v3 =	vadd.f32 v5, v7;
	v5 =	vmul.f32 v12, v14  }
0x104: {  	[tilespmem:s9+$0x11730] =	vst v2;
	v2 =	vadd.f32 v6, v4  }
0x105: {  	[tilespmem:s9+$0x11740] =	vst v3;
	v3 =	vadd.f32 v8, v5  }
0x106: {  	[tilespmem:s9+$0x11750] =	vst v2  }
0x107: {  	s10 =	simm.s32 $0x10780;
	[tilespmem:s9+$0x11760] =	vst v3;
	s9 =	simm.s32 $0x0  }
0x108: {  	[hbm4b:s19+s9] =	stream.linear.scatter [tilespmem:s10], [sflag:$0xA], $0xF80, $0x38;
	[tilespmem:$0x17500] =	vst v63  }
0x109: {  	_ =	swait.ge [sflag:s31], $0xF80  }
0x10a: {  	[sflag:s31] =	ssyncset.done $0x0  }
0x10b: {  	[sflag:s31] =	ssyncadd.s32 $0xFFFFF080  }
0x10c: {  	_ =	swait.ge [sflag:s31], $0xF80  }
0x10d: {  	[sflag:s31] =	ssyncset.done $0x0  }
0x10e: {  	s8 =	simm.s32 $0x0;
	[sflag:s31] =	ssyncadd.s32 $0xFFFFF080  }
0x10f: {  	v2 =	vld [tilespmem:s8+$0xAAF0]  }
0x110: {  	v3 =	vld [tilespmem:s8+$0xAA80]  }
0x111: {  	v4 =	vld [tilespmem:s8+$0xAA90]  }
0x112: {  	v5 =	vld [tilespmem:s8+$0x2EF0]  }
0x113: {  	v6 =	vld [tilespmem:s8+$0xAAA0]  }
0x114: {  	v9 =	vld [tilespmem:s8+$0xAAC0]  }
0x115: {  	v10 =	vld [tilespmem:s8+$0xAAD0]  }
0x116: {  	v17 =	vld [tilespmem:s8+$0x2E80]  }
0x117: {  	v21 =	vld [tilespmem:s8+$0x2E90];
	v7 =	vand.u32 $0xF, v2;
	v2 =	vand.u32 $0xF, v3  }
0x118: {  	v8 =	vld [tilespmem:s8+$0xAAB0];
	v4 =	vand.u32 $0xF, v4;
	v3 =	vperm.xlane v1, v7;
	v12 =	vperm.xlane v1, v2  }
0x119: {  	v18 =	vand.u32 $0xF, v9;
	v2 =	vperm.xlane v0, v2;
	v11 =	vperm.xlane v0, v7  }
0x11a: {  	v16 =	vld [tilespmem:s8+$0xAAE0];
	v20 =	vperm.xlane v1, v4;
	v9 =	vperm.xlane v1, v18  }
0x11b: {  	v22 =	vand.u32 $0xF, v10;
	v5 =	vmul.f32 v3, v5;
	v3 =	vperm.xlane v0, v4  }
0x11c: {  	v13 =	vld [tilespmem:s8+$0x2EA0];
	v4 =	vand.u32 $0xF, v6;
	v19 =	vmul.f32 v12, v17;
	v20 =	vmul.f32 v20, v21  }
0x11d: {  	v14 =	vld [tilespmem:s8+$0x2EB0];
	v6 =	vand.u32 $0xF, v8;
	v12 =	vperm.xlane v0, v22;
	v7 =	vperm.xlane v1, v4  }
0x11e: {  	v15 =	vld [tilespmem:s8+$0x2EC0];
	v4 =	vperm.xlane v0, v4;
	v8 =	vperm.xlane v1, v6;
	v11 =	vadd.f32 v11, v5  }
0x11f: {  	v5 =	vperm.xlane v0, v6;
	v6 =	vperm.xlane v0, v18;
	v18 =	vand.u32 $0xF, v16;
	v16 =	vld [tilespmem:s8+$0x2ED0]  }
0x120: {  	s9 =	simm.s32 $0x80;
	s10 =	simm.s32 $0x400;
	v17 =	vld [tilespmem:s8+$0x2EE0];
	v10 =	vperm.xlane v1, v18;
	[tilespmem:s8+$0x126F0] =	vst v11;
	v11 =	vperm.xlane v1, v22  }
.LBB2_8:
0x121: {  	p0 =	sne.s32 s10, $0x3C00;
	v21 =	vld [tilespmem:s9+$0xAAF0];
	v2 =	vadd.f32 v2, v19;
	v7 =	vmul.f32 v7, v13;
	v13 =	vperm.xlane v0, v18  }
0x122: {  	v18 =	vld [tilespmem:s9+$0xAA80];
	v3 =	vadd.f32 v3, v20;
	v8 =	vmul.f32 v8, v14  }
0x123: {  	v14 =	vld [tilespmem:s9+$0xAA90];
	[tilespmem:s8+$0x12680] =	vst v2;
	v2 =	vadd.f32 v4, v7;
	v4 =	vmul.f32 v9, v15  }
0x124: {  	v7 =	vld [tilespmem:s9+$0x2EF0];
	[tilespmem:s8+$0x12690] =	vst v3;
	v3 =	vadd.f32 v5, v8;
	v5 =	vmul.f32 v11, v16  }
0x125: {  	v8 =	vld [tilespmem:s9+$0xAAA0];
	[tilespmem:s8+$0x126A0] =	vst v2;
	v2 =	vadd.f32 v6, v4;
	v4 =	vmul.f32 v10, v17  }
0x126: {  	v6 =	vld [tilespmem:s9+$0xAAB0];
	v9 =	vand.u32 $0xF, v21;
	[tilespmem:s8+$0x126B0] =	vst v3;
	v3 =	vadd.f32 v12, v5  }
0x127: {  	v5 =	vand.u32 $0xF, v18;
	v10 =	vld [tilespmem:s9+$0xAAC0];
	v11 =	vperm.xlane v1, v9;
	[tilespmem:s8+$0x126C0] =	vst v2;
	v4 =	vadd.f32 v13, v4  }
0x128: {  	v12 =	vperm.xlane v1, v5;
	v2 =	vperm.xlane v0, v5;
	v5 =	vand.u32 $0xF, v14;
	v15 =	vld [tilespmem:s9+$0xAAD0];
	[tilespmem:s8+$0x126D0] =	vst v3  }
0x129: {  	v9 =	vperm.xlane v0, v9;
	v16 =	vld [tilespmem:s9+$0xAAE0];
	v11 =	vmul.f32 v11, v7;
	[tilespmem:s8+$0x126E0] =	vst v4;
	s8 =	smov.u32 s9  }
0x12a: {  	v20 =	vperm.xlane v1, v5;
	v3 =	vperm.xlane v0, v5;
	v17 =	vld [tilespmem:s8+$0x2E80];
	v4 =	vand.u32 $0xF, v8  }
0x12b: {  	v21 =	vld [tilespmem:s8+$0x2E90];
	v7 =	vperm.xlane v1, v4;
	v5 =	vand.u32 $0xF, v6;
	v6 =	vadd.f32 v9, v11  }
.Ltmp3:
0x12c: {  	v4 =	vperm.xlane v0, v4;
	v13 =	vld [tilespmem:s8+$0x2EA0];
	v8 =	vperm.xlane v1, v5;
	v10 =	vand.u32 $0xF, v10;
	(pc) =	sbr.rel @p0 .LBB2_8-.Ltmp3, $4  }
0x12d: {  	v5 =	vperm.xlane v0, v5;
	v14 =	vld [tilespmem:s8+$0x2EB0];
	v9 =	vperm.xlane v1, v10;
	v22 =	vand.u32 $0xF, v15;
	[tilespmem:s8+$0x126F0] =	vst v6  }
0x12e: {  	v6 =	vperm.xlane v0, v10;
	v15 =	vld [tilespmem:s8+$0x2EC0];
	v11 =	vperm.xlane v1, v22;
	v18 =	vand.u32 $0xF, v16  }
0x12f: {  	v19 =	vmul.f32 v12, v17;
	v16 =	vld [tilespmem:s8+$0x2ED0];
	v10 =	vperm.xlane v1, v18  }
0x130: {  	s9 =	sshra.s32 s10, $0x2;
	s10 =	sadd.s32 $0x200, s10;
	v12 =	vperm.xlane v0, v22;
	v20 =	vmul.f32 v20, v21;
	v17 =	vld [tilespmem:s8+$0x2EE0]  }
0x131: {  	v21 =	vld [tilespmem:s9+$0xAAF0];
	v2 =	vadd.f32 v2, v19;
	v7 =	vmul.f32 v7, v13  }
0x132: {  	v19 =	vld [tilespmem:s9+$0xAA80];
	v3 =	vadd.f32 v3, v20;
	v8 =	vmul.f32 v8, v14  }
0x133: {  	v22 =	vld [tilespmem:s9+$0xAA90];
	[tilespmem:s8+$0x12680] =	vst v2;
	v4 =	vadd.f32 v4, v7;
	v7 =	vmul.f32 v9, v15  }
0x134: {  	v2 =	vld [tilespmem:s9+$0x2EF0];
	[tilespmem:s8+$0x12690] =	vst v3;
	v5 =	vadd.f32 v5, v8;
	v8 =	vmul.f32 v11, v16  }
0x135: {  	v3 =	vld [tilespmem:s9+$0xAAA0];
	[tilespmem:s8+$0x126A0] =	vst v4;
	v6 =	vadd.f32 v6, v7;
	v7 =	vperm.xlane v0, v18;
	v9 =	vmul.f32 v10, v17  }
0x136: {  	v4 =	vld [tilespmem:s9+$0xAAB0];
	[tilespmem:s8+$0x126B0] =	vst v5;
	v8 =	vadd.f32 v12, v8  }
0x137: {  	v10 =	vand.u32 $0xF, v21;
	v5 =	vld [tilespmem:s9+$0xAAC0];
	[tilespmem:s8+$0x126C0] =	vst v6;
	v7 =	vadd.f32 v7, v9  }
0x138: {  	v13 =	vand.u32 $0xF, v22;
	v6 =	vld [tilespmem:s9+$0xAAD0];
	[tilespmem:s8+$0x126D0] =	vst v8;
	v8 =	vperm.xlane v1, v10  }
0x139: {  	v14 =	vperm.xlane v1, v13;
	v9 =	vld [tilespmem:s9+$0xAAE0];
	[tilespmem:s8+$0x126E0] =	vst v7  }
0x13a: {  	v7 =	vand.u32 $0xF, v19;
	v2 =	vmul.f32 v8, v2;
	v8 =	vperm.xlane v0, v10;
	v10 =	vld [tilespmem:s9+$0x2E80]  }
0x13b: {  	v13 =	vperm.xlane v0, v13;
	v11 =	vperm.xlane v1, v7;
	v12 =	vld [tilespmem:s9+$0x2E90]  }
0x13c: {  	v7 =	vperm.xlane v0, v7;
	v3 =	vand.u32 $0xF, v3;
	v2 =	vadd.f32 v8, v2;
	v8 =	vld [tilespmem:s9+$0x2EA0]  }
0x13d: {  	v15 =	vld [tilespmem:s9+$0x2EB0];
	v16 =	vperm.xlane v1, v3;
	v3 =	vperm.xlane v0, v3;
	v5 =	vand.u32 $0xF, v5  }
0x13e: {  	v17 =	vld [tilespmem:s9+$0x2EC0];
	v4 =	vand.u32 $0xF, v4;
	v18 =	vperm.xlane v1, v5;
	v5 =	vperm.xlane v0, v5  }
0x13f: {  	[tilespmem:s9+$0x126F0] =	vst v2;
	v2 =	vperm.xlane v1, v4;
	v10 =	vmul.f32 v11, v10;
	v11 =	vld [tilespmem:s9+$0x2ED0]  }
0x140: {  	v6 =	vand.u32 $0xF, v6;
	v4 =	vperm.xlane v0, v4;
	v12 =	vmul.f32 v14, v12;
	v14 =	vld [tilespmem:s9+$0x2EE0]  }
0x141: {  	v19 =	vperm.xlane v1, v6;
	v7 =	vadd.f32 v7, v10;
	v8 =	vmul.f32 v16, v8  }
0x142: {  	v9 =	vand.u32 $0xF, v9;
	v2 =	vmul.f32 v2, v15;
	v10 =	vadd.f32 v13, v12  }
0x143: {  	v12 =	vperm.xlane v1, v9;
	[tilespmem:s9+$0x12680] =	vst v7;
	v3 =	vadd.f32 v3, v8;
	v7 =	vmul.f32 v18, v17  }
0x144: {  	v6 =	vperm.xlane v0, v6;
	v2 =	vadd.f32 v4, v2;
	[tilespmem:s9+$0x12690] =	vst v10;
	v4 =	vmul.f32 v19, v11  }
0x145: {  	v8 =	vperm.xlane v0, v9;
	[tilespmem:s9+$0x126A0] =	vst v3;
	v3 =	vadd.f32 v5, v7;
	v5 =	vmul.f32 v12, v14  }
0x146: {  	[tilespmem:s9+$0x126B0] =	vst v2;
	v2 =	vadd.f32 v6, v4  }
0x147: {  	[tilespmem:s9+$0x126C0] =	vst v3;
	v3 =	vadd.f32 v8, v5  }
0x148: {  	[tilespmem:s9+$0x126D0] =	vst v2  }
0x149: {  	s10 =	simm.s32 $0x11700;
	[tilespmem:s9+$0x126E0] =	vst v3;
	s9 =	simm.s32 $0x0  }
0x14a: {  	[hbm4b:s20+s9] =	stream.linear.scatter [tilespmem:s10], [sflag:$0xA], $0xF80, $0x38;
	[tilespmem:$0x17500] =	vst v63  }
0x14b: {  	_ =	swait.ge [sflag:s2], $0xF80  }
0x14c: {  	[sflag:s2] =	ssyncset.done $0x0  }
0x14d: {  	[sflag:s2] =	ssyncadd.s32 $0xFFFFF080  }
0x14e: {  	_ =	swait.ge [sflag:s2], $0xF80  }
0x14f: {  	[sflag:s2] =	ssyncset.done $0x0  }
0x150: {  	s8 =	simm.s32 $0x0;
	[sflag:s2] =	ssyncadd.s32 $0xFFFFF080  }
0x151: {  	v2 =	vld [tilespmem:s8+$0xBA70]  }
0x152: {  	v3 =	vld [tilespmem:s8+$0xBA00]  }
0x153: {  	v4 =	vld [tilespmem:s8+$0xBA10]  }
0x154: {  	v5 =	vld [tilespmem:s8+$0x3E70]  }
0x155: {  	v6 =	vld [tilespmem:s8+$0xBA20]  }
0x156: {  	v9 =	vld [tilespmem:s8+$0xBA40]  }
0x157: {  	v10 =	vld [tilespmem:s8+$0xBA50]  }
0x158: {  	v17 =	vld [tilespmem:s8+$0x3E00]  }
0x159: {  	v21 =	vld [tilespmem:s8+$0x3E10];
	v7 =	vand.u32 $0xF, v2;
	v2 =	vand.u32 $0xF, v3  }
0x15a: {  	v8 =	vld [tilespmem:s8+$0xBA30];
	v4 =	vand.u32 $0xF, v4;
	v3 =	vperm.xlane v1, v7;
	v12 =	vperm.xlane v1, v2  }
0x15b: {  	v18 =	vand.u32 $0xF, v9;
	v2 =	vperm.xlane v0, v2;
	v11 =	vperm.xlane v0, v7  }
0x15c: {  	v16 =	vld [tilespmem:s8+$0xBA60];
	v20 =	vperm.xlane v1, v4;
	v9 =	vperm.xlane v1, v18  }
0x15d: {  	v22 =	vand.u32 $0xF, v10;
	v5 =	vmul.f32 v3, v5;
	v3 =	vperm.xlane v0, v4  }
0x15e: {  	v13 =	vld [tilespmem:s8+$0x3E20];
	v4 =	vand.u32 $0xF, v6;
	v19 =	vmul.f32 v12, v17;
	v20 =	vmul.f32 v20, v21  }
0x15f: {  	v14 =	vld [tilespmem:s8+$0x3E30];
	v6 =	vand.u32 $0xF, v8;
	v12 =	vperm.xlane v0, v22;
	v7 =	vperm.xlane v1, v4  }
0x160: {  	v15 =	vld [tilespmem:s8+$0x3E40];
	v4 =	vperm.xlane v0, v4;
	v8 =	vperm.xlane v1, v6;
	v11 =	vadd.f32 v11, v5  }
0x161: {  	v5 =	vperm.xlane v0, v6;
	v6 =	vperm.xlane v0, v18;
	v18 =	vand.u32 $0xF, v16;
	v16 =	vld [tilespmem:s8+$0x3E50]  }
0x162: {  	s9 =	simm.s32 $0x80;
	s10 =	simm.s32 $0x400;
	v17 =	vld [tilespmem:s8+$0x3E60];
	v10 =	vperm.xlane v1, v18;
	[tilespmem:s8+$0x13670] =	vst v11;
	v11 =	vperm.xlane v1, v22  }
.LBB2_10:
0x163: {  	p0 =	sne.s32 s10, $0x3C00;
	v21 =	vld [tilespmem:s9+$0xBA70];
	v2 =	vadd.f32 v2, v19;
	v7 =	vmul.f32 v7, v13;
	v13 =	vperm.xlane v0, v18  }
0x164: {  	v18 =	vld [tilespmem:s9+$0xBA00];
	v3 =	vadd.f32 v3, v20;
	v8 =	vmul.f32 v8, v14  }
0x165: {  	v14 =	vld [tilespmem:s9+$0xBA10];
	[tilespmem:s8+$0x13600] =	vst v2;
	v2 =	vadd.f32 v4, v7;
	v4 =	vmul.f32 v9, v15  }
0x166: {  	v7 =	vld [tilespmem:s9+$0x3E70];
	[tilespmem:s8+$0x13610] =	vst v3;
	v3 =	vadd.f32 v5, v8;
	v5 =	vmul.f32 v11, v16  }
0x167: {  	v8 =	vld [tilespmem:s9+$0xBA20];
	[tilespmem:s8+$0x13620] =	vst v2;
	v2 =	vadd.f32 v6, v4;
	v4 =	vmul.f32 v10, v17  }
0x168: {  	v6 =	vld [tilespmem:s9+$0xBA30];
	v9 =	vand.u32 $0xF, v21;
	[tilespmem:s8+$0x13630] =	vst v3;
	v3 =	vadd.f32 v12, v5  }
0x169: {  	v5 =	vand.u32 $0xF, v18;
	v10 =	vld [tilespmem:s9+$0xBA40];
	v11 =	vperm.xlane v1, v9;
	[tilespmem:s8+$0x13640] =	vst v2;
	v4 =	vadd.f32 v13, v4  }
0x16a: {  	v12 =	vperm.xlane v1, v5;
	v2 =	vperm.xlane v0, v5;
	v5 =	vand.u32 $0xF, v14;
	v15 =	vld [tilespmem:s9+$0xBA50];
	[tilespmem:s8+$0x13650] =	vst v3  }
0x16b: {  	v9 =	vperm.xlane v0, v9;
	v16 =	vld [tilespmem:s9+$0xBA60];
	v11 =	vmul.f32 v11, v7;
	[tilespmem:s8+$0x13660] =	vst v4;
	s8 =	smov.u32 s9  }
0x16c: {  	v20 =	vperm.xlane v1, v5;
	v3 =	vperm.xlane v0, v5;
	v17 =	vld [tilespmem:s8+$0x3E00];
	v4 =	vand.u32 $0xF, v8  }
0x16d: {  	v21 =	vld [tilespmem:s8+$0x3E10];
	v7 =	vperm.xlane v1, v4;
	v5 =	vand.u32 $0xF, v6;
	v6 =	vadd.f32 v9, v11  }
.Ltmp4:
0x16e: {  	v4 =	vperm.xlane v0, v4;
	v13 =	vld [tilespmem:s8+$0x3E20];
	v8 =	vperm.xlane v1, v5;
	v10 =	vand.u32 $0xF, v10;
	(pc) =	sbr.rel @p0 .LBB2_10-.Ltmp4, $4  }
0x16f: {  	v5 =	vperm.xlane v0, v5;
	v14 =	vld [tilespmem:s8+$0x3E30];
	v9 =	vperm.xlane v1, v10;
	v22 =	vand.u32 $0xF, v15;
	[tilespmem:s8+$0x13670] =	vst v6  }
0x170: {  	v6 =	vperm.xlane v0, v10;
	v15 =	vld [tilespmem:s8+$0x3E40];
	v11 =	vperm.xlane v1, v22;
	v18 =	vand.u32 $0xF, v16  }
0x171: {  	v19 =	vmul.f32 v12, v17;
	v16 =	vld [tilespmem:s8+$0x3E50];
	v10 =	vperm.xlane v1, v18  }
0x172: {  	s9 =	sshra.s32 s10, $0x2;
	s10 =	sadd.s32 $0x200, s10;
	v12 =	vperm.xlane v0, v22;
	v20 =	vmul.f32 v20, v21;
	v17 =	vld [tilespmem:s8+$0x3E60]  }
0x173: {  	v21 =	vld [tilespmem:s9+$0xBA70];
	v2 =	vadd.f32 v2, v19;
	v7 =	vmul.f32 v7, v13  }
0x174: {  	v19 =	vld [tilespmem:s9+$0xBA00];
	v3 =	vadd.f32 v3, v20;
	v8 =	vmul.f32 v8, v14  }
0x175: {  	v22 =	vld [tilespmem:s9+$0xBA10];
	[tilespmem:s8+$0x13600] =	vst v2;
	v4 =	vadd.f32 v4, v7;
	v7 =	vmul.f32 v9, v15  }
0x176: {  	v2 =	vld [tilespmem:s9+$0x3E70];
	[tilespmem:s8+$0x13610] =	vst v3;
	v5 =	vadd.f32 v5, v8;
	v8 =	vmul.f32 v11, v16  }
0x177: {  	v3 =	vld [tilespmem:s9+$0xBA20];
	[tilespmem:s8+$0x13620] =	vst v4;
	v6 =	vadd.f32 v6, v7;
	v7 =	vperm.xlane v0, v18;
	v9 =	vmul.f32 v10, v17  }
0x178: {  	v4 =	vld [tilespmem:s9+$0xBA30];
	[tilespmem:s8+$0x13630] =	vst v5;
	v8 =	vadd.f32 v12, v8  }
0x179: {  	v10 =	vand.u32 $0xF, v21;
	v5 =	vld [tilespmem:s9+$0xBA40];
	[tilespmem:s8+$0x13640] =	vst v6;
	v7 =	vadd.f32 v7, v9  }
0x17a: {  	v13 =	vand.u32 $0xF, v22;
	v6 =	vld [tilespmem:s9+$0xBA50];
	[tilespmem:s8+$0x13650] =	vst v8;
	v8 =	vperm.xlane v1, v10  }
0x17b: {  	v14 =	vperm.xlane v1, v13;
	v9 =	vld [tilespmem:s9+$0xBA60];
	[tilespmem:s8+$0x13660] =	vst v7  }
0x17c: {  	v7 =	vand.u32 $0xF, v19;
	v2 =	vmul.f32 v8, v2;
	v8 =	vperm.xlane v0, v10;
	v10 =	vld [tilespmem:s9+$0x3E00]  }
0x17d: {  	v13 =	vperm.xlane v0, v13;
	v11 =	vperm.xlane v1, v7;
	v12 =	vld [tilespmem:s9+$0x3E10]  }
0x17e: {  	v7 =	vperm.xlane v0, v7;
	v3 =	vand.u32 $0xF, v3;
	v2 =	vadd.f32 v8, v2;
	v8 =	vld [tilespmem:s9+$0x3E20]  }
0x17f: {  	v15 =	vld [tilespmem:s9+$0x3E30];
	v16 =	vperm.xlane v1, v3;
	v3 =	vperm.xlane v0, v3;
	v5 =	vand.u32 $0xF, v5  }
0x180: {  	v17 =	vld [tilespmem:s9+$0x3E40];
	v4 =	vand.u32 $0xF, v4;
	v18 =	vperm.xlane v1, v5;
	v5 =	vperm.xlane v0, v5  }
0x181: {  	[tilespmem:s9+$0x13670] =	vst v2;
	v2 =	vperm.xlane v1, v4;
	v10 =	vmul.f32 v11, v10;
	v11 =	vld [tilespmem:s9+$0x3E50]  }
0x182: {  	v6 =	vand.u32 $0xF, v6;
	v4 =	vperm.xlane v0, v4;
	v12 =	vmul.f32 v14, v12;
	v14 =	vld [tilespmem:s9+$0x3E60]  }
0x183: {  	v19 =	vperm.xlane v1, v6;
	v7 =	vadd.f32 v7, v10;
	v8 =	vmul.f32 v16, v8  }
0x184: {  	v9 =	vand.u32 $0xF, v9;
	v2 =	vmul.f32 v2, v15;
	v10 =	vadd.f32 v13, v12  }
0x185: {  	v12 =	vperm.xlane v1, v9;
	[tilespmem:s9+$0x13600] =	vst v7;
	v3 =	vadd.f32 v3, v8;
	v7 =	vmul.f32 v18, v17  }
0x186: {  	v6 =	vperm.xlane v0, v6;
	v2 =	vadd.f32 v4, v2;
	[tilespmem:s9+$0x13610] =	vst v10;
	v4 =	vmul.f32 v19, v11  }
0x187: {  	v8 =	vperm.xlane v0, v9;
	[tilespmem:s9+$0x13620] =	vst v3;
	v3 =	vadd.f32 v5, v7;
	v5 =	vmul.f32 v12, v14  }
0x188: {  	[tilespmem:s9+$0x13630] =	vst v2;
	v2 =	vadd.f32 v6, v4  }
0x189: {  	[tilespmem:s9+$0x13640] =	vst v3;
	v3 =	vadd.f32 v8, v5  }
0x18a: {  	[tilespmem:s9+$0x13650] =	vst v2  }
0x18b: {  	s10 =	simm.s32 $0x12680;
	[tilespmem:s9+$0x13660] =	vst v3;
	s9 =	simm.s32 $0x0  }
0x18c: {  	[hbm4b:s23+s9] =	stream.linear.scatter [tilespmem:s10], [sflag:$0xA], $0xF80, $0x38;
	[tilespmem:$0x17500] =	vst v63  }
0x18d: {  	_ =	swait.ge [sflag:s3], $0xF80  }
0x18e: {  	[sflag:s3] =	ssyncset.done $0x0  }
0x18f: {  	[sflag:s3] =	ssyncadd.s32 $0xFFFFF080  }
0x190: {  	_ =	swait.ge [sflag:s3], $0xF80  }
0x191: {  	[sflag:s3] =	ssyncset.done $0x0  }
0x192: {  	s8 =	simm.s32 $0x0;
	[sflag:s3] =	ssyncadd.s32 $0xFFFFF080  }
0x193: {  	v2 =	vld [tilespmem:s8+$0xC9F0]  }
0x194: {  	v3 =	vld [tilespmem:s8+$0xC980]  }
0x195: {  	v4 =	vld [tilespmem:s8+$0xC990]  }
0x196: {  	v5 =	vld [tilespmem:s8+$0x4DF0]  }
0x197: {  	v6 =	vld [tilespmem:s8+$0xC9A0]  }
0x198: {  	v9 =	vld [tilespmem:s8+$0xC9C0]  }
0x199: {  	v10 =	vld [tilespmem:s8+$0xC9D0]  }
0x19a: {  	v17 =	vld [tilespmem:s8+$0x4D80]  }
0x19b: {  	v21 =	vld [tilespmem:s8+$0x4D90];
	v7 =	vand.u32 $0xF, v2;
	v2 =	vand.u32 $0xF, v3  }
0x19c: {  	v8 =	vld [tilespmem:s8+$0xC9B0];
	v4 =	vand.u32 $0xF, v4;
	v3 =	vperm.xlane v1, v7;
	v12 =	vperm.xlane v1, v2  }
0x19d: {  	v18 =	vand.u32 $0xF, v9;
	v2 =	vperm.xlane v0, v2;
	v11 =	vperm.xlane v0, v7  }
0x19e: {  	v16 =	vld [tilespmem:s8+$0xC9E0];
	v20 =	vperm.xlane v1, v4;
	v9 =	vperm.xlane v1, v18  }
0x19f: {  	v22 =	vand.u32 $0xF, v10;
	v5 =	vmul.f32 v3, v5;
	v3 =	vperm.xlane v0, v4  }
0x1a0: {  	v13 =	vld [tilespmem:s8+$0x4DA0];
	v4 =	vand.u32 $0xF, v6;
	v19 =	vmul.f32 v12, v17;
	v20 =	vmul.f32 v20, v21  }
0x1a1: {  	v14 =	vld [tilespmem:s8+$0x4DB0];
	v6 =	vand.u32 $0xF, v8;
	v12 =	vperm.xlane v0, v22;
	v7 =	vperm.xlane v1, v4  }
0x1a2: {  	v15 =	vld [tilespmem:s8+$0x4DC0];
	v4 =	vperm.xlane v0, v4;
	v8 =	vperm.xlane v1, v6;
	v11 =	vadd.f32 v11, v5  }
0x1a3: {  	v5 =	vperm.xlane v0, v6;
	v6 =	vperm.xlane v0, v18;
	v18 =	vand.u32 $0xF, v16;
	v16 =	vld [tilespmem:s8+$0x4DD0]  }
0x1a4: {  	s9 =	simm.s32 $0x80;
	s10 =	simm.s32 $0x400;
	v17 =	vld [tilespmem:s8+$0x4DE0];
	v10 =	vperm.xlane v1, v18;
	[tilespmem:s8+$0x145F0] =	vst v11;
	v11 =	vperm.xlane v1, v22  }
.LBB2_12:
0x1a5: {  	p0 =	sne.s32 s10, $0x3C00;
	v21 =	vld [tilespmem:s9+$0xC9F0];
	v2 =	vadd.f32 v2, v19;
	v7 =	vmul.f32 v7, v13;
	v13 =	vperm.xlane v0, v18  }
0x1a6: {  	v18 =	vld [tilespmem:s9+$0xC980];
	v3 =	vadd.f32 v3, v20;
	v8 =	vmul.f32 v8, v14  }
0x1a7: {  	v14 =	vld [tilespmem:s9+$0xC990];
	[tilespmem:s8+$0x14580] =	vst v2;
	v2 =	vadd.f32 v4, v7;
	v4 =	vmul.f32 v9, v15  }
0x1a8: {  	v7 =	vld [tilespmem:s9+$0x4DF0];
	[tilespmem:s8+$0x14590] =	vst v3;
	v3 =	vadd.f32 v5, v8;
	v5 =	vmul.f32 v11, v16  }
0x1a9: {  	v8 =	vld [tilespmem:s9+$0xC9A0];
	[tilespmem:s8+$0x145A0] =	vst v2;
	v2 =	vadd.f32 v6, v4;
	v4 =	vmul.f32 v10, v17  }
0x1aa: {  	v6 =	vld [tilespmem:s9+$0xC9B0];
	v9 =	vand.u32 $0xF, v21;
	[tilespmem:s8+$0x145B0] =	vst v3;
	v3 =	vadd.f32 v12, v5  }
0x1ab: {  	v5 =	vand.u32 $0xF, v18;
	v10 =	vld [tilespmem:s9+$0xC9C0];
	v11 =	vperm.xlane v1, v9;
	[tilespmem:s8+$0x145C0] =	vst v2;
	v4 =	vadd.f32 v13, v4  }
0x1ac: {  	v12 =	vperm.xlane v1, v5;
	v2 =	vperm.xlane v0, v5;
	v5 =	vand.u32 $0xF, v14;
	v15 =	vld [tilespmem:s9+$0xC9D0];
	[tilespmem:s8+$0x145D0] =	vst v3  }
0x1ad: {  	v9 =	vperm.xlane v0, v9;
	v16 =	vld [tilespmem:s9+$0xC9E0];
	v11 =	vmul.f32 v11, v7;
	[tilespmem:s8+$0x145E0] =	vst v4;
	s8 =	smov.u32 s9  }
0x1ae: {  	v20 =	vperm.xlane v1, v5;
	v3 =	vperm.xlane v0, v5;
	v17 =	vld [tilespmem:s8+$0x4D80];
	v4 =	vand.u32 $0xF, v8  }
0x1af: {  	v21 =	vld [tilespmem:s8+$0x4D90];
	v7 =	vperm.xlane v1, v4;
	v5 =	vand.u32 $0xF, v6;
	v6 =	vadd.f32 v9, v11  }
.Ltmp5:
0x1b0: {  	v4 =	vperm.xlane v0, v4;
	v13 =	vld [tilespmem:s8+$0x4DA0];
	v8 =	vperm.xlane v1, v5;
	v10 =	vand.u32 $0xF, v10;
	(pc) =	sbr.rel @p0 .LBB2_12-.Ltmp5, $4  }
0x1b1: {  	v5 =	vperm.xlane v0, v5;
	v14 =	vld [tilespmem:s8+$0x4DB0];
	v9 =	vperm.xlane v1, v10;
	v22 =	vand.u32 $0xF, v15;
	[tilespmem:s8+$0x145F0] =	vst v6  }
0x1b2: {  	v6 =	vperm.xlane v0, v10;
	v15 =	vld [tilespmem:s8+$0x4DC0];
	v11 =	vperm.xlane v1, v22;
	v18 =	vand.u32 $0xF, v16  }
0x1b3: {  	v19 =	vmul.f32 v12, v17;
	v16 =	vld [tilespmem:s8+$0x4DD0];
	v10 =	vperm.xlane v1, v18  }
0x1b4: {  	s9 =	sshra.s32 s10, $0x2;
	s10 =	sadd.s32 $0x200, s10;
	v12 =	vperm.xlane v0, v22;
	v20 =	vmul.f32 v20, v21;
	v17 =	vld [tilespmem:s8+$0x4DE0]  }
0x1b5: {  	v21 =	vld [tilespmem:s9+$0xC9F0];
	v2 =	vadd.f32 v2, v19;
	v7 =	vmul.f32 v7, v13  }
0x1b6: {  	v19 =	vld [tilespmem:s9+$0xC980];
	v3 =	vadd.f32 v3, v20;
	v8 =	vmul.f32 v8, v14  }
0x1b7: {  	v22 =	vld [tilespmem:s9+$0xC990];
	[tilespmem:s8+$0x14580] =	vst v2;
	v4 =	vadd.f32 v4, v7;
	v7 =	vmul.f32 v9, v15  }
0x1b8: {  	v2 =	vld [tilespmem:s9+$0x4DF0];
	[tilespmem:s8+$0x14590] =	vst v3;
	v5 =	vadd.f32 v5, v8;
	v8 =	vmul.f32 v11, v16  }
0x1b9: {  	v3 =	vld [tilespmem:s9+$0xC9A0];
	[tilespmem:s8+$0x145A0] =	vst v4;
	v6 =	vadd.f32 v6, v7;
	v7 =	vperm.xlane v0, v18;
	v9 =	vmul.f32 v10, v17  }
0x1ba: {  	v4 =	vld [tilespmem:s9+$0xC9B0];
	[tilespmem:s8+$0x145B0] =	vst v5;
	v8 =	vadd.f32 v12, v8  }
0x1bb: {  	v10 =	vand.u32 $0xF, v21;
	v5 =	vld [tilespmem:s9+$0xC9C0];
	[tilespmem:s8+$0x145C0] =	vst v6;
	v7 =	vadd.f32 v7, v9  }
0x1bc: {  	v13 =	vand.u32 $0xF, v22;
	v6 =	vld [tilespmem:s9+$0xC9D0];
	[tilespmem:s8+$0x145D0] =	vst v8;
	v8 =	vperm.xlane v1, v10  }
0x1bd: {  	v14 =	vperm.xlane v1, v13;
	v9 =	vld [tilespmem:s9+$0xC9E0];
	[tilespmem:s8+$0x145E0] =	vst v7  }
0x1be: {  	v7 =	vand.u32 $0xF, v19;
	v2 =	vmul.f32 v8, v2;
	v8 =	vperm.xlane v0, v10;
	v10 =	vld [tilespmem:s9+$0x4D80]  }
0x1bf: {  	v13 =	vperm.xlane v0, v13;
	v11 =	vperm.xlane v1, v7;
	v12 =	vld [tilespmem:s9+$0x4D90]  }
0x1c0: {  	v7 =	vperm.xlane v0, v7;
	v3 =	vand.u32 $0xF, v3;
	v2 =	vadd.f32 v8, v2;
	v8 =	vld [tilespmem:s9+$0x4DA0]  }
0x1c1: {  	v15 =	vld [tilespmem:s9+$0x4DB0];
	v16 =	vperm.xlane v1, v3;
	v3 =	vperm.xlane v0, v3;
	v5 =	vand.u32 $0xF, v5  }
0x1c2: {  	v17 =	vld [tilespmem:s9+$0x4DC0];
	v4 =	vand.u32 $0xF, v4;
	v18 =	vperm.xlane v1, v5;
	v5 =	vperm.xlane v0, v5  }
0x1c3: {  	[tilespmem:s9+$0x145F0] =	vst v2;
	v2 =	vperm.xlane v1, v4;
	v10 =	vmul.f32 v11, v10;
	v11 =	vld [tilespmem:s9+$0x4DD0]  }
0x1c4: {  	v6 =	vand.u32 $0xF, v6;
	v4 =	vperm.xlane v0, v4;
	v12 =	vmul.f32 v14, v12;
	v14 =	vld [tilespmem:s9+$0x4DE0]  }
0x1c5: {  	v19 =	vperm.xlane v1, v6;
	v7 =	vadd.f32 v7, v10;
	v8 =	vmul.f32 v16, v8  }
0x1c6: {  	v9 =	vand.u32 $0xF, v9;
	v2 =	vmul.f32 v2, v15;
	v10 =	vadd.f32 v13, v12  }
0x1c7: {  	v12 =	vperm.xlane v1, v9;
	[tilespmem:s9+$0x14580] =	vst v7;
	v3 =	vadd.f32 v3, v8;
	v7 =	vmul.f32 v18, v17  }
0x1c8: {  	v6 =	vperm.xlane v0, v6;
	v2 =	vadd.f32 v4, v2;
	[tilespmem:s9+$0x14590] =	vst v10;
	v4 =	vmul.f32 v19, v11  }
0x1c9: {  	v8 =	vperm.xlane v0, v9;
	[tilespmem:s9+$0x145A0] =	vst v3;
	v3 =	vadd.f32 v5, v7;
	v5 =	vmul.f32 v12, v14  }
0x1ca: {  	[tilespmem:s9+$0x145B0] =	vst v2;
	v2 =	vadd.f32 v6, v4  }
0x1cb: {  	[tilespmem:s9+$0x145C0] =	vst v3;
	v3 =	vadd.f32 v8, v5  }
0x1cc: {  	[tilespmem:s9+$0x145D0] =	vst v2  }
0x1cd: {  	s10 =	simm.s32 $0x13600;
	[tilespmem:s9+$0x145E0] =	vst v3;
	s9 =	simm.s32 $0x0  }
0x1ce: {  	[hbm4b:s24+s9] =	stream.linear.scatter [tilespmem:s10], [sflag:$0xA], $0xF80, $0x38;
	[tilespmem:$0x17500] =	vst v63  }
0x1cf: {  	_ =	swait.ge [sflag:s4], $0xF80  }
0x1d0: {  	[sflag:s4] =	ssyncset.done $0x0  }
0x1d1: {  	[sflag:s4] =	ssyncadd.s32 $0xFFFFF080  }
0x1d2: {  	_ =	swait.ge [sflag:s4], $0xF80  }
0x1d3: {  	[sflag:s4] =	ssyncset.done $0x0  }
0x1d4: {  	s8 =	simm.s32 $0x0;
	[sflag:s4] =	ssyncadd.s32 $0xFFFFF080  }
0x1d5: {  	v2 =	vld [tilespmem:s8+$0xD970]  }
0x1d6: {  	v3 =	vld [tilespmem:s8+$0xD900]  }
0x1d7: {  	v4 =	vld [tilespmem:s8+$0xD910]  }
0x1d8: {  	v5 =	vld [tilespmem:s8+$0x5D70]  }
0x1d9: {  	v6 =	vld [tilespmem:s8+$0xD920]  }
0x1da: {  	v9 =	vld [tilespmem:s8+$0xD940]  }
0x1db: {  	v10 =	vld [tilespmem:s8+$0xD950]  }
0x1dc: {  	v17 =	vld [tilespmem:s8+$0x5D00]  }
0x1dd: {  	v21 =	vld [tilespmem:s8+$0x5D10];
	v7 =	vand.u32 $0xF, v2;
	v2 =	vand.u32 $0xF, v3  }
0x1de: {  	v8 =	vld [tilespmem:s8+$0xD930];
	v4 =	vand.u32 $0xF, v4;
	v3 =	vperm.xlane v1, v7;
	v12 =	vperm.xlane v1, v2  }
0x1df: {  	v18 =	vand.u32 $0xF, v9;
	v2 =	vperm.xlane v0, v2;
	v11 =	vperm.xlane v0, v7  }
0x1e0: {  	v16 =	vld [tilespmem:s8+$0xD960];
	v20 =	vperm.xlane v1, v4;
	v9 =	vperm.xlane v1, v18  }
0x1e1: {  	v22 =	vand.u32 $0xF, v10;
	v5 =	vmul.f32 v3, v5;
	v3 =	vperm.xlane v0, v4  }
0x1e2: {  	v13 =	vld [tilespmem:s8+$0x5D20];
	v4 =	vand.u32 $0xF, v6;
	v19 =	vmul.f32 v12, v17;
	v20 =	vmul.f32 v20, v21  }
0x1e3: {  	v14 =	vld [tilespmem:s8+$0x5D30];
	v6 =	vand.u32 $0xF, v8;
	v12 =	vperm.xlane v0, v22;
	v7 =	vperm.xlane v1, v4  }
0x1e4: {  	v15 =	vld [tilespmem:s8+$0x5D40];
	v4 =	vperm.xlane v0, v4;
	v8 =	vperm.xlane v1, v6;
	v11 =	vadd.f32 v11, v5  }
0x1e5: {  	v5 =	vperm.xlane v0, v6;
	v6 =	vperm.xlane v0, v18;
	v18 =	vand.u32 $0xF, v16;
	v16 =	vld [tilespmem:s8+$0x5D50]  }
0x1e6: {  	s9 =	simm.s32 $0x80;
	s10 =	simm.s32 $0x400;
	v17 =	vld [tilespmem:s8+$0x5D60];
	v10 =	vperm.xlane v1, v18;
	[tilespmem:s8+$0x15570] =	vst v11;
	v11 =	vperm.xlane v1, v22  }
.LBB2_14:
0x1e7: {  	p0 =	sne.s32 s10, $0x3C00;
	v21 =	vld [tilespmem:s9+$0xD970];
	v2 =	vadd.f32 v2, v19;
	v7 =	vmul.f32 v7, v13;
	v13 =	vperm.xlane v0, v18  }
0x1e8: {  	v18 =	vld [tilespmem:s9+$0xD900];
	v3 =	vadd.f32 v3, v20;
	v8 =	vmul.f32 v8, v14  }
0x1e9: {  	v14 =	vld [tilespmem:s9+$0xD910];
	[tilespmem:s8+$0x15500] =	vst v2;
	v2 =	vadd.f32 v4, v7;
	v4 =	vmul.f32 v9, v15  }
0x1ea: {  	v7 =	vld [tilespmem:s9+$0x5D70];
	[tilespmem:s8+$0x15510] =	vst v3;
	v3 =	vadd.f32 v5, v8;
	v5 =	vmul.f32 v11, v16  }
0x1eb: {  	v8 =	vld [tilespmem:s9+$0xD920];
	[tilespmem:s8+$0x15520] =	vst v2;
	v2 =	vadd.f32 v6, v4;
	v4 =	vmul.f32 v10, v17  }
0x1ec: {  	v6 =	vld [tilespmem:s9+$0xD930];
	v9 =	vand.u32 $0xF, v21;
	[tilespmem:s8+$0x15530] =	vst v3;
	v3 =	vadd.f32 v12, v5  }
0x1ed: {  	v5 =	vand.u32 $0xF, v18;
	v10 =	vld [tilespmem:s9+$0xD940];
	v11 =	vperm.xlane v1, v9;
	[tilespmem:s8+$0x15540] =	vst v2;
	v4 =	vadd.f32 v13, v4  }
0x1ee: {  	v12 =	vperm.xlane v1, v5;
	v2 =	vperm.xlane v0, v5;
	v5 =	vand.u32 $0xF, v14;
	v15 =	vld [tilespmem:s9+$0xD950];
	[tilespmem:s8+$0x15550] =	vst v3  }
0x1ef: {  	v9 =	vperm.xlane v0, v9;
	v16 =	vld [tilespmem:s9+$0xD960];
	v11 =	vmul.f32 v11, v7;
	[tilespmem:s8+$0x15560] =	vst v4;
	s8 =	smov.u32 s9  }
0x1f0: {  	v20 =	vperm.xlane v1, v5;
	v3 =	vperm.xlane v0, v5;
	v17 =	vld [tilespmem:s8+$0x5D00];
	v4 =	vand.u32 $0xF, v8  }
0x1f1: {  	v21 =	vld [tilespmem:s8+$0x5D10];
	v7 =	vperm.xlane v1, v4;
	v5 =	vand.u32 $0xF, v6;
	v6 =	vadd.f32 v9, v11  }
.Ltmp6:
0x1f2: {  	v4 =	vperm.xlane v0, v4;
	v13 =	vld [tilespmem:s8+$0x5D20];
	v8 =	vperm.xlane v1, v5;
	v10 =	vand.u32 $0xF, v10;
	(pc) =	sbr.rel @p0 .LBB2_14-.Ltmp6, $4  }
0x1f3: {  	v5 =	vperm.xlane v0, v5;
	v14 =	vld [tilespmem:s8+$0x5D30];
	v9 =	vperm.xlane v1, v10;
	v22 =	vand.u32 $0xF, v15;
	[tilespmem:s8+$0x15570] =	vst v6  }
0x1f4: {  	v6 =	vperm.xlane v0, v10;
	v15 =	vld [tilespmem:s8+$0x5D40];
	v11 =	vperm.xlane v1, v22;
	v18 =	vand.u32 $0xF, v16  }
0x1f5: {  	v19 =	vmul.f32 v12, v17;
	v16 =	vld [tilespmem:s8+$0x5D50];
	v10 =	vperm.xlane v1, v18  }
0x1f6: {  	s9 =	sshra.s32 s10, $0x2;
	s10 =	sadd.s32 $0x200, s10;
	v12 =	vperm.xlane v0, v22;
	v20 =	vmul.f32 v20, v21;
	v17 =	vld [tilespmem:s8+$0x5D60]  }
0x1f7: {  	v21 =	vld [tilespmem:s9+$0xD970];
	v2 =	vadd.f32 v2, v19;
	v7 =	vmul.f32 v7, v13  }
0x1f8: {  	v19 =	vld [tilespmem:s9+$0xD900];
	v3 =	vadd.f32 v3, v20;
	v8 =	vmul.f32 v8, v14  }
0x1f9: {  	v22 =	vld [tilespmem:s9+$0xD910];
	[tilespmem:s8+$0x15500] =	vst v2;
	v4 =	vadd.f32 v4, v7;
	v7 =	vmul.f32 v9, v15  }
0x1fa: {  	v2 =	vld [tilespmem:s9+$0x5D70];
	[tilespmem:s8+$0x15510] =	vst v3;
	v5 =	vadd.f32 v5, v8;
	v8 =	vmul.f32 v11, v16  }
0x1fb: {  	v3 =	vld [tilespmem:s9+$0xD920];
	[tilespmem:s8+$0x15520] =	vst v4;
	v6 =	vadd.f32 v6, v7;
	v7 =	vperm.xlane v0, v18;
	v9 =	vmul.f32 v10, v17  }
0x1fc: {  	v4 =	vld [tilespmem:s9+$0xD930];
	[tilespmem:s8+$0x15530] =	vst v5;
	v8 =	vadd.f32 v12, v8  }
0x1fd: {  	v10 =	vand.u32 $0xF, v21;
	v5 =	vld [tilespmem:s9+$0xD940];
	[tilespmem:s8+$0x15540] =	vst v6;
	v7 =	vadd.f32 v7, v9  }
0x1fe: {  	v13 =	vand.u32 $0xF, v22;
	v6 =	vld [tilespmem:s9+$0xD950];
	[tilespmem:s8+$0x15550] =	vst v8;
	v8 =	vperm.xlane v1, v10  }
0x1ff: {  	v14 =	vperm.xlane v1, v13;
	v9 =	vld [tilespmem:s9+$0xD960];
	[tilespmem:s8+$0x15560] =	vst v7  }
0x200: {  	v7 =	vand.u32 $0xF, v19;
	v2 =	vmul.f32 v8, v2;
	v8 =	vperm.xlane v0, v10;
	v10 =	vld [tilespmem:s9+$0x5D00]  }
0x201: {  	v13 =	vperm.xlane v0, v13;
	v11 =	vperm.xlane v1, v7;
	v12 =	vld [tilespmem:s9+$0x5D10]  }
0x202: {  	v7 =	vperm.xlane v0, v7;
	v3 =	vand.u32 $0xF, v3;
	v2 =	vadd.f32 v8, v2;
	v8 =	vld [tilespmem:s9+$0x5D20]  }
0x203: {  	v15 =	vld [tilespmem:s9+$0x5D30];
	v16 =	vperm.xlane v1, v3;
	v3 =	vperm.xlane v0, v3;
	v5 =	vand.u32 $0xF, v5  }
0x204: {  	v17 =	vld [tilespmem:s9+$0x5D40];
	v4 =	vand.u32 $0xF, v4;
	v18 =	vperm.xlane v1, v5;
	v5 =	vperm.xlane v0, v5  }
0x205: {  	[tilespmem:s9+$0x15570] =	vst v2;
	v2 =	vperm.xlane v1, v4;
	v10 =	vmul.f32 v11, v10;
	v11 =	vld [tilespmem:s9+$0x5D50]  }
0x206: {  	v6 =	vand.u32 $0xF, v6;
	v4 =	vperm.xlane v0, v4;
	v12 =	vmul.f32 v14, v12;
	v14 =	vld [tilespmem:s9+$0x5D60]  }
0x207: {  	v19 =	vperm.xlane v1, v6;
	v7 =	vadd.f32 v7, v10;
	v8 =	vmul.f32 v16, v8  }
0x208: {  	v9 =	vand.u32 $0xF, v9;
	v2 =	vmul.f32 v2, v15;
	v10 =	vadd.f32 v13, v12  }
0x209: {  	v12 =	vperm.xlane v1, v9;
	[tilespmem:s9+$0x15500] =	vst v7;
	v3 =	vadd.f32 v3, v8;
	v7 =	vmul.f32 v18, v17  }
0x20a: {  	v6 =	vperm.xlane v0, v6;
	v2 =	vadd.f32 v4, v2;
	[tilespmem:s9+$0x15510] =	vst v10;
	v4 =	vmul.f32 v19, v11  }
0x20b: {  	v8 =	vperm.xlane v0, v9;
	[tilespmem:s9+$0x15520] =	vst v3;
	v3 =	vadd.f32 v5, v7;
	v5 =	vmul.f32 v12, v14  }
0x20c: {  	[tilespmem:s9+$0x15530] =	vst v2;
	v2 =	vadd.f32 v6, v4  }
0x20d: {  	[tilespmem:s9+$0x15540] =	vst v3;
	v3 =	vadd.f32 v8, v5  }
0x20e: {  	[tilespmem:s9+$0x15550] =	vst v2  }
0x20f: {  	s10 =	simm.s32 $0x14580;
	[tilespmem:s9+$0x15560] =	vst v3;
	s9 =	simm.s32 $0x0  }
0x210: {  	[hbm4b:s26+s9] =	stream.linear.scatter [tilespmem:s10], [sflag:$0xA], $0xF80, $0x38;
	[tilespmem:$0x17500] =	vst v63  }
0x211: {  	_ =	swait.ge [sflag:s5], $0xF80  }
0x212: {  	[sflag:s5] =	ssyncset.done $0x0  }
0x213: {  	[sflag:s5] =	ssyncadd.s32 $0xFFFFF080  }
0x214: {  	_ =	swait.ge [sflag:s5], $0xF80  }
0x215: {  	[sflag:s5] =	ssyncset.done $0x0  }
0x216: {  	s8 =	simm.s32 $0x0;
	[sflag:s5] =	ssyncadd.s32 $0xFFFFF080  }
0x217: {  	v2 =	vld [tilespmem:s8+$0xE8F0]  }
0x218: {  	v3 =	vld [tilespmem:s8+$0xE880]  }
0x219: {  	v4 =	vld [tilespmem:s8+$0xE890]  }
0x21a: {  	v5 =	vld [tilespmem:s8+$0x6CF0]  }
0x21b: {  	v6 =	vld [tilespmem:s8+$0xE8A0]  }
0x21c: {  	v9 =	vld [tilespmem:s8+$0xE8C0]  }
0x21d: {  	v10 =	vld [tilespmem:s8+$0xE8D0]  }
0x21e: {  	v17 =	vld [tilespmem:s8+$0x6C80]  }
0x21f: {  	v21 =	vld [tilespmem:s8+$0x6C90];
	v7 =	vand.u32 $0xF, v2;
	v2 =	vand.u32 $0xF, v3  }
0x220: {  	v8 =	vld [tilespmem:s8+$0xE8B0];
	v4 =	vand.u32 $0xF, v4;
	v3 =	vperm.xlane v1, v7;
	v12 =	vperm.xlane v1, v2  }
0x221: {  	v18 =	vand.u32 $0xF, v9;
	v2 =	vperm.xlane v0, v2;
	v11 =	vperm.xlane v0, v7  }
0x222: {  	v16 =	vld [tilespmem:s8+$0xE8E0];
	v20 =	vperm.xlane v1, v4;
	v9 =	vperm.xlane v1, v18  }
0x223: {  	v22 =	vand.u32 $0xF, v10;
	v5 =	vmul.f32 v3, v5;
	v3 =	vperm.xlane v0, v4  }
0x224: {  	v13 =	vld [tilespmem:s8+$0x6CA0];
	v4 =	vand.u32 $0xF, v6;
	v19 =	vmul.f32 v12, v17;
	v20 =	vmul.f32 v20, v21  }
0x225: {  	v14 =	vld [tilespmem:s8+$0x6CB0];
	v6 =	vand.u32 $0xF, v8;
	v12 =	vperm.xlane v0, v22;
	v7 =	vperm.xlane v1, v4  }
0x226: {  	v15 =	vld [tilespmem:s8+$0x6CC0];
	v4 =	vperm.xlane v0, v4;
	v8 =	vperm.xlane v1, v6;
	v11 =	vadd.f32 v11, v5  }
0x227: {  	v5 =	vperm.xlane v0, v6;
	v6 =	vperm.xlane v0, v18;
	v18 =	vand.u32 $0xF, v16;
	v16 =	vld [tilespmem:s8+$0x6CD0]  }
0x228: {  	s9 =	simm.s32 $0x80;
	s10 =	simm.s32 $0x400;
	v17 =	vld [tilespmem:s8+$0x6CE0];
	v10 =	vperm.xlane v1, v18;
	[tilespmem:s8+$0x164F0] =	vst v11;
	v11 =	vperm.xlane v1, v22  }
.LBB2_16:
0x229: {  	p0 =	sne.s32 s10, $0x3C00;
	v21 =	vld [tilespmem:s9+$0xE8F0];
	v2 =	vadd.f32 v2, v19;
	v7 =	vmul.f32 v7, v13;
	v13 =	vperm.xlane v0, v18  }
0x22a: {  	v18 =	vld [tilespmem:s9+$0xE880];
	v3 =	vadd.f32 v3, v20;
	v8 =	vmul.f32 v8, v14  }
0x22b: {  	v14 =	vld [tilespmem:s9+$0xE890];
	[tilespmem:s8+$0x16480] =	vst v2;
	v2 =	vadd.f32 v4, v7;
	v4 =	vmul.f32 v9, v15  }
0x22c: {  	v7 =	vld [tilespmem:s9+$0x6CF0];
	[tilespmem:s8+$0x16490] =	vst v3;
	v3 =	vadd.f32 v5, v8;
	v5 =	vmul.f32 v11, v16  }
0x22d: {  	v8 =	vld [tilespmem:s9+$0xE8A0];
	[tilespmem:s8+$0x164A0] =	vst v2;
	v2 =	vadd.f32 v6, v4;
	v4 =	vmul.f32 v10, v17  }
0x22e: {  	v6 =	vld [tilespmem:s9+$0xE8B0];
	v9 =	vand.u32 $0xF, v21;
	[tilespmem:s8+$0x164B0] =	vst v3;
	v3 =	vadd.f32 v12, v5  }
0x22f: {  	v5 =	vand.u32 $0xF, v18;
	v10 =	vld [tilespmem:s9+$0xE8C0];
	v11 =	vperm.xlane v1, v9;
	[tilespmem:s8+$0x164C0] =	vst v2;
	v4 =	vadd.f32 v13, v4  }
0x230: {  	v12 =	vperm.xlane v1, v5;
	v2 =	vperm.xlane v0, v5;
	v5 =	vand.u32 $0xF, v14;
	v15 =	vld [tilespmem:s9+$0xE8D0];
	[tilespmem:s8+$0x164D0] =	vst v3  }
0x231: {  	v9 =	vperm.xlane v0, v9;
	v16 =	vld [tilespmem:s9+$0xE8E0];
	v11 =	vmul.f32 v11, v7;
	[tilespmem:s8+$0x164E0] =	vst v4;
	s8 =	smov.u32 s9  }
0x232: {  	v20 =	vperm.xlane v1, v5;
	v3 =	vperm.xlane v0, v5;
	v17 =	vld [tilespmem:s8+$0x6C80];
	v4 =	vand.u32 $0xF, v8  }
0x233: {  	v21 =	vld [tilespmem:s8+$0x6C90];
	v7 =	vperm.xlane v1, v4;
	v5 =	vand.u32 $0xF, v6;
	v6 =	vadd.f32 v9, v11  }
.Ltmp7:
0x234: {  	v4 =	vperm.xlane v0, v4;
	v13 =	vld [tilespmem:s8+$0x6CA0];
	v8 =	vperm.xlane v1, v5;
	v10 =	vand.u32 $0xF, v10;
	(pc) =	sbr.rel @p0 .LBB2_16-.Ltmp7, $4  }
0x235: {  	v5 =	vperm.xlane v0, v5;
	v14 =	vld [tilespmem:s8+$0x6CB0];
	v9 =	vperm.xlane v1, v10;
	v22 =	vand.u32 $0xF, v15;
	[tilespmem:s8+$0x164F0] =	vst v6  }
0x236: {  	v6 =	vperm.xlane v0, v10;
	v15 =	vld [tilespmem:s8+$0x6CC0];
	v11 =	vperm.xlane v1, v22;
	v18 =	vand.u32 $0xF, v16  }
0x237: {  	v19 =	vmul.f32 v12, v17;
	v16 =	vld [tilespmem:s8+$0x6CD0];
	v10 =	vperm.xlane v1, v18  }
0x238: {  	s9 =	sshra.s32 s10, $0x2;
	s10 =	sadd.s32 $0x200, s10;
	v12 =	vperm.xlane v0, v22;
	v20 =	vmul.f32 v20, v21;
	v17 =	vld [tilespmem:s8+$0x6CE0]  }
0x239: {  	v21 =	vld [tilespmem:s9+$0xE8F0];
	v2 =	vadd.f32 v2, v19;
	v7 =	vmul.f32 v7, v13  }
0x23a: {  	v33 =	vld [tilespmem:s9+$0xE880];
	v3 =	vadd.f32 v3, v20;
	v8 =	vmul.f32 v8, v14  }
0x23b: {  	v22 =	vld [tilespmem:s9+$0xE890];
	[tilespmem:s8+$0x16480] =	vst v2;
	v4 =	vadd.f32 v4, v7;
	v34 =	vmul.f32 v9, v15  }
0x23c: {  	v2 =	vld [tilespmem:s9+$0x6CF0];
	[tilespmem:s8+$0x16490] =	vst v3;
	v5 =	vadd.f32 v5, v8;
	v35 =	vmul.f32 v11, v16  }
0x23d: {  	v36 =	vperm.xlane v0, v18;
	v3 =	vld [tilespmem:s9+$0xE8A0];
	[tilespmem:s8+$0x164A0] =	vst v4;
	v6 =	vadd.f32 v6, v34;
	v37 =	vmul.f32 v10, v17  }
0x23e: {  	v4 =	vld [tilespmem:s9+$0xE8B0];
	[tilespmem:s8+$0x164B0] =	vst v5;
	v8 =	vadd.f32 v12, v35  }
0x23f: {  	v5 =	vld [tilespmem:s9+$0xE8C0];
	[tilespmem:s8+$0x164C0] =	vst v6;
	v7 =	vadd.f32 v36, v37  }
0x240: {  	v38 =	vand.u32 $0xF, v21;
	v6 =	vld [tilespmem:s9+$0xE8D0];
	[tilespmem:s8+$0x164D0] =	vst v8  }
0x241: {  	v41 =	vand.u32 $0xF, v33;
	v39 =	vperm.xlane v1, v38;
	v40 =	vld [tilespmem:s9+$0xE8E0];
	[tilespmem:s8+$0x164E0] =	vst v7  }
0x242: {  	v46 =	vand.u32 $0xF, v22;
	v42 =	vperm.xlane v0, v38;
	v44 =	vperm.xlane v1, v41;
	v43 =	vld [tilespmem:s9+$0x6C80]  }
0x243: {  	v48 =	vperm.xlane v1, v46;
	v13 =	vperm.xlane v0, v46;
	v45 =	vld [tilespmem:s9+$0x6C90]  }
0x244: {  	v2 =	vmul.f32 v39, v2;
	v7 =	vperm.xlane v0, v41;
	v47 =	vld [tilespmem:s9+$0x6CA0];
	v3 =	vand.u32 $0xF, v3  }
0x245: {  	v49 =	vld [tilespmem:s9+$0x6CB0];
	v50 =	vperm.xlane v1, v3;
	v4 =	vand.u32 $0xF, v4;
	v3 =	vperm.xlane v0, v3  }
0x246: {  	v52 =	vld [tilespmem:s9+$0x6CC0];
	v51 =	vperm.xlane v1, v4;
	v5 =	vand.u32 $0xF, v5;
	v4 =	vperm.xlane v0, v4  }
0x247: {  	v54 =	vld [tilespmem:s9+$0x6CD0];
	v2 =	vadd.f32 v42, v2;
	v53 =	vperm.xlane v1, v5;
	v10 =	vmul.f32 v44, v43  }
0x248: {  	v55 =	vld [tilespmem:s9+$0x6CE0];
	v6 =	vand.u32 $0xF, v6;
	v5 =	vperm.xlane v0, v5;
	v12 =	vmul.f32 v48, v45  }
0x249: {  	v56 =	vperm.xlane v1, v6;
	v8 =	vmul.f32 v50, v47;
	v7 =	vadd.f32 v7, v10  }
0x24a: {  	[tilespmem:s9+$0x164F0] =	vst v2;
	v9 =	vand.u32 $0xF, v40;
	v2 =	vmul.f32 v51, v49;
	v57 =	vadd.f32 v13, v12  }
0x24b: {  	v58 =	vperm.xlane v1, v9;
	v59 =	vmul.f32 v53, v52;
	v3 =	vadd.f32 v3, v8;
	[tilespmem:s9+$0x16480] =	vst v7  }
0x24c: {  	v6 =	vperm.xlane v0, v6;
	v60 =	vmul.f32 v56, v54;
	v2 =	vadd.f32 v4, v2;
	[tilespmem:s9+$0x16490] =	vst v57  }
0x24d: {  	v61 =	vperm.xlane v0, v9;
	v62 =	vadd.f32 v5, v59;
	v1 =	vmul.f32 v58, v55;
	[tilespmem:s9+$0x164A0] =	vst v3  }
0x24e: {  	v63 =	vadd.f32 v6, v60;
	[tilespmem:s9+$0x164B0] =	vst v2  }
0x24f: {  	[tilespmem:s9+$0x164C0] =	vst v62;
	v0 =	vadd.f32 v61, v1  }
0x250: {  	[tilespmem:s9+$0x164D0] =	vst v63  }
0x251: {  	[tilespmem:s9+$0x164E0] =	vst v0;
	s9 =	simm.s32 $0x15500  }
0x252: {  	[hbm4b:s28+s1] =	stream.linear.scatter [tilespmem:s9], [sflag:$0xA], $0xF80, $0x38;
	[tilespmem:$0x17500] =	vst v63  }
0x253: {  	s10 =	simm.s32 $0x16480;
	[bflag:$0x0] =	sbarrier.arrive $0xFFFF  }
0x254: {  	[hbm4b:s29+s1] =	stream.linear.scatter [tilespmem:s10], [sflag:$0xA], $0xF80, $0x38;
	[tilespmem:$0x17500] =	vst v63  }
0x255: {  	_ =	swait.ge [sflag:s6], $0xF80  }
0x256: {  	[sflag:s6] =	ssyncset.done $0x0  }
0x257: {  	[sflag:s6] =	ssyncadd.s32 $0xFFFFF080  }
0x258: {  	_ =	swait.ge [sflag:s6], $0xF80  }
0x259: {  	[sflag:s6] =	ssyncset.done $0x0  }
0x25a: {  	[sflag:s6] =	ssyncadd.s32 $0xFFFFF080  }
0x25b: {  	_ =	swait.ge [sflag:s6], $0xF80  }
0x25c: {  	[sflag:s6] =	ssyncset.done $0x0  }
0x25d: {  	[sflag:s6] =	ssyncadd.s32 $0xFFFFF080  }
0x25e: {  	_ =	swait.ge [sflag:s6], $0xF80  }
0x25f: {  	[sflag:s6] =	ssyncset.done $0x0  }
0x260: {  	[sflag:s6] =	ssyncadd.s32 $0xFFFFF080  }
0x261: {  	_ =	swait.ge [sflag:s6], $0xF80  }
0x262: {  	[sflag:s6] =	ssyncset.done $0x0  }
0x263: {  	[sflag:s6] =	ssyncadd.s32 $0xFFFFF080  }
0x264: {  	_ =	swait.ge [sflag:s6], $0xF80  }
0x265: {  	[sflag:s6] =	ssyncset.done $0x0  }
0x266: {  	s7 =	sadd.s32 $0x1, s7;
	[sflag:s6] =	ssyncadd.s32 $0xFFFFF080  }
0x267: {  	p0 =	sne.s32 s7, s30;
	_ =	swait.ge [sflag:s6], $0xF80  }
.Ltmp8:
0x268: {  	[sflag:s6] =	ssyncset.done $0x0;
	(pc) =	sbr.rel @p0 .LBB2_1-.Ltmp8, $4  }
0x269: {  	[sflag:s6] =	ssyncadd.s32 $0xFFFFF080  }
0x26a: {  	_ =	swait.ge [sflag:s6], $0xF80  }
0x26b: {  	[sflag:s6] =	ssyncset.done $0x0  }
0x26c: {  	[sflag:s6] =	ssyncadd.s32 $0xFFFFF080  }
0x26d: {  	_ =	sfence.sel $0x180000  }
0x26e: {  	[bflag:$0x0] =	sbarrier.arrive $0xFFFF  }
0x26f: {  	_ =	strace $0x90000047  }
0x270: {  	s0 =	stileid.u32;
	[bflag:$0x2] =	sbarrier.arrive $0xFFFF  }
0x271: {  	p0 =	sne.s32 s0, $0x0;
	s0 =	rddreg [dreg:$0x5]  }
0x272: {  	s0 =	sadd.s32 @!p0 $0x100000, s0  }
0x273: {  	[sflag:s0] =	ssyncadd.tile.s32 @!p0 $0x1;
	_ =	shalt  }
.Lfunc_end2:
_tile_overlayer_lowered:
.L_overlay_start_2:
0x274: {  	(tag) =	ssettag $0x2  }
0x275: {  	s0 =	rddreg [dreg:$0x0];
	s2 =	stileid.u32  }
0x276: {  	s1 =	rddreg [dreg:$0x1];
	p0 =	sne.s32 s2, $0x0  }
0x277: {  	s3 =	rddreg [dreg:$0x2];
	[bflag:$0x3] =	sbarrier.arrive $0xFFFF;
	s2 =	simm.s32 @!p0 $0x1C0B  }
0x278: {  	[timem:s3], [sflag:s2] =	dma.local @!p0 [hbm:s0], s1  }
0x279: {  	s0 =	simm.s32 @!p0 $0xB  }
0x27a: {  	_ =	swait.ge @!p0 [sflag:s0], s1  }
0x27b: {  	s1 =	ssub.s32 @!p0 $0x0, s1;
	[sflag:s0] =	ssyncset.done @!p0 $0x0  }
0x27c: {  	[sflag:s0] =	ssyncadd.s32 @!p0 s1  }
0x27d: {  	[bflag:$0x3] =	sbarrier.arrive $0xFFFF  }
0x27e: {  	_ =	shalt  }

</sc_bundles>
